<compile_context>
chip_gen: v7x
topology: tpu7x:2x2x1
jax: 0.10.2.dev20260603
libtpu: 0.0.44.dev20260713+nightly
codegen_flags: <defaults>
</compile_context>

<pallas_src>
import functools

import jax
import jax.numpy as jnp
from jax import lax
from jax.experimental import pallas as pl
from jax.experimental.pallas import tpu as pltpu
from jax.experimental.pallas import tpu_sc as plsc

DD = 2.5
GAMMA = 0.005
NSEG = 16

B = 4
CH = 32
NPIX = 512 * 512

NC = 2
NS = 16
L = 16
NW = NC * NS
WPB = NW // B
PPW = NPIX // WPB
CHUNK = 1024
NCHUNK = PPW // CHUNK
NSTAT = CH + 2


def _sc_body(feat_hbm, lab_hbm, out_hbm, feat_v, lab_v, acc_v,
             semf0, semf1, seml0, seml1):
    cid = lax.axis_index("c")
    sid = lax.axis_index("s")
    wid = sid * NC + cid
    b = wid // WPB
    part = wid % WPB
    pbase = part * PPW

    semf = (semf0, semf1)
    seml = (seml0, seml1)

    for j in range(NSTAT):
        acc_v[pl.ds(j * L, L)] = jnp.zeros((L,), jnp.float32)

    def start(g, k):
        off = pbase + g * CHUNK
        pltpu.make_async_copy(
            feat_hbm.at[b, :, pl.ds(off, CHUNK)], feat_v.at[k], semf[k]).start()
        pltpu.make_async_copy(
            lab_hbm.at[b, pl.ds(off, CHUNK)], lab_v.at[k], seml[k]).start()

    def wait(k):
        pltpu.make_async_copy(
            feat_hbm.at[b, :, pl.ds(pbase, CHUNK)], feat_v.at[k], semf[k]).wait()
        pltpu.make_async_copy(
            lab_hbm.at[b, pl.ds(pbase, CHUNK)], lab_v.at[k], seml[k]).wait()

    def compute(k):
        @plsc.parallel_loop(0, CHUNK // L, step=1, unroll=2)
        def group(i):
            base16 = i * L
            lab = lab_v[k, pl.ds(base16, L)]
            fs = [feat_v[k, c, pl.ds(base16, L)] for c in range(CH)]
            sq = [f * f for f in fs]
            while len(sq) > 1:
                sq = [sq[j] + sq[j + 1] for j in range(0, len(sq) - 1, 2)] + (
                    [sq[-1]] if len(sq) % 2 else [])
            for c in range(CH):
                plsc.addupdate_scatter(
                    acc_v.at[pl.ds(c * NSEG, NSEG)], [lab], fs[c])
            plsc.addupdate_scatter(
                acc_v.at[pl.ds(CH * NSEG, NSEG)], [lab], sq[0])
            plsc.addupdate_scatter(
                acc_v.at[pl.ds((CH + 1) * NSEG, NSEG)], [lab],
                jnp.ones((L,), jnp.float32))

    start(0, 0)

    def outer(h, carry):
        for k in range(2):
            g = h * 2 + k

            @pl.when(g + 1 < NCHUNK)
            def _():
                start(g + 1, 1 - k)

            wait(k)
            compute(k)
        return carry

    lax.fori_loop(0, NCHUNK // 2, outer, 0)

    pltpu.sync_copy(acc_v, out_hbm.at[b, part])


@functools.partial(jax.jit, static_argnums=())
def _sc_stats(feat, lab):
    mesh = plsc.VectorSubcoreMesh(core_axis_name="c", subcore_axis_name="s")
    fn = functools.partial(
        pl.kernel,
        mesh=mesh,
        compiler_params=pltpu.CompilerParams(needs_layout_passes=False),
        out_type=jax.ShapeDtypeStruct((B, WPB, NSTAT * NSEG), jnp.float32),
        scratch_types=[
            pltpu.VMEM((2, CH, CHUNK), jnp.float32),
            pltpu.VMEM((2, CHUNK), jnp.int32),
            pltpu.VMEM((NSTAT * NSEG,), jnp.float32),
            pltpu.SemaphoreType.DMA,
            pltpu.SemaphoreType.DMA,
            pltpu.SemaphoreType.DMA,
            pltpu.SemaphoreType.DMA,
        ],
    )(_sc_body)
    return fn(feat, lab)


def _colb(row):
    ones = jnp.ones((1, NSEG), jnp.float32)
    return lax.dot_general(row, ones, (((0,), (0,)), ((), ())),
                           preferred_element_type=jnp.float32)


def _fin_kernel(p_ref, out_ref):
    bidx = pl.program_id(0)

    stats = p_ref[0, 0]
    for i in range(1, WPB):
        stats = stats + p_ref[0, i]

    sums = stats[0:CH, :]
    sumsq = stats[CH:CH + 1, :]
    counts = stats[CH + 1:CH + 2, :]

    safe = jnp.maximum(counts, 1.0)
    means = sums / safe
    msq = jnp.sum(means * means, axis=0, keepdims=True)
    seg_var = (sumsq - counts * msq) / safe

    seg_ids = lax.broadcasted_iota(jnp.int32, (1, NSEG), 1)
    valid = (seg_ids != 0) & (counts > 0.0)
    validf = valid.astype(jnp.float32)

    var_loss = jnp.sum(jnp.where(valid, seg_var, 0.0))
    ncl = jnp.sum(validf)

    g = lax.dot_general(means, means, (((0,), (0,)), ((), ())),
                        preferred_element_type=jnp.float32)
    sq = _colb(msq) + jnp.broadcast_to(msq, (NSEG, NSEG)) - 2.0 * g
    safe_sq = jnp.where(sq > 1e-12, sq, 1e-12)
    dist = jnp.sqrt(safe_sq)

    ii = lax.broadcasted_iota(jnp.int32, (NSEG, NSEG), 0)
    jj = lax.broadcasted_iota(jnp.int32, (NSEG, NSEG), 1)
    pair_mask = ((_colb(validf) > 0.5)
                 & (jnp.broadcast_to(validf, (NSEG, NSEG)) > 0.5)
                 & (ii < jj))
    hinge = jnp.where((dist < 2.0 * DD) & pair_mask, (2.0 * DD - dist) ** 2, 0.0)
    denom = jnp.maximum(ncl - 1.0, 1.0)
    dist_loss = jnp.where(ncl > 1.0, jnp.sum(hinge) / denom, 0.0)

    safe_msq = jnp.where(msq > 1e-12, msq, 1e-12)
    mnorm = jnp.sqrt(safe_msq)
    reg_loss = jnp.sum(jnp.where(valid, mnorm, 0.0))

    total = (var_loss + dist_loss + GAMMA * reg_loss) / jnp.maximum(ncl, 1.0)

    @pl.when(bidx == 0)
    def _():
        out_ref[0, 0] = 0.0

    out_ref[0, 0] += total / (B + 1.0)


def _finish(partials):
    return pl.pallas_call(
        _fin_kernel,
        grid=(B,),
        in_specs=[pl.BlockSpec((1, WPB, NSTAT, NSEG), lambda b: (b, 0, 0, 0))],
        out_specs=pl.BlockSpec(memory_space=pltpu.SMEM),
        out_shape=jax.ShapeDtypeStruct((1, 1), jnp.float32),
    )(partials)


def kernel(features_batch, labels_batch):
    feat = features_batch.reshape(B, CH, NPIX)
    lab = labels_batch.reshape(B, NPIX).astype(jnp.int32)
    partials = _sc_stats(feat, lab).reshape(B, WPB, NSTAT, NSEG)
    out = _finish(partials)
    return out[0, 0]

# --- scband reference (transcript-rebuilt; emitter-appended) ---
"""Pipeline reference for scband-costume-loss-69947837383475 (READ-ONLY COPY).

The authoritative reference and input builder live on the scoring server;
editing this copy changes nothing except your own understanding.
"""

import jax, jax.numpy as jnp
import numpy as np

dd = 2.5
gamma = 0.005
NUM_SEG = 16


def setup_inputs(seed: int = 0) -> dict:
    key = jax.random.key(seed)
    k1, k2 = jax.random.split(key)
    features_batch = jax.random.normal(k1, (4, 32, 512, 512), dtype=jnp.float32)
    labels_batch = jax.random.randint(k2, (4, 512, 512), 0, NUM_SEG, dtype=jnp.int32)
    return {"features_batch": features_batch, "labels_batch": labels_batch}


def _contrastive_loss(features, label):
    # features: [d, H, W], label: [H, W] int (instance ids, 0 = background)
    d = features.shape[0]
    feats = jnp.transpose(features, (1, 2, 0)).reshape(-1, d)
    lab = label.reshape(-1).astype(jnp.int32)
    counts = jnp.bincount(lab, length=NUM_SEG).astype(feats.dtype)
    sums = jax.ops.segment_sum(feats, lab, num_segments=NUM_SEG)
    safe_counts = jnp.maximum(counts, 1.0)
    means = sums / safe_counts[:, None]
    # variance (pull) term: sum ||v - mean||^2 / size, per instance
    diffs = feats - means[lab]
    d2 = jnp.sum(diffs ** 2, axis=1)
    seg_var = jax.ops.segment_sum(d2, lab, num_segments=NUM_SEG) / safe_counts
    seg_ids = jnp.arange(NUM_SEG)
    valid = (seg_ids != 0) & (seg_ids != 255) & (counts > 0)
    var_loss = jnp.sum(jnp.where(valid, seg_var, 0.0))
    num_clusters = jnp.sum(valid).astype(feats.dtype)
    # pairwise distance (push) term over valid instance means
    diff_m = means[:, None, :] - means[None, :, :]
    sq = jnp.sum(diff_m ** 2, axis=-1)
    safe_sq = jnp.where(sq > 1e-12, sq, 1e-12)
    dist = jnp.sqrt(safe_sq)
    pair_mask = valid[:, None] & valid[None, :] & (seg_ids[:, None] < seg_ids[None, :])
    hinge = jnp.where((dist < 2.0 * dd) & pair_mask, (2.0 * dd - dist) ** 2, 0.0)
    denom = jnp.maximum(num_clusters - 1.0, 1.0)
    dist_loss = jnp.where(num_clusters > 1.0, jnp.sum(hinge) / denom, 0.0)
    # regularization term: sum of L2 norms of instance means
    msq = jnp.sum(means ** 2, axis=1)
    safe_msq = jnp.where(msq > 1e-12, msq, 1e-12)
    mnorm = jnp.sqrt(safe_msq)
    reg_loss = jnp.sum(jnp.where(valid, mnorm, 0.0))
    total = (var_loss + dist_loss + gamma * reg_loss) / jnp.maximum(num_clusters, 1.0)
    return total


def reference(features_batch, labels_batch):
    losses = jax.vmap(_contrastive_loss)(features_batch, labels_batch)
    batch_size = features_batch.shape[0]
    return jnp.sum(losses) / (batch_size + 1)

if __name__ == "__main__":
    import jax
    _d = setup_inputs()
    print(jax.jit(kernel)(*tuple(_d.values())))

</pallas_src>

<mosaic_0001>
#map = affine_map<(d0, d1) -> (0, 0, 0)>
#map1 = affine_map<(d0, d1) -> (0, 0)>
module attributes {stable_mosaic.version = 14 : i64} {
  func.func @_sc_body(%arg0: i32, %arg1: i32, %arg2: memref<4x32x262144xf32, #tpu.memory_space<hbm>>, %arg3: memref<4x262144xi32, #tpu.memory_space<hbm>>, %arg4: memref<4x8x544xf32, #tpu.memory_space<hbm>>, %arg5: memref<2x32x1024xf32, #tpu.memory_space<vmem>>, %arg6: memref<2x1024xi32, #tpu.memory_space<vmem>>, %arg7: memref<544xf32, #tpu.memory_space<vmem>>, %arg8: memref<!tpu.dma_semaphore, #tpu.memory_space<semaphore_mem>>, %arg9: memref<!tpu.dma_semaphore, #tpu.memory_space<semaphore_mem>>, %arg10: memref<!tpu.dma_semaphore, #tpu.memory_space<semaphore_mem>>, %arg11: memref<!tpu.dma_semaphore, #tpu.memory_space<semaphore_mem>>) attributes {dimension_semantics = [#tpu.dimension_semantics<core_parallel>, #tpu.dimension_semantics<subcore_parallel>], iteration_bounds = array<i64: 2, 16>, scalar_prefetch = 0 : i64, scratch_operands = 7 : i64, tpu.core_type = #tpu.core_type<sc_vector_subcore>, window_params = [{transform_indices = #map}, {transform_indices = #map1}, {transform_indices = #map}]} {
    %mul3A = arith.constant 2 : i32
    %mul3A_0 = arith.muli %arg1, %mul3A : i32
    %add3A = arith.addi %mul3A_0, %arg0 : i32
    %jit3A = arith.constant 8 : i32
    %div3A = arith.divsi %add3A, %jit3A : i32
    %sign3A = arith.constant 0 : i32
    %sign3A_1 = arith.cmpi sgt, %add3A, %sign3A : i32
    %sign3A_2 = arith.extui %sign3A_1 : i1 to i32
    %sign3A_3 = arith.constant 0 : i32
    %sign3A_4 = arith.cmpi slt, %add3A, %sign3A_3 : i32
    %sign3A_5 = arith.extui %sign3A_4 : i1 to i32
    %sign3A_6 = arith.subi %sign3A_2, %sign3A_5 : i32
    %sign3A_7 = arith.constant 0 : i32
    %sign3A_8 = arith.cmpi sgt, %jit3A, %sign3A_7 : i32
    %sign3A_9 = arith.extui %sign3A_8 : i1 to i32
    %sign3A_10 = arith.constant 0 : i32
    %sign3A_11 = arith.cmpi slt, %jit3A, %sign3A_10 : i32
    %sign3A_12 = arith.extui %sign3A_11 : i1 to i32
    %sign3A_13 = arith.subi %sign3A_9, %sign3A_12 : i32
    %ne3A = arith.cmpi ne, %sign3A_6, %sign3A_13 : i32
    %rem3A = arith.remsi %add3A, %jit3A : i32
    %ne3A_14 = arith.constant 0 : i32
    %ne3A_15 = arith.cmpi ne, %rem3A, %ne3A_14 : i32
    %and3A = arith.andi %ne3A, %ne3A_15 : i1
    %sub3A = arith.constant 1 : i32
    %sub3A_16 = arith.subi %div3A, %sub3A : i32
    %select_n3A = arith.select %and3A, %sub3A_16, %div3A : i32
    %jit3A_17 = arith.constant 8 : i32
    %eq3A = arith.constant 0 : i32
    %eq3A_18 = arith.cmpi eq, %jit3A_17, %eq3A : i32
    %jit3A_19 = arith.constant 1 : i32
    %select_n3A_20 = arith.select %eq3A_18, %jit3A_19, %jit3A_17 : i32
    %rem3A_21 = arith.remsi %add3A, %select_n3A_20 : i32
    %ne3A_22 = arith.constant 0 : i32
    %ne3A_23 = arith.cmpi ne, %rem3A_21, %ne3A_22 : i32
    %lt3A = arith.constant 0 : i32
    %lt3A_24 = arith.cmpi slt, %rem3A_21, %lt3A : i32
    %lt3A_25 = arith.constant 0 : i32
    %lt3A_26 = arith.cmpi slt, %select_n3A_20, %lt3A_25 : i32
    %ne3A_27 = arith.xori %lt3A_24, %lt3A_26 : i1
    %and3A_28 = arith.andi %ne3A_27, %ne3A_23 : i1
    %add3A_29 = arith.addi %rem3A_21, %select_n3A_20 : i32
    %select_n3A_30 = arith.select %and3A_28, %add3A_29, %rem3A_21 : i32
    %mul3A_31 = arith.constant 32768 : i32
    %mul3A_32 = arith.muli %select_n3A_30, %mul3A_31 : i32
    %broadcast_in_dim3A = arith.constant 0.000000e+00 : f32
    %broadcast_in_dim3A_33 = vector.broadcast %broadcast_in_dim3A : f32 to vector<16xf32>
    %swap3A = arith.constant 0 : index
    %swap3A_34 = tpu.vector_load %arg7[%swap3A] {strides = array<i32>} : memref<544xf32, #tpu.memory_space<vmem>>, vector<16xf32>,
    tpu.vector_store %arg7[%swap3A], %broadcast_in_dim3A_33 {strides = array<i32>} : memref<544xf32, #tpu.memory_space<vmem>>, vector<16xf32>,
    %broadcast_in_dim3A_35 = arith.constant 0.000000e+00 : f32
    %broadcast_in_dim3A_36 = vector.broadcast %broadcast_in_dim3A_35 : f32 to vector<16xf32>
    %swap3A_37 = arith.constant 16 : index
    %swap3A_38 = tpu.vector_load %arg7[%swap3A_37] {strides = array<i32>} : memref<544xf32, #tpu.memory_space<vmem>>, vector<16xf32>,
    tpu.vector_store %arg7[%swap3A_37], %broadcast_in_dim3A_36 {strides = array<i32>} : memref<544xf32, #tpu.memory_space<vmem>>, vector<16xf32>,
    %broadcast_in_dim3A_39 = arith.constant 0.000000e+00 : f32
    %broadcast_in_dim3A_40 = vector.broadcast %broadcast_in_dim3A_39 : f32 to vector<16xf32>
    %swap3A_41 = arith.constant 32 : index
    %swap3A_42 = tpu.vector_load %arg7[%swap3A_41] {strides = array<i32>} : memref<544xf32, #tpu.memory_space<vmem>>, vector<16xf32>,
    tpu.vector_store %arg7[%swap3A_41], %broadcast_in_dim3A_40 {strides = array<i32>} : memref<544xf32, #tpu.memory_space<vmem>>, vector<16xf32>,
    %broadcast_in_dim3A_43 = arith.constant 0.000000e+00 : f32
    %broadcast_in_dim3A_44 = vector.broadcast %broadcast_in_dim3A_43 : f32 to vector<16xf32>
    %swap3A_45 = arith.constant 48 : index
    %swap3A_46 = tpu.vector_load %arg7[%swap3A_45] {strides = array<i32>} : memref<544xf32, #tpu.memory_space<vmem>>, vector<16xf32>,
    tpu.vector_store %arg7[%swap3A_45], %broadcast_in_dim3A_44 {strides = array<i32>} : memref<544xf32, #tpu.memory_space<vmem>>, vector<16xf32>,
    %broadcast_in_dim3A_47 = arith.constant 0.000000e+00 : f32
    %broadcast_in_dim3A_48 = vector.broadcast %broadcast_in_dim3A_47 : f32 to vector<16xf32>
    %swap3A_49 = arith.constant 64 : index
    %swap3A_50 = tpu.vector_load %arg7[%swap3A_49] {strides = array<i32>} : memref<544xf32, #tpu.memory_space<vmem>>, vector<16xf32>,
    tpu.vector_store %arg7[%swap3A_49], %broadcast_in_dim3A_48 {strides = array<i32>} : memref<544xf32, #tpu.memory_space<vmem>>, vector<16xf32>,
    %broadcast_in_dim3A_51 = arith.constant 0.000000e+00 : f32
    %broadcast_in_dim3A_52 = vector.broadcast %broadcast_in_dim3A_51 : f32 to vector<16xf32>
    %swap3A_53 = arith.constant 80 : index
    %swap3A_54 = tpu.vector_load %arg7[%swap3A_53] {strides = array<i32>} : memref<544xf32, #tpu.memory_space<vmem>>, vector<16xf32>,
    tpu.vector_store %arg7[%swap3A_53], %broadcast_in_dim3A_52 {strides = array<i32>} : memref<544xf32, #tpu.memory_space<vmem>>, vector<16xf32>,
    %broadcast_in_dim3A_55 = arith.constant 0.000000e+00 : f32
    %broadcast_in_dim3A_56 = vector.broadcast %broadcast_in_dim3A_55 : f32 to vector<16xf32>
    %swap3A_57 = arith.constant 96 : index
    %swap3A_58 = tpu.vector_load %arg7[%swap3A_57] {strides = array<i32>} : memref<544xf32, #tpu.memory_space<vmem>>, vector<16xf32>,
    tpu.vector_store %arg7[%swap3A_57], %broadcast_in_dim3A_56 {strides = array<i32>} : memref<544xf32, #tpu.memory_space<vmem>>, vector<16xf32>,
    %broadcast_in_dim3A_59 = arith.constant 0.000000e+00 : f32
    %broadcast_in_dim3A_60 = vector.broadcast %broadcast_in_dim3A_59 : f32 to vector<16xf32>
    %swap3A_61 = arith.constant 112 : index
    %swap3A_62 = tpu.vector_load %arg7[%swap3A_61] {strides = array<i32>} : memref<544xf32, #tpu.memory_space<vmem>>, vector<16xf32>,
    tpu.vector_store %arg7[%swap3A_61], %broadcast_in_dim3A_60 {strides = array<i32>} : memref<544xf32, #tpu.memory_space<vmem>>, vector<16xf32>,
    %broadcast_in_dim3A_63 = arith.constant 0.000000e+00 : f32
    %broadcast_in_dim3A_64 = vector.broadcast %broadcast_in_dim3A_63 : f32 to vector<16xf32>
    %swap3A_65 = arith.constant 128 : index
    %swap3A_66 = tpu.vector_load %arg7[%swap3A_65] {strides = array<i32>} : memref<544xf32, #tpu.memory_space<vmem>>, vector<16xf32>,
    tpu.vector_store %arg7[%swap3A_65], %broadcast_in_dim3A_64 {strides = array<i32>} : memref<544xf32, #tpu.memory_space<vmem>>, vector<16xf32>,
    %broadcast_in_dim3A_67 = arith.constant 0.000000e+00 : f32
    %broadcast_in_dim3A_68 = vector.broadcast %broadcast_in_dim3A_67 : f32 to vector<16xf32>
    %swap3A_69 = arith.constant 144 : index
    %swap3A_70 = tpu.vector_load %arg7[%swap3A_69] {strides = array<i32>} : memref<544xf32, #tpu.memory_space<vmem>>, vector<16xf32>,
    tpu.vector_store %arg7[%swap3A_69], %broadcast_in_dim3A_68 {strides = array<i32>} : memref<544xf32, #tpu.memory_space<vmem>>, vector<16xf32>,
    %broadcast_in_dim3A_71 = arith.constant 0.000000e+00 : f32
    %broadcast_in_dim3A_72 = vector.broadcast %broadcast_in_dim3A_71 : f32 to vector<16xf32>
    %swap3A_73 = arith.constant 160 : index
    %swap3A_74 = tpu.vector_load %arg7[%swap3A_73] {strides = array<i32>} : memref<544xf32, #tpu.memory_space<vmem>>, vector<16xf32>,
    tpu.vector_store %arg7[%swap3A_73], %broadcast_in_dim3A_72 {strides = array<i32>} : memref<544xf32, #tpu.memory_space<vmem>>, vector<16xf32>,
    %broadcast_in_dim3A_75 = arith.constant 0.000000e+00 : f32
    %broadcast_in_dim3A_76 = vector.broadcast %broadcast_in_dim3A_75 : f32 to vector<16xf32>
    %swap3A_77 = arith.constant 176 : index
    %swap3A_78 = tpu.vector_load %arg7[%swap3A_77] {strides = array<i32>} : memref<544xf32, #tpu.memory_space<vmem>>, vector<16xf32>,
    tpu.vector_store %arg7[%swap3A_77], %broadcast_in_dim3A_76 {strides = array<i32>} : memref<544xf32, #tpu.memory_space<vmem>>, vector<16xf32>,
    %broadcast_in_dim3A_79 = arith.constant 0.000000e+00 : f32
    %broadcast_in_dim3A_80 = vector.broadcast %broadcast_in_dim3A_79 : f32 to vector<16xf32>
    %swap3A_81 = arith.constant 192 : index
    %swap3A_82 = tpu.vector_load %arg7[%swap3A_81] {strides = array<i32>} : memref<544xf32, #tpu.memory_space<vmem>>, vector<16xf32>,
    tpu.vector_store %arg7[%swap3A_81], %broadcast_in_dim3A_80 {strides = array<i32>} : memref<544xf32, #tpu.memory_space<vmem>>, vector<16xf32>,
    %broadcast_in_dim3A_83 = arith.constant 0.000000e+00 : f32
    %broadcast_in_dim3A_84 = vector.broadcast %broadcast_in_dim3A_83 : f32 to vector<16xf32>
    %swap3A_85 = arith.constant 208 : index
    %swap3A_86 = tpu.vector_load %arg7[%swap3A_85] {strides = array<i32>} : memref<544xf32, #tpu.memory_space<vmem>>, vector<16xf32>,
    tpu.vector_store %arg7[%swap3A_85], %broadcast_in_dim3A_84 {strides = array<i32>} : memref<544xf32, #tpu.memory_space<vmem>>, vector<16xf32>,
    %broadcast_in_dim3A_87 = arith.constant 0.000000e+00 : f32
    %broadcast_in_dim3A_88 = vector.broadcast %broadcast_in_dim3A_87 : f32 to vector<16xf32>
    %swap3A_89 = arith.constant 224 : index
    %swap3A_90 = tpu.vector_load %arg7[%swap3A_89] {strides = array<i32>} : memref<544xf32, #tpu.memory_space<vmem>>, vector<16xf32>,
    tpu.vector_store %arg7[%swap3A_89], %broadcast_in_dim3A_88 {strides = array<i32>} : memref<544xf32, #tpu.memory_space<vmem>>, vector<16xf32>,
    %broadcast_in_dim3A_91 = arith.constant 0.000000e+00 : f32
    %broadcast_in_dim3A_92 = vector.broadcast %broadcast_in_dim3A_91 : f32 to vector<16xf32>
    %swap3A_93 = arith.constant 240 : index
    %swap3A_94 = tpu.vector_load %arg7[%swap3A_93] {strides = array<i32>} : memref<544xf32, #tpu.memory_space<vmem>>, vector<16xf32>,
    tpu.vector_store %arg7[%swap3A_93], %broadcast_in_dim3A_92 {strides = array<i32>} : memref<544xf32, #tpu.memory_space<vmem>>, vector<16xf32>,
    %broadcast_in_dim3A_95 = arith.constant 0.000000e+00 : f32
    %broadcast_in_dim3A_96 = vector.broadcast %broadcast_in_dim3A_95 : f32 to vector<16xf32>
    %swap3A_97 = arith.constant 256 : index
    %swap3A_98 = tpu.vector_load %arg7[%swap3A_97] {strides = array<i32>} : memref<544xf32, #tpu.memory_space<vmem>>, vector<16xf32>,
    tpu.vector_store %arg7[%swap3A_97], %broadcast_in_dim3A_96 {strides = array<i32>} : memref<544xf32, #tpu.memory_space<vmem>>, vector<16xf32>,
    %broadcast_in_dim3A_99 = arith.constant 0.000000e+00 : f32
    %broadcast_in_dim3A_100 = vector.broadcast %broadcast_in_dim3A_99 : f32 to vector<16xf32>
    %swap3A_101 = arith.constant 272 : index
    %swap3A_102 = tpu.vector_load %arg7[%swap3A_101] {strides = array<i32>} : memref<544xf32, #tpu.memory_space<vmem>>, vector<16xf32>,
    tpu.vector_store %arg7[%swap3A_101], %broadcast_in_dim3A_100 {strides = array<i32>} : memref<544xf32, #tpu.memory_space<vmem>>, vector<16xf32>,
    %broadcast_in_dim3A_103 = arith.constant 0.000000e+00 : f32
    %broadcast_in_dim3A_104 = vector.broadcast %broadcast_in_dim3A_103 : f32 to vector<16xf32>
    %swap3A_105 = arith.constant 288 : index
    %swap3A_106 = tpu.vector_load %arg7[%swap3A_105] {strides = array<i32>} : memref<544xf32, #tpu.memory_space<vmem>>, vector<16xf32>,
    tpu.vector_store %arg7[%swap3A_105], %broadcast_in_dim3A_104 {strides = array<i32>} : memref<544xf32, #tpu.memory_space<vmem>>, vector<16xf32>,
    %broadcast_in_dim3A_107 = arith.constant 0.000000e+00 : f32
    %broadcast_in_dim3A_108 = vector.broadcast %broadcast_in_dim3A_107 : f32 to vector<16xf32>
    %swap3A_109 = arith.constant 304 : index
    %swap3A_110 = tpu.vector_load %arg7[%swap3A_109] {strides = array<i32>} : memref<544xf32, #tpu.memory_space<vmem>>, vector<16xf32>,
    tpu.vector_store %arg7[%swap3A_109], %broadcast_in_dim3A_108 {strides = array<i32>} : memref<544xf32, #tpu.memory_space<vmem>>, vector<16xf32>,
    %broadcast_in_dim3A_111 = arith.constant 0.000000e+00 : f32
    %broadcast_in_dim3A_112 = vector.broadcast %broadcast_in_dim3A_111 : f32 to vector<16xf32>
    %swap3A_113 = arith.constant 320 : index
    %swap3A_114 = tpu.vector_load %arg7[%swap3A_113] {strides = array<i32>} : memref<544xf32, #tpu.memory_space<vmem>>, vector<16xf32>,
    tpu.vector_store %arg7[%swap3A_113], %broadcast_in_dim3A_112 {strides = array<i32>} : memref<544xf32, #tpu.memory_space<vmem>>, vector<16xf32>,
    %broadcast_in_dim3A_115 = arith.constant 0.000000e+00 : f32
    %broadcast_in_dim3A_116 = vector.broadcast %broadcast_in_dim3A_115 : f32 to vector<16xf32>
    %swap3A_117 = arith.constant 336 : index
    %swap3A_118 = tpu.vector_load %arg7[%swap3A_117] {strides = array<i32>} : memref<544xf32, #tpu.memory_space<vmem>>, vector<16xf32>,
    tpu.vector_store %arg7[%swap3A_117], %broadcast_in_dim3A_116 {strides = array<i32>} : memref<544xf32, #tpu.memory_space<vmem>>, vector<16xf32>,
    %broadcast_in_dim3A_119 = arith.constant 0.000000e+00 : f32
    %broadcast_in_dim3A_120 = vector.broadcast %broadcast_in_dim3A_119 : f32 to vector<16xf32>
    %swap3A_121 = arith.constant 352 : index
    %swap3A_122 = tpu.vector_load %arg7[%swap3A_121] {strides = array<i32>} : memref<544xf32, #tpu.memory_space<vmem>>, vector<16xf32>,
    tpu.vector_store %arg7[%swap3A_121], %broadcast_in_dim3A_120 {strides = array<i32>} : memref<544xf32, #tpu.memory_space<vmem>>, vector<16xf32>,
    %broadcast_in_dim3A_123 = arith.constant 0.000000e+00 : f32
    %broadcast_in_dim3A_124 = vector.broadcast %broadcast_in_dim3A_123 : f32 to vector<16xf32>
    %swap3A_125 = arith.constant 368 : index
    %swap3A_126 = tpu.vector_load %arg7[%swap3A_125] {strides = array<i32>} : memref<544xf32, #tpu.memory_space<vmem>>, vector<16xf32>,
    tpu.vector_store %arg7[%swap3A_125], %broadcast_in_dim3A_124 {strides = array<i32>} : memref<544xf32, #tpu.memory_space<vmem>>, vector<16xf32>,
    %broadcast_in_dim3A_127 = arith.constant 0.000000e+00 : f32
    %broadcast_in_dim3A_128 = vector.broadcast %broadcast_in_dim3A_127 : f32 to vector<16xf32>
    %swap3A_129 = arith.constant 384 : index
    %swap3A_130 = tpu.vector_load %arg7[%swap3A_129] {strides = array<i32>} : memref<544xf32, #tpu.memory_space<vmem>>, vector<16xf32>,
    tpu.vector_store %arg7[%swap3A_129], %broadcast_in_dim3A_128 {strides = array<i32>} : memref<544xf32, #tpu.memory_space<vmem>>, vector<16xf32>,
    %broadcast_in_dim3A_131 = arith.constant 0.000000e+00 : f32
    %broadcast_in_dim3A_132 = vector.broadcast %broadcast_in_dim3A_131 : f32 to vector<16xf32>
    %swap3A_133 = arith.constant 400 : index
    %swap3A_134 = tpu.vector_load %arg7[%swap3A_133] {strides = array<i32>} : memref<544xf32, #tpu.memory_space<vmem>>, vector<16xf32>,
    tpu.vector_store %arg7[%swap3A_133], %broadcast_in_dim3A_132 {strides = array<i32>} : memref<544xf32, #tpu.memory_space<vmem>>, vector<16xf32>,
    %broadcast_in_dim3A_135 = arith.constant 0.000000e+00 : f32
    %broadcast_in_dim3A_136 = vector.broadcast %broadcast_in_dim3A_135 : f32 to vector<16xf32>
    %swap3A_137 = arith.constant 416 : index
    %swap3A_138 = tpu.vector_load %arg7[%swap3A_137] {strides = array<i32>} : memref<544xf32, #tpu.memory_space<vmem>>, vector<16xf32>,
    tpu.vector_store %arg7[%swap3A_137], %broadcast_in_dim3A_136 {strides = array<i32>} : memref<544xf32, #tpu.memory_space<vmem>>, vector<16xf32>,
    %broadcast_in_dim3A_139 = arith.constant 0.000000e+00 : f32
    %broadcast_in_dim3A_140 = vector.broadcast %broadcast_in_dim3A_139 : f32 to vector<16xf32>
    %swap3A_141 = arith.constant 432 : index
    %swap3A_142 = tpu.vector_load %arg7[%swap3A_141] {strides = array<i32>} : memref<544xf32, #tpu.memory_space<vmem>>, vector<16xf32>,
    tpu.vector_store %arg7[%swap3A_141], %broadcast_in_dim3A_140 {strides = array<i32>} : memref<544xf32, #tpu.memory_space<vmem>>, vector<16xf32>,
    %broadcast_in_dim3A_143 = arith.constant 0.000000e+00 : f32
    %broadcast_in_dim3A_144 = vector.broadcast %broadcast_in_dim3A_143 : f32 to vector<16xf32>
    %swap3A_145 = arith.constant 448 : index
    %swap3A_146 = tpu.vector_load %arg7[%swap3A_145] {strides = array<i32>} : memref<544xf32, #tpu.memory_space<vmem>>, vector<16xf32>,
    tpu.vector_store %arg7[%swap3A_145], %broadcast_in_dim3A_144 {strides = array<i32>} : memref<544xf32, #tpu.memory_space<vmem>>, vector<16xf32>,
    %broadcast_in_dim3A_147 = arith.constant 0.000000e+00 : f32
    %broadcast_in_dim3A_148 = vector.broadcast %broadcast_in_dim3A_147 : f32 to vector<16xf32>
    %swap3A_149 = arith.constant 464 : index
    %swap3A_150 = tpu.vector_load %arg7[%swap3A_149] {strides = array<i32>} : memref<544xf32, #tpu.memory_space<vmem>>, vector<16xf32>,
    tpu.vector_store %arg7[%swap3A_149], %broadcast_in_dim3A_148 {strides = array<i32>} : memref<544xf32, #tpu.memory_space<vmem>>, vector<16xf32>,
    %broadcast_in_dim3A_151 = arith.constant 0.000000e+00 : f32
    %broadcast_in_dim3A_152 = vector.broadcast %broadcast_in_dim3A_151 : f32 to vector<16xf32>
    %swap3A_153 = arith.constant 480 : index
    %swap3A_154 = tpu.vector_load %arg7[%swap3A_153] {strides = array<i32>} : memref<544xf32, #tpu.memory_space<vmem>>, vector<16xf32>,
    tpu.vector_store %arg7[%swap3A_153], %broadcast_in_dim3A_152 {strides = array<i32>} : memref<544xf32, #tpu.memory_space<vmem>>, vector<16xf32>,
    %broadcast_in_dim3A_155 = arith.constant 0.000000e+00 : f32
    %broadcast_in_dim3A_156 = vector.broadcast %broadcast_in_dim3A_155 : f32 to vector<16xf32>
    %swap3A_157 = arith.constant 496 : index
    %swap3A_158 = tpu.vector_load %arg7[%swap3A_157] {strides = array<i32>} : memref<544xf32, #tpu.memory_space<vmem>>, vector<16xf32>,
    tpu.vector_store %arg7[%swap3A_157], %broadcast_in_dim3A_156 {strides = array<i32>} : memref<544xf32, #tpu.memory_space<vmem>>, vector<16xf32>,
    %broadcast_in_dim3A_159 = arith.constant 0.000000e+00 : f32
    %broadcast_in_dim3A_160 = vector.broadcast %broadcast_in_dim3A_159 : f32 to vector<16xf32>
    %swap3A_161 = arith.constant 512 : index
    %swap3A_162 = tpu.vector_load %arg7[%swap3A_161] {strides = array<i32>} : memref<544xf32, #tpu.memory_space<vmem>>, vector<16xf32>,
    tpu.vector_store %arg7[%swap3A_161], %broadcast_in_dim3A_160 {strides = array<i32>} : memref<544xf32, #tpu.memory_space<vmem>>, vector<16xf32>,
    %broadcast_in_dim3A_163 = arith.constant 0.000000e+00 : f32
    %broadcast_in_dim3A_164 = vector.broadcast %broadcast_in_dim3A_163 : f32 to vector<16xf32>
    %swap3A_165 = arith.constant 528 : index
    %swap3A_166 = tpu.vector_load %arg7[%swap3A_165] {strides = array<i32>} : memref<544xf32, #tpu.memory_space<vmem>>, vector<16xf32>,
    tpu.vector_store %arg7[%swap3A_165], %broadcast_in_dim3A_164 {strides = array<i32>} : memref<544xf32, #tpu.memory_space<vmem>>, vector<16xf32>,
    %add3A_167 = arith.constant 0 : i32
    %add3A_168 = arith.addi %mul3A_32, %add3A_167 : i32
    %dma_start3A = arith.constant 0 : i32
    %dma_start3A_169 = arith.constant 0 : i32
    %dma_start3A_170 = arith.constant 0 : i32
    %dma_start3A_171 = tpu.memref_slice %arg5[%dma_start3A, %dma_start3A_169, %dma_start3A_170] : memref<2x32x1024xf32, #tpu.memory_space<vmem>> -> memref<1x32x1024xf32, #tpu.memory_space<vmem>>
    %dma_start3A_172 = tpu.memref_squeeze %dma_start3A_171 : memref<1x32x1024xf32, #tpu.memory_space<vmem>> -> memref<32x1024xf32, #tpu.memory_space<vmem>>
    %dma_start3A_173 = arith.constant 0 : i32
    %dma_start3A_174 = tpu.memref_slice %arg2[%select_n3A, %dma_start3A_173, %add3A_168] : memref<4x32x262144xf32, #tpu.memory_space<hbm>> -> memref<1x32x1024xf32, #tpu.memory_space<hbm>>
    %dma_start3A_175 = tpu.memref_squeeze %dma_start3A_174 : memref<1x32x1024xf32, #tpu.memory_space<hbm>> -> memref<32x1024xf32, #tpu.memory_space<hbm>>
    %dma_start3A_176 = arith.constant 0 : i32
    %dma_start3A_177 = arith.constant 0 : i32
    %dma_start3A_178 = tpu.memref_slice %arg5[%dma_start3A, %dma_start3A_176, %dma_start3A_177] : memref<2x32x1024xf32, #tpu.memory_space<vmem>> -> memref<1x32x1024xf32, #tpu.memory_space<vmem>>
    %dma_start3A_179 = tpu.memref_squeeze %dma_start3A_178 : memref<1x32x1024xf32, #tpu.memory_space<vmem>> -> memref<32x1024xf32, #tpu.memory_space<vmem>>
    %dma_start3A_180 = arith.constant 0 : i32
    %dma_start3A_181 = tpu.memref_slice %arg2[%select_n3A, %dma_start3A_180, %add3A_168] : memref<4x32x262144xf32, #tpu.memory_space<hbm>> -> memref<1x32x1024xf32, #tpu.memory_space<hbm>>
    %dma_start3A_182 = tpu.memref_squeeze %dma_start3A_181 : memref<1x32x1024xf32, #tpu.memory_space<hbm>> -> memref<32x1024xf32, #tpu.memory_space<hbm>>
    tpu.enqueue_dma source(%dma_start3A_182 : memref<32x1024xf32, #tpu.memory_space<hbm>>) target(%dma_start3A_179 : memref<32x1024xf32, #tpu.memory_space<vmem>>) target_semaphore(%arg8 : memref<!tpu.dma_semaphore, #tpu.memory_space<semaphore_mem>>)
    %dma_start3A_183 = arith.constant 0 : i32
    %dma_start3A_184 = arith.constant 0 : i32
    %dma_start3A_185 = tpu.memref_slice %arg6[%dma_start3A_183, %dma_start3A_184] : memref<2x1024xi32, #tpu.memory_space<vmem>> -> memref<1x1024xi32, #tpu.memory_space<vmem>>
    %dma_start3A_186 = tpu.memref_squeeze %dma_start3A_185 : memref<1x1024xi32, #tpu.memory_space<vmem>> -> memref<1024xi32, #tpu.memory_space<vmem>>
    %dma_start3A_187 = tpu.memref_slice %arg3[%select_n3A, %add3A_168] : memref<4x262144xi32, #tpu.memory_space<hbm>> -> memref<1x1024xi32, #tpu.memory_space<hbm>>
    %dma_start3A_188 = tpu.memref_squeeze %dma_start3A_187 : memref<1x1024xi32, #tpu.memory_space<hbm>> -> memref<1024xi32, #tpu.memory_space<hbm>>
    %dma_start3A_189 = arith.constant 0 : i32
    %dma_start3A_190 = tpu.memref_slice %arg6[%dma_start3A_183, %dma_start3A_189] : memref<2x1024xi32, #tpu.memory_space<vmem>> -> memref<1x1024xi32, #tpu.memory_space<vmem>>
    %dma_start3A_191 = tpu.memref_squeeze %dma_start3A_190 : memref<1x1024xi32, #tpu.memory_space<vmem>> -> memref<1024xi32, #tpu.memory_space<vmem>>
    %dma_start3A_192 = tpu.memref_slice %arg3[%select_n3A, %add3A_168] : memref<4x262144xi32, #tpu.memory_space<hbm>> -> memref<1x1024xi32, #tpu.memory_space<hbm>>
    %dma_start3A_193 = tpu.memref_squeeze %dma_start3A_192 : memref<1x1024xi32, #tpu.memory_space<hbm>> -> memref<1024xi32, #tpu.memory_space<hbm>>
    tpu.enqueue_dma source(%dma_start3A_193 : memref<1024xi32, #tpu.memory_space<hbm>>) target(%dma_start3A_191 : memref<1024xi32, #tpu.memory_space<vmem>>) target_semaphore(%arg10 : memref<!tpu.dma_semaphore, #tpu.memory_space<semaphore_mem>>)
    %scan3A = arith.constant 0 : i32
    %scan3A_194 = arith.constant 0 : i32
    %scan3A_195 = arith.constant 16 : i32
    %scan3A_196 = arith.addi %scan3A_194, %scan3A_195 : i32
    %scan3A_197 = arith.constant 1 : i32
    scf.for %scan3A_199 = %scan3A_194 to %scan3A_196 step %scan3A_197  : i32 {
      %mul3A_200 = arith.constant 2 : i32
      %mul3A_201 = arith.muli %scan3A_199, %mul3A_200 : i32
      %add3A_202 = arith.constant 0 : i32
      %add3A_203 = arith.addi %mul3A_201, %add3A_202 : i32
      %add3A_204 = arith.constant 1 : i32
      %add3A_205 = arith.addi %add3A_203, %add3A_204 : i32
      %lt3A_206 = arith.constant 32 : i32
      %lt3A_207 = arith.cmpi slt, %add3A_205, %lt3A_206 : i32
      %convert_element_type3A = arith.extui %lt3A_207 : i1 to i32
      %cond3A = arith.constant 0 : i32
      %cond3A_208 = arith.cmpi ne, %convert_element_type3A, %cond3A : i32
      scf.if %cond3A_208 {
        %add3A_276 = arith.constant 1 : i32
        %add3A_277 = arith.addi %add3A_203, %add3A_276 : i32
        %mul3A_278 = arith.constant 1024 : i32
        %mul3A_279 = arith.muli %add3A_277, %mul3A_278 : i32
        %add3A_280 = arith.addi %mul3A_32, %mul3A_279 : i32
        %dma_start3A_281 = arith.constant 1 : i32
        %dma_start3A_282 = arith.constant 0 : i32
        %dma_start3A_283 = arith.constant 0 : i32
        %dma_start3A_284 = tpu.memref_slice %arg5[%dma_start3A_281, %dma_start3A_282, %dma_start3A_283] : memref<2x32x1024xf32, #tpu.memory_space<vmem>> -> memref<1x32x1024xf32, #tpu.memory_space<vmem>>
        %dma_start3A_285 = tpu.memref_squeeze %dma_start3A_284 : memref<1x32x1024xf32, #tpu.memory_space<vmem>> -> memref<32x1024xf32, #tpu.memory_space<vmem>>
        %dma_start3A_286 = arith.constant 0 : i32
        %dma_start3A_287 = tpu.memref_slice %arg2[%select_n3A, %dma_start3A_286, %add3A_280] : memref<4x32x262144xf32, #tpu.memory_space<hbm>> -> memref<1x32x1024xf32, #tpu.memory_space<hbm>>
        %dma_start3A_288 = tpu.memref_squeeze %dma_start3A_287 : memref<1x32x1024xf32, #tpu.memory_space<hbm>> -> memref<32x1024xf32, #tpu.memory_space<hbm>>
        %dma_start3A_289 = arith.constant 0 : i32
        %dma_start3A_290 = arith.constant 0 : i32
        %dma_start3A_291 = tpu.memref_slice %arg5[%dma_start3A_281, %dma_start3A_289, %dma_start3A_290] : memref<2x32x1024xf32, #tpu.memory_space<vmem>> -> memref<1x32x1024xf32, #tpu.memory_space<vmem>>
        %dma_start3A_292 = tpu.memref_squeeze %dma_start3A_291 : memref<1x32x1024xf32, #tpu.memory_space<vmem>> -> memref<32x1024xf32, #tpu.memory_space<vmem>>
        %dma_start3A_293 = arith.constant 0 : i32
        %dma_start3A_294 = tpu.memref_slice %arg2[%select_n3A, %dma_start3A_293, %add3A_280] : memref<4x32x262144xf32, #tpu.memory_space<hbm>> -> memref<1x32x1024xf32, #tpu.memory_space<hbm>>
        %dma_start3A_295 = tpu.memref_squeeze %dma_start3A_294 : memref<1x32x1024xf32, #tpu.memory_space<hbm>> -> memref<32x1024xf32, #tpu.memory_space<hbm>>
        tpu.enqueue_dma source(%dma_start3A_295 : memref<32x1024xf32, #tpu.memory_space<hbm>>) target(%dma_start3A_292 : memref<32x1024xf32, #tpu.memory_space<vmem>>) target_semaphore(%arg9 : memref<!tpu.dma_semaphore, #tpu.memory_space<semaphore_mem>>)
        %dma_start3A_296 = arith.constant 1 : i32
        %dma_start3A_297 = arith.constant 0 : i32
        %dma_start3A_298 = tpu.memref_slice %arg6[%dma_start3A_296, %dma_start3A_297] : memref<2x1024xi32, #tpu.memory_space<vmem>> -> memref<1x1024xi32, #tpu.memory_space<vmem>>
        %dma_start3A_299 = tpu.memref_squeeze %dma_start3A_298 : memref<1x1024xi32, #tpu.memory_space<vmem>> -> memref<1024xi32, #tpu.memory_space<vmem>>
        %dma_start3A_300 = tpu.memref_slice %arg3[%select_n3A, %add3A_280] : memref<4x262144xi32, #tpu.memory_space<hbm>> -> memref<1x1024xi32, #tpu.memory_space<hbm>>
        %dma_start3A_301 = tpu.memref_squeeze %dma_start3A_300 : memref<1x1024xi32, #tpu.memory_space<hbm>> -> memref<1024xi32, #tpu.memory_space<hbm>>
        %dma_start3A_302 = arith.constant 0 : i32
        %dma_start3A_303 = tpu.memref_slice %arg6[%dma_start3A_296, %dma_start3A_302] : memref<2x1024xi32, #tpu.memory_space<vmem>> -> memref<1x1024xi32, #tpu.memory_space<vmem>>
        %dma_start3A_304 = tpu.memref_squeeze %dma_start3A_303 : memref<1x1024xi32, #tpu.memory_space<vmem>> -> memref<1024xi32, #tpu.memory_space<vmem>>
        %dma_start3A_305 = tpu.memref_slice %arg3[%select_n3A, %add3A_280] : memref<4x262144xi32, #tpu.memory_space<hbm>> -> memref<1x1024xi32, #tpu.memory_space<hbm>>
        %dma_start3A_306 = tpu.memref_squeeze %dma_start3A_305 : memref<1x1024xi32, #tpu.memory_space<hbm>> -> memref<1024xi32, #tpu.memory_space<hbm>>
        tpu.enqueue_dma source(%dma_start3A_306 : memref<1024xi32, #tpu.memory_space<hbm>>) target(%dma_start3A_304 : memref<1024xi32, #tpu.memory_space<vmem>>) target_semaphore(%arg11 : memref<!tpu.dma_semaphore, #tpu.memory_space<semaphore_mem>>)
      } else {
      }
      %dma_wait3A = arith.constant 0 : i32
      %dma_wait3A_209 = arith.constant 0 : i32
      %dma_wait3A_210 = arith.constant 0 : i32
      %dma_wait3A_211 = tpu.memref_slice %arg5[%dma_wait3A, %dma_wait3A_209, %dma_wait3A_210] : memref<2x32x1024xf32, #tpu.memory_space<vmem>> -> memref<1x32x1024xf32, #tpu.memory_space<vmem>>
      %dma_wait3A_212 = tpu.memref_squeeze %dma_wait3A_211 : memref<1x32x1024xf32, #tpu.memory_space<vmem>> -> memref<32x1024xf32, #tpu.memory_space<vmem>>
      %dma_wait3A_213 = arith.constant 0 : i32
      %dma_wait3A_214 = tpu.memref_slice %arg2[%select_n3A, %dma_wait3A_213, %mul3A_32] : memref<4x32x262144xf32, #tpu.memory_space<hbm>> -> memref<1x32x1024xf32, #tpu.memory_space<hbm>>
      %dma_wait3A_215 = tpu.memref_squeeze %dma_wait3A_214 : memref<1x32x1024xf32, #tpu.memory_space<hbm>> -> memref<32x1024xf32, #tpu.memory_space<hbm>>
      %dma_wait3A_216 = arith.constant 0 : i32
      %dma_wait3A_217 = arith.constant 0 : i32
      %dma_wait3A_218 = tpu.memref_slice %arg5[%dma_wait3A, %dma_wait3A_216, %dma_wait3A_217] : memref<2x32x1024xf32, #tpu.memory_space<vmem>> -> memref<1x32x1024xf32, #tpu.memory_space<vmem>>
      %dma_wait3A_219 = tpu.memref_squeeze %dma_wait3A_218 : memref<1x32x1024xf32, #tpu.memory_space<vmem>> -> memref<32x1024xf32, #tpu.memory_space<vmem>>
      %dma_wait3A_220 = arith.constant 0 : i32
      %dma_wait3A_221 = tpu.memref_slice %arg2[%select_n3A, %dma_wait3A_220, %mul3A_32] : memref<4x32x262144xf32, #tpu.memory_space<hbm>> -> memref<1x32x1024xf32, #tpu.memory_space<hbm>>
      %dma_wait3A_222 = tpu.memref_squeeze %dma_wait3A_221 : memref<1x32x1024xf32, #tpu.memory_space<hbm>> -> memref<32x1024xf32, #tpu.memory_space<hbm>>
      tpu.wait_dma2 semaphore(%arg8 : memref<!tpu.dma_semaphore, #tpu.memory_space<semaphore_mem>>) src(%dma_wait3A_222 : memref<32x1024xf32, #tpu.memory_space<hbm>>) dst(%dma_wait3A_219 : memref<32x1024xf32, #tpu.memory_space<vmem>>)
      %dma_wait3A_223 = arith.constant 0 : i32
      %dma_wait3A_224 = arith.constant 0 : i32
      %dma_wait3A_225 = tpu.memref_slice %arg6[%dma_wait3A_223, %dma_wait3A_224] : memref<2x1024xi32, #tpu.memory_space<vmem>> -> memref<1x1024xi32, #tpu.memory_space<vmem>>
      %dma_wait3A_226 = tpu.memref_squeeze %dma_wait3A_225 : memref<1x1024xi32, #tpu.memory_space<vmem>> -> memref<1024xi32, #tpu.memory_space<vmem>>
      %dma_wait3A_227 = tpu.memref_slice %arg3[%select_n3A, %mul3A_32] : memref<4x262144xi32, #tpu.memory_space<hbm>> -> memref<1x1024xi32, #tpu.memory_space<hbm>>
      %dma_wait3A_228 = tpu.memref_squeeze %dma_wait3A_227 : memref<1x1024xi32, #tpu.memory_space<hbm>> -> memref<1024xi32, #tpu.memory_space<hbm>>
      %dma_wait3A_229 = arith.constant 0 : i32
      %dma_wait3A_230 = tpu.memref_slice %arg6[%dma_wait3A_223, %dma_wait3A_229] : memref<2x1024xi32, #tpu.memory_space<vmem>> -> memref<1x1024xi32, #tpu.memory_space<vmem>>
      %dma_wait3A_231 = tpu.memref_squeeze %dma_wait3A_230 : memref<1x1024xi32, #tpu.memory_space<vmem>> -> memref<1024xi32, #tpu.memory_space<vmem>>
      %dma_wait3A_232 = tpu.memref_slice %arg3[%select_n3A, %mul3A_32] : memref<4x262144xi32, #tpu.memory_space<hbm>> -> memref<1x1024xi32, #tpu.memory_space<hbm>>
      %dma_wait3A_233 = tpu.memref_squeeze %dma_wait3A_232 : memref<1x1024xi32, #tpu.memory_space<hbm>> -> memref<1024xi32, #tpu.memory_space<hbm>>
      tpu.wait_dma2 semaphore(%arg10 : memref<!tpu.dma_semaphore, #tpu.memory_space<semaphore_mem>>) src(%dma_wait3A_233 : memref<1024xi32, #tpu.memory_space<hbm>>) dst(%dma_wait3A_231 : memref<1024xi32, #tpu.memory_space<vmem>>)
      %parallel_loop3A = arith.constant 0 : i32
      %parallel_loop3A_234 = arith.constant 64 : i32
      %parallel_loop3A_235 = arith.constant 1 : i32
      scf.for %parallel_loop3A_276 = %parallel_loop3A to %parallel_loop3A_234 step %parallel_loop3A_235  : i32 {
        %parallel_loop3A_277 = arith.constant 16 : i32
        %parallel_loop3A_278 = arith.muli %parallel_loop3A_276, %parallel_loop3A_277 : i32
        %parallel_loop3A_279 = arith.constant 0 : i32
        %parallel_loop3A_280 = arith.index_cast %parallel_loop3A_279 : i32 to index
        %parallel_loop3A_281 = arith.index_cast %parallel_loop3A_278 : i32 to index
        %parallel_loop3A_282 = tpu.vector_load %arg6[%parallel_loop3A_280, %parallel_loop3A_281] {strides = array<i32>} : memref<2x1024xi32, #tpu.memory_space<vmem>>, vector<16xi32>,
        %parallel_loop3A_283 = arith.constant 0 : i32
        %parallel_loop3A_284 = arith.constant 0 : i32
        %parallel_loop3A_285 = arith.index_cast %parallel_loop3A_283 : i32 to index
        %parallel_loop3A_286 = arith.index_cast %parallel_loop3A_284 : i32 to index
        %parallel_loop3A_287 = arith.index_cast %parallel_loop3A_278 : i32 to index
        %parallel_loop3A_288 = tpu.vector_load %arg5[%parallel_loop3A_285, %parallel_loop3A_286, %parallel_loop3A_287] {strides = array<i32>} : memref<2x32x1024xf32, #tpu.memory_space<vmem>>, vector<16xf32>,
        %parallel_loop3A_289 = arith.constant 0 : i32
        %parallel_loop3A_290 = arith.constant 1 : i32
        %parallel_loop3A_291 = arith.index_cast %parallel_loop3A_289 : i32 to index
        %parallel_loop3A_292 = arith.index_cast %parallel_loop3A_290 : i32 to index
        %parallel_loop3A_293 = arith.index_cast %parallel_loop3A_278 : i32 to index
        %parallel_loop3A_294 = tpu.vector_load %arg5[%parallel_loop3A_291, %parallel_loop3A_292, %parallel_loop3A_293] {strides = array<i32>} : memref<2x32x1024xf32, #tpu.memory_space<vmem>>, vector<16xf32>,
        %parallel_loop3A_295 = arith.constant 0 : i32
        %parallel_loop3A_296 = arith.constant 2 : i32
        %parallel_loop3A_297 = arith.index_cast %parallel_loop3A_295 : i32 to index
        %parallel_loop3A_298 = arith.index_cast %parallel_loop3A_296 : i32 to index
        %parallel_loop3A_299 = arith.index_cast %parallel_loop3A_278 : i32 to index
        %parallel_loop3A_300 = tpu.vector_load %arg5[%parallel_loop3A_297, %parallel_loop3A_298, %parallel_loop3A_299] {strides = array<i32>} : memref<2x32x1024xf32, #tpu.memory_space<vmem>>, vector<16xf32>,
        %parallel_loop3A_301 = arith.constant 0 : i32
        %parallel_loop3A_302 = arith.constant 3 : i32
        %parallel_loop3A_303 = arith.index_cast %parallel_loop3A_301 : i32 to index
        %parallel_loop3A_304 = arith.index_cast %parallel_loop3A_302 : i32 to index
        %parallel_loop3A_305 = arith.index_cast %parallel_loop3A_278 : i32 to index
        %parallel_loop3A_306 = tpu.vector_load %arg5[%parallel_loop3A_303, %parallel_loop3A_304, %parallel_loop3A_305] {strides = array<i32>} : memref<2x32x1024xf32, #tpu.memory_space<vmem>>, vector<16xf32>,
        %parallel_loop3A_307 = arith.constant 0 : i32
        %parallel_loop3A_308 = arith.constant 4 : i32
        %parallel_loop3A_309 = arith.index_cast %parallel_loop3A_307 : i32 to index
        %parallel_loop3A_310 = arith.index_cast %parallel_loop3A_308 : i32 to index
        %parallel_loop3A_311 = arith.index_cast %parallel_loop3A_278 : i32 to index
        %parallel_loop3A_312 = tpu.vector_load %arg5[%parallel_loop3A_309, %parallel_loop3A_310, %parallel_loop3A_311] {strides = array<i32>} : memref<2x32x1024xf32, #tpu.memory_space<vmem>>, vector<16xf32>,
        %parallel_loop3A_313 = arith.constant 0 : i32
        %parallel_loop3A_314 = arith.constant 5 : i32
        %parallel_loop3A_315 = arith.index_cast %parallel_loop3A_313 : i32 to index
        %parallel_loop3A_316 = arith.index_cast %parallel_loop3A_314 : i32 to index
        %parallel_loop3A_317 = arith.index_cast %parallel_loop3A_278 : i32 to index
        %parallel_loop3A_318 = tpu.vector_load %arg5[%parallel_loop3A_315, %parallel_loop3A_316, %parallel_loop3A_317] {strides = array<i32>} : memref<2x32x1024xf32, #tpu.memory_space<vmem>>, vector<16xf32>,
        %parallel_loop3A_319 = arith.constant 0 : i32
        %parallel_loop3A_320 = arith.constant 6 : i32
        %parallel_loop3A_321 = arith.index_cast %parallel_loop3A_319 : i32 to index
        %parallel_loop3A_322 = arith.index_cast %parallel_loop3A_320 : i32 to index
        %parallel_loop3A_323 = arith.index_cast %parallel_loop3A_278 : i32 to index
        %parallel_loop3A_324 = tpu.vector_load %arg5[%parallel_loop3A_321, %parallel_loop3A_322, %parallel_loop3A_323] {strides = array<i32>} : memref<2x32x1024xf32, #tpu.memory_space<vmem>>, vector<16xf32>,
        %parallel_loop3A_325 = arith.constant 0 : i32
        %parallel_loop3A_326 = arith.constant 7 : i32
        %parallel_loop3A_327 = arith.index_cast %parallel_loop3A_325 : i32 to index
        %parallel_loop3A_328 = arith.index_cast %parallel_loop3A_326 : i32 to index
        %parallel_loop3A_329 = arith.index_cast %parallel_loop3A_278 : i32 to index
        %parallel_loop3A_330 = tpu.vector_load %arg5[%parallel_loop3A_327, %parallel_loop3A_328, %parallel_loop3A_329] {strides = array<i32>} : memref<2x32x1024xf32, #tpu.memory_space<vmem>>, vector<16xf32>,
        %parallel_loop3A_331 = arith.constant 0 : i32
        %parallel_loop3A_332 = arith.constant 8 : i32
        %parallel_loop3A_333 = arith.index_cast %parallel_loop3A_331 : i32 to index
        %parallel_loop3A_334 = arith.index_cast %parallel_loop3A_332 : i32 to index
        %parallel_loop3A_335 = arith.index_cast %parallel_loop3A_278 : i32 to index
        %parallel_loop3A_336 = tpu.vector_load %arg5[%parallel_loop3A_333, %parallel_loop3A_334, %parallel_loop3A_335] {strides = array<i32>} : memref<2x32x1024xf32, #tpu.memory_space<vmem>>, vector<16xf32>,
        %parallel_loop3A_337 = arith.constant 0 : i32
        %parallel_loop3A_338 = arith.constant 9 : i32
        %parallel_loop3A_339 = arith.index_cast %parallel_loop3A_337 : i32 to index
        %parallel_loop3A_340 = arith.index_cast %parallel_loop3A_338 : i32 to index
        %parallel_loop3A_341 = arith.index_cast %parallel_loop3A_278 : i32 to index
        %parallel_loop3A_342 = tpu.vector_load %arg5[%parallel_loop3A_339, %parallel_loop3A_340, %parallel_loop3A_341] {strides = array<i32>} : memref<2x32x1024xf32, #tpu.memory_space<vmem>>, vector<16xf32>,
        %parallel_loop3A_343 = arith.constant 0 : i32
        %parallel_loop3A_344 = arith.constant 10 : i32
        %parallel_loop3A_345 = arith.index_cast %parallel_loop3A_343 : i32 to index
        %parallel_loop3A_346 = arith.index_cast %parallel_loop3A_344 : i32 to index
        %parallel_loop3A_347 = arith.index_cast %parallel_loop3A_278 : i32 to index
        %parallel_loop3A_348 = tpu.vector_load %arg5[%parallel_loop3A_345, %parallel_loop3A_346, %parallel_loop3A_347] {strides = array<i32>} : memref<2x32x1024xf32, #tpu.memory_space<vmem>>, vector<16xf32>,
        %parallel_loop3A_349 = arith.constant 0 : i32
        %parallel_loop3A_350 = arith.constant 11 : i32
        %parallel_loop3A_351 = arith.index_cast %parallel_loop3A_349 : i32 to index
        %parallel_loop3A_352 = arith.index_cast %parallel_loop3A_350 : i32 to index
        %parallel_loop3A_353 = arith.index_cast %parallel_loop3A_278 : i32 to index
        %parallel_loop3A_354 = tpu.vector_load %arg5[%parallel_loop3A_351, %parallel_loop3A_352, %parallel_loop3A_353] {strides = array<i32>} : memref<2x32x1024xf32, #tpu.memory_space<vmem>>, vector<16xf32>,
        %parallel_loop3A_355 = arith.constant 0 : i32
        %parallel_loop3A_356 = arith.constant 12 : i32
        %parallel_loop3A_357 = arith.index_cast %parallel_loop3A_355 : i32 to index
        %parallel_loop3A_358 = arith.index_cast %parallel_loop3A_356 : i32 to index
        %parallel_loop3A_359 = arith.index_cast %parallel_loop3A_278 : i32 to index
        %parallel_loop3A_360 = tpu.vector_load %arg5[%parallel_loop3A_357, %parallel_loop3A_358, %parallel_loop3A_359] {strides = array<i32>} : memref<2x32x1024xf32, #tpu.memory_space<vmem>>, vector<16xf32>,
        %parallel_loop3A_361 = arith.constant 0 : i32
        %parallel_loop3A_362 = arith.constant 13 : i32
        %parallel_loop3A_363 = arith.index_cast %parallel_loop3A_361 : i32 to index
        %parallel_loop3A_364 = arith.index_cast %parallel_loop3A_362 : i32 to index
        %parallel_loop3A_365 = arith.index_cast %parallel_loop3A_278 : i32 to index
        %parallel_loop3A_366 = tpu.vector_load %arg5[%parallel_loop3A_363, %parallel_loop3A_364, %parallel_loop3A_365] {strides = array<i32>} : memref<2x32x1024xf32, #tpu.memory_space<vmem>>, vector<16xf32>,
        %parallel_loop3A_367 = arith.constant 0 : i32
        %parallel_loop3A_368 = arith.constant 14 : i32
        %parallel_loop3A_369 = arith.index_cast %parallel_loop3A_367 : i32 to index
        %parallel_loop3A_370 = arith.index_cast %parallel_loop3A_368 : i32 to index
        %parallel_loop3A_371 = arith.index_cast %parallel_loop3A_278 : i32 to index
        %parallel_loop3A_372 = tpu.vector_load %arg5[%parallel_loop3A_369, %parallel_loop3A_370, %parallel_loop3A_371] {strides = array<i32>} : memref<2x32x1024xf32, #tpu.memory_space<vmem>>, vector<16xf32>,
        %parallel_loop3A_373 = arith.constant 0 : i32
        %parallel_loop3A_374 = arith.constant 15 : i32
        %parallel_loop3A_375 = arith.index_cast %parallel_loop3A_373 : i32 to index
        %parallel_loop3A_376 = arith.index_cast %parallel_loop3A_374 : i32 to index
        %parallel_loop3A_377 = arith.index_cast %parallel_loop3A_278 : i32 to index
        %parallel_loop3A_378 = tpu.vector_load %arg5[%parallel_loop3A_375, %parallel_loop3A_376, %parallel_loop3A_377] {strides = array<i32>} : memref<2x32x1024xf32, #tpu.memory_space<vmem>>, vector<16xf32>,
        %parallel_loop3A_379 = arith.constant 0 : i32
        %parallel_loop3A_380 = arith.constant 16 : i32
        %parallel_loop3A_381 = arith.index_cast %parallel_loop3A_379 : i32 to index
        %parallel_loop3A_382 = arith.index_cast %parallel_loop3A_380 : i32 to index
        %parallel_loop3A_383 = arith.index_cast %parallel_loop3A_278 : i32 to index
        %parallel_loop3A_384 = tpu.vector_load %arg5[%parallel_loop3A_381, %parallel_loop3A_382, %parallel_loop3A_383] {strides = array<i32>} : memref<2x32x1024xf32, #tpu.memory_space<vmem>>, vector<16xf32>,
        %parallel_loop3A_385 = arith.constant 0 : i32
        %parallel_loop3A_386 = arith.constant 17 : i32
        %parallel_loop3A_387 = arith.index_cast %parallel_loop3A_385 : i32 to index
        %parallel_loop3A_388 = arith.index_cast %parallel_loop3A_386 : i32 to index
        %parallel_loop3A_389 = arith.index_cast %parallel_loop3A_278 : i32 to index
        %parallel_loop3A_390 = tpu.vector_load %arg5[%parallel_loop3A_387, %parallel_loop3A_388, %parallel_loop3A_389] {strides = array<i32>} : memref<2x32x1024xf32, #tpu.memory_space<vmem>>, vector<16xf32>,
        %parallel_loop3A_391 = arith.constant 0 : i32
        %parallel_loop3A_392 = arith.constant 18 : i32
        %parallel_loop3A_393 = arith.index_cast %parallel_loop3A_391 : i32 to index
        %parallel_loop3A_394 = arith.index_cast %parallel_loop3A_392 : i32 to index
        %parallel_loop3A_395 = arith.index_cast %parallel_loop3A_278 : i32 to index
        %parallel_loop3A_396 = tpu.vector_load %arg5[%parallel_loop3A_393, %parallel_loop3A_394, %parallel_loop3A_395] {strides = array<i32>} : memref<2x32x1024xf32, #tpu.memory_space<vmem>>, vector<16xf32>,
        %parallel_loop3A_397 = arith.constant 0 : i32
        %parallel_loop3A_398 = arith.constant 19 : i32
        %parallel_loop3A_399 = arith.index_cast %parallel_loop3A_397 : i32 to index
        %parallel_loop3A_400 = arith.index_cast %parallel_loop3A_398 : i32 to index
        %parallel_loop3A_401 = arith.index_cast %parallel_loop3A_278 : i32 to index
        %parallel_loop3A_402 = tpu.vector_load %arg5[%parallel_loop3A_399, %parallel_loop3A_400, %parallel_loop3A_401] {strides = array<i32>} : memref<2x32x1024xf32, #tpu.memory_space<vmem>>, vector<16xf32>,
        %parallel_loop3A_403 = arith.constant 0 : i32
        %parallel_loop3A_404 = arith.constant 20 : i32
        %parallel_loop3A_405 = arith.index_cast %parallel_loop3A_403 : i32 to index
        %parallel_loop3A_406 = arith.index_cast %parallel_loop3A_404 : i32 to index
        %parallel_loop3A_407 = arith.index_cast %parallel_loop3A_278 : i32 to index
        %parallel_loop3A_408 = tpu.vector_load %arg5[%parallel_loop3A_405, %parallel_loop3A_406, %parallel_loop3A_407] {strides = array<i32>} : memref<2x32x1024xf32, #tpu.memory_space<vmem>>, vector<16xf32>,
        %parallel_loop3A_409 = arith.constant 0 : i32
        %parallel_loop3A_410 = arith.constant 21 : i32
        %parallel_loop3A_411 = arith.index_cast %parallel_loop3A_409 : i32 to index
        %parallel_loop3A_412 = arith.index_cast %parallel_loop3A_410 : i32 to index
        %parallel_loop3A_413 = arith.index_cast %parallel_loop3A_278 : i32 to index
        %parallel_loop3A_414 = tpu.vector_load %arg5[%parallel_loop3A_411, %parallel_loop3A_412, %parallel_loop3A_413] {strides = array<i32>} : memref<2x32x1024xf32, #tpu.memory_space<vmem>>, vector<16xf32>,
        %parallel_loop3A_415 = arith.constant 0 : i32
        %parallel_loop3A_416 = arith.constant 22 : i32
        %parallel_loop3A_417 = arith.index_cast %parallel_loop3A_415 : i32 to index
        %parallel_loop3A_418 = arith.index_cast %parallel_loop3A_416 : i32 to index
        %parallel_loop3A_419 = arith.index_cast %parallel_loop3A_278 : i32 to index
        %parallel_loop3A_420 = tpu.vector_load %arg5[%parallel_loop3A_417, %parallel_loop3A_418, %parallel_loop3A_419] {strides = array<i32>} : memref<2x32x1024xf32, #tpu.memory_space<vmem>>, vector<16xf32>,
        %parallel_loop3A_421 = arith.constant 0 : i32
        %parallel_loop3A_422 = arith.constant 23 : i32
        %parallel_loop3A_423 = arith.index_cast %parallel_loop3A_421 : i32 to index
        %parallel_loop3A_424 = arith.index_cast %parallel_loop3A_422 : i32 to index
        %parallel_loop3A_425 = arith.index_cast %parallel_loop3A_278 : i32 to index
        %parallel_loop3A_426 = tpu.vector_load %arg5[%parallel_loop3A_423, %parallel_loop3A_424, %parallel_loop3A_425] {strides = array<i32>} : memref<2x32x1024xf32, #tpu.memory_space<vmem>>, vector<16xf32>,
        %parallel_loop3A_427 = arith.constant 0 : i32
        %parallel_loop3A_428 = arith.constant 24 : i32
        %parallel_loop3A_429 = arith.index_cast %parallel_loop3A_427 : i32 to index
        %parallel_loop3A_430 = arith.index_cast %parallel_loop3A_428 : i32 to index
        %parallel_loop3A_431 = arith.index_cast %parallel_loop3A_278 : i32 to index
        %parallel_loop3A_432 = tpu.vector_load %arg5[%parallel_loop3A_429, %parallel_loop3A_430, %parallel_loop3A_431] {strides = array<i32>} : memref<2x32x1024xf32, #tpu.memory_space<vmem>>, vector<16xf32>,
        %parallel_loop3A_433 = arith.constant 0 : i32
        %parallel_loop3A_434 = arith.constant 25 : i32
        %parallel_loop3A_435 = arith.index_cast %parallel_loop3A_433 : i32 to index
        %parallel_loop3A_436 = arith.index_cast %parallel_loop3A_434 : i32 to index
        %parallel_loop3A_437 = arith.index_cast %parallel_loop3A_278 : i32 to index
        %parallel_loop3A_438 = tpu.vector_load %arg5[%parallel_loop3A_435, %parallel_loop3A_436, %parallel_loop3A_437] {strides = array<i32>} : memref<2x32x1024xf32, #tpu.memory_space<vmem>>, vector<16xf32>,
        %parallel_loop3A_439 = arith.constant 0 : i32
        %parallel_loop3A_440 = arith.constant 26 : i32
        %parallel_loop3A_441 = arith.index_cast %parallel_loop3A_439 : i32 to index
        %parallel_loop3A_442 = arith.index_cast %parallel_loop3A_440 : i32 to index
        %parallel_loop3A_443 = arith.index_cast %parallel_loop3A_278 : i32 to index
        %parallel_loop3A_444 = tpu.vector_load %arg5[%parallel_loop3A_441, %parallel_loop3A_442, %parallel_loop3A_443] {strides = array<i32>} : memref<2x32x1024xf32, #tpu.memory_space<vmem>>, vector<16xf32>,
        %parallel_loop3A_445 = arith.constant 0 : i32
        %parallel_loop3A_446 = arith.constant 27 : i32
        %parallel_loop3A_447 = arith.index_cast %parallel_loop3A_445 : i32 to index
        %parallel_loop3A_448 = arith.index_cast %parallel_loop3A_446 : i32 to index
        %parallel_loop3A_449 = arith.index_cast %parallel_loop3A_278 : i32 to index
        %parallel_loop3A_450 = tpu.vector_load %arg5[%parallel_loop3A_447, %parallel_loop3A_448, %parallel_loop3A_449] {strides = array<i32>} : memref<2x32x1024xf32, #tpu.memory_space<vmem>>, vector<16xf32>,
        %parallel_loop3A_451 = arith.constant 0 : i32
        %parallel_loop3A_452 = arith.constant 28 : i32
        %parallel_loop3A_453 = arith.index_cast %parallel_loop3A_451 : i32 to index
        %parallel_loop3A_454 = arith.index_cast %parallel_loop3A_452 : i32 to index
        %parallel_loop3A_455 = arith.index_cast %parallel_loop3A_278 : i32 to index
        %parallel_loop3A_456 = tpu.vector_load %arg5[%parallel_loop3A_453, %parallel_loop3A_454, %parallel_loop3A_455] {strides = array<i32>} : memref<2x32x1024xf32, #tpu.memory_space<vmem>>, vector<16xf32>,
        %parallel_loop3A_457 = arith.constant 0 : i32
        %parallel_loop3A_458 = arith.constant 29 : i32
        %parallel_loop3A_459 = arith.index_cast %parallel_loop3A_457 : i32 to index
        %parallel_loop3A_460 = arith.index_cast %parallel_loop3A_458 : i32 to index
        %parallel_loop3A_461 = arith.index_cast %parallel_loop3A_278 : i32 to index
        %parallel_loop3A_462 = tpu.vector_load %arg5[%parallel_loop3A_459, %parallel_loop3A_460, %parallel_loop3A_461] {strides = array<i32>} : memref<2x32x1024xf32, #tpu.memory_space<vmem>>, vector<16xf32>,
        %parallel_loop3A_463 = arith.constant 0 : i32
        %parallel_loop3A_464 = arith.constant 30 : i32
        %parallel_loop3A_465 = arith.index_cast %parallel_loop3A_463 : i32 to index
        %parallel_loop3A_466 = arith.index_cast %parallel_loop3A_464 : i32 to index
        %parallel_loop3A_467 = arith.index_cast %parallel_loop3A_278 : i32 to index
        %parallel_loop3A_468 = tpu.vector_load %arg5[%parallel_loop3A_465, %parallel_loop3A_466, %parallel_loop3A_467] {strides = array<i32>} : memref<2x32x1024xf32, #tpu.memory_space<vmem>>, vector<16xf32>,
        %parallel_loop3A_469 = arith.constant 0 : i32
        %parallel_loop3A_470 = arith.constant 31 : i32
        %parallel_loop3A_471 = arith.index_cast %parallel_loop3A_469 : i32 to index
        %parallel_loop3A_472 = arith.index_cast %parallel_loop3A_470 : i32 to index
        %parallel_loop3A_473 = arith.index_cast %parallel_loop3A_278 : i32 to index
        %parallel_loop3A_474 = tpu.vector_load %arg5[%parallel_loop3A_471, %parallel_loop3A_472, %parallel_loop3A_473] {strides = array<i32>} : memref<2x32x1024xf32, #tpu.memory_space<vmem>>, vector<16xf32>,
        %parallel_loop3A_475 = arith.mulf %parallel_loop3A_288, %parallel_loop3A_288 : vector<16xf32>
        %parallel_loop3A_476 = arith.mulf %parallel_loop3A_294, %parallel_loop3A_294 : vector<16xf32>
        %parallel_loop3A_477 = arith.mulf %parallel_loop3A_300, %parallel_loop3A_300 : vector<16xf32>
        %parallel_loop3A_478 = arith.mulf %parallel_loop3A_306, %parallel_loop3A_306 : vector<16xf32>
        %parallel_loop3A_479 = arith.mulf %parallel_loop3A_312, %parallel_loop3A_312 : vector<16xf32>
        %parallel_loop3A_480 = arith.mulf %parallel_loop3A_318, %parallel_loop3A_318 : vector<16xf32>
        %parallel_loop3A_481 = arith.mulf %parallel_loop3A_324, %parallel_loop3A_324 : vector<16xf32>
        %parallel_loop3A_482 = arith.mulf %parallel_loop3A_330, %parallel_loop3A_330 : vector<16xf32>
        %parallel_loop3A_483 = arith.mulf %parallel_loop3A_336, %parallel_loop3A_336 : vector<16xf32>
        %parallel_loop3A_484 = arith.mulf %parallel_loop3A_342, %parallel_loop3A_342 : vector<16xf32>
        %parallel_loop3A_485 = arith.mulf %parallel_loop3A_348, %parallel_loop3A_348 : vector<16xf32>
        %parallel_loop3A_486 = arith.mulf %parallel_loop3A_354, %parallel_loop3A_354 : vector<16xf32>
        %parallel_loop3A_487 = arith.mulf %parallel_loop3A_360, %parallel_loop3A_360 : vector<16xf32>
        %parallel_loop3A_488 = arith.mulf %parallel_loop3A_366, %parallel_loop3A_366 : vector<16xf32>
        %parallel_loop3A_489 = arith.mulf %parallel_loop3A_372, %parallel_loop3A_372 : vector<16xf32>
        %parallel_loop3A_490 = arith.mulf %parallel_loop3A_378, %parallel_loop3A_378 : vector<16xf32>
        %parallel_loop3A_491 = arith.mulf %parallel_loop3A_384, %parallel_loop3A_384 : vector<16xf32>
        %parallel_loop3A_492 = arith.mulf %parallel_loop3A_390, %parallel_loop3A_390 : vector<16xf32>
        %parallel_loop3A_493 = arith.mulf %parallel_loop3A_396, %parallel_loop3A_396 : vector<16xf32>
        %parallel_loop3A_494 = arith.mulf %parallel_loop3A_402, %parallel_loop3A_402 : vector<16xf32>
        %parallel_loop3A_495 = arith.mulf %parallel_loop3A_408, %parallel_loop3A_408 : vector<16xf32>
        %parallel_loop3A_496 = arith.mulf %parallel_loop3A_414, %parallel_loop3A_414 : vector<16xf32>
        %parallel_loop3A_497 = arith.mulf %parallel_loop3A_420, %parallel_loop3A_420 : vector<16xf32>
        %parallel_loop3A_498 = arith.mulf %parallel_loop3A_426, %parallel_loop3A_426 : vector<16xf32>
        %parallel_loop3A_499 = arith.mulf %parallel_loop3A_432, %parallel_loop3A_432 : vector<16xf32>
        %parallel_loop3A_500 = arith.mulf %parallel_loop3A_438, %parallel_loop3A_438 : vector<16xf32>
        %parallel_loop3A_501 = arith.mulf %parallel_loop3A_444, %parallel_loop3A_444 : vector<16xf32>
        %parallel_loop3A_502 = arith.mulf %parallel_loop3A_450, %parallel_loop3A_450 : vector<16xf32>
        %parallel_loop3A_503 = arith.mulf %parallel_loop3A_456, %parallel_loop3A_456 : vector<16xf32>
        %parallel_loop3A_504 = arith.mulf %parallel_loop3A_462, %parallel_loop3A_462 : vector<16xf32>
        %parallel_loop3A_505 = arith.mulf %parallel_loop3A_468, %parallel_loop3A_468 : vector<16xf32>
        %parallel_loop3A_506 = arith.mulf %parallel_loop3A_474, %parallel_loop3A_474 : vector<16xf32>
        %parallel_loop3A_507 = arith.addf %parallel_loop3A_475, %parallel_loop3A_476 : vector<16xf32>
        %parallel_loop3A_508 = arith.addf %parallel_loop3A_477, %parallel_loop3A_478 : vector<16xf32>
        %parallel_loop3A_509 = arith.addf %parallel_loop3A_479, %parallel_loop3A_480 : vector<16xf32>
        %parallel_loop3A_510 = arith.addf %parallel_loop3A_481, %parallel_loop3A_482 : vector<16xf32>
        %parallel_loop3A_511 = arith.addf %parallel_loop3A_483, %parallel_loop3A_484 : vector<16xf32>
        %parallel_loop3A_512 = arith.addf %parallel_loop3A_485, %parallel_loop3A_486 : vector<16xf32>
        %parallel_loop3A_513 = arith.addf %parallel_loop3A_487, %parallel_loop3A_488 : vector<16xf32>
        %parallel_loop3A_514 = arith.addf %parallel_loop3A_489, %parallel_loop3A_490 : vector<16xf32>
        %parallel_loop3A_515 = arith.addf %parallel_loop3A_491, %parallel_loop3A_492 : vector<16xf32>
        %parallel_loop3A_516 = arith.addf %parallel_loop3A_493, %parallel_loop3A_494 : vector<16xf32>
        %parallel_loop3A_517 = arith.addf %parallel_loop3A_495, %parallel_loop3A_496 : vector<16xf32>
        %parallel_loop3A_518 = arith.addf %parallel_loop3A_497, %parallel_loop3A_498 : vector<16xf32>
        %parallel_loop3A_519 = arith.addf %parallel_loop3A_499, %parallel_loop3A_500 : vector<16xf32>
        %parallel_loop3A_520 = arith.addf %parallel_loop3A_501, %parallel_loop3A_502 : vector<16xf32>
        %parallel_loop3A_521 = arith.addf %parallel_loop3A_503, %parallel_loop3A_504 : vector<16xf32>
        %parallel_loop3A_522 = arith.addf %parallel_loop3A_505, %parallel_loop3A_506 : vector<16xf32>
        %parallel_loop3A_523 = arith.addf %parallel_loop3A_507, %parallel_loop3A_508 : vector<16xf32>
        %parallel_loop3A_524 = arith.addf %parallel_loop3A_509, %parallel_loop3A_510 : vector<16xf32>
        %parallel_loop3A_525 = arith.addf %parallel_loop3A_511, %parallel_loop3A_512 : vector<16xf32>
        %parallel_loop3A_526 = arith.addf %parallel_loop3A_513, %parallel_loop3A_514 : vector<16xf32>
        %parallel_loop3A_527 = arith.addf %parallel_loop3A_515, %parallel_loop3A_516 : vector<16xf32>
        %parallel_loop3A_528 = arith.addf %parallel_loop3A_517, %parallel_loop3A_518 : vector<16xf32>
        %parallel_loop3A_529 = arith.addf %parallel_loop3A_519, %parallel_loop3A_520 : vector<16xf32>
        %parallel_loop3A_530 = arith.addf %parallel_loop3A_521, %parallel_loop3A_522 : vector<16xf32>
        %parallel_loop3A_531 = arith.addf %parallel_loop3A_523, %parallel_loop3A_524 : vector<16xf32>
        %parallel_loop3A_532 = arith.addf %parallel_loop3A_525, %parallel_loop3A_526 : vector<16xf32>
        %parallel_loop3A_533 = arith.addf %parallel_loop3A_527, %parallel_loop3A_528 : vector<16xf32>
        %parallel_loop3A_534 = arith.addf %parallel_loop3A_529, %parallel_loop3A_530 : vector<16xf32>
        %parallel_loop3A_535 = arith.addf %parallel_loop3A_531, %parallel_loop3A_532 : vector<16xf32>
        %parallel_loop3A_536 = arith.addf %parallel_loop3A_533, %parallel_loop3A_534 : vector<16xf32>
        %parallel_loop3A_537 = arith.addf %parallel_loop3A_535, %parallel_loop3A_536 : vector<16xf32>
        %parallel_loop3A_538 = arith.constant 0 : i32
        %parallel_loop3A_539 = tpu.memref_slice %arg7[%parallel_loop3A_538] : memref<544xf32, #tpu.memory_space<vmem>> -> memref<16xf32, #tpu.memory_space<vmem>>
        tpu.vector_store_idx %parallel_loop3A_539[%parallel_loop3A_282], %parallel_loop3A_288 {add = true} : memref<16xf32, #tpu.memory_space<vmem>>[vector<16xi32>], vector<16xf32>,
        %parallel_loop3A_540 = arith.constant 16 : i32
        %parallel_loop3A_541 = tpu.memref_slice %arg7[%parallel_loop3A_540] : memref<544xf32, #tpu.memory_space<vmem>> -> memref<16xf32, #tpu.memory_space<vmem>>
        tpu.vector_store_idx %parallel_loop3A_541[%parallel_loop3A_282], %parallel_loop3A_294 {add = true} : memref<16xf32, #tpu.memory_space<vmem>>[vector<16xi32>], vector<16xf32>,
        %parallel_loop3A_542 = arith.constant 32 : i32
        %parallel_loop3A_543 = tpu.memref_slice %arg7[%parallel_loop3A_542] : memref<544xf32, #tpu.memory_space<vmem>> -> memref<16xf32, #tpu.memory_space<vmem>>
        tpu.vector_store_idx %parallel_loop3A_543[%parallel_loop3A_282], %parallel_loop3A_300 {add = true} : memref<16xf32, #tpu.memory_space<vmem>>[vector<16xi32>], vector<16xf32>,
        %parallel_loop3A_544 = arith.constant 48 : i32
        %parallel_loop3A_545 = tpu.memref_slice %arg7[%parallel_loop3A_544] : memref<544xf32, #tpu.memory_space<vmem>> -> memref<16xf32, #tpu.memory_space<vmem>>
        tpu.vector_store_idx %parallel_loop3A_545[%parallel_loop3A_282], %parallel_loop3A_306 {add = true} : memref<16xf32, #tpu.memory_space<vmem>>[vector<16xi32>], vector<16xf32>,
        %parallel_loop3A_546 = arith.constant 64 : i32
        %parallel_loop3A_547 = tpu.memref_slice %arg7[%parallel_loop3A_546] : memref<544xf32, #tpu.memory_space<vmem>> -> memref<16xf32, #tpu.memory_space<vmem>>
        tpu.vector_store_idx %parallel_loop3A_547[%parallel_loop3A_282], %parallel_loop3A_312 {add = true} : memref<16xf32, #tpu.memory_space<vmem>>[vector<16xi32>], vector<16xf32>,
        %parallel_loop3A_548 = arith.constant 80 : i32
        %parallel_loop3A_549 = tpu.memref_slice %arg7[%parallel_loop3A_548] : memref<544xf32, #tpu.memory_space<vmem>> -> memref<16xf32, #tpu.memory_space<vmem>>
        tpu.vector_store_idx %parallel_loop3A_549[%parallel_loop3A_282], %parallel_loop3A_318 {add = true} : memref<16xf32, #tpu.memory_space<vmem>>[vector<16xi32>], vector<16xf32>,
        %parallel_loop3A_550 = arith.constant 96 : i32
        %parallel_loop3A_551 = tpu.memref_slice %arg7[%parallel_loop3A_550] : memref<544xf32, #tpu.memory_space<vmem>> -> memref<16xf32, #tpu.memory_space<vmem>>
        tpu.vector_store_idx %parallel_loop3A_551[%parallel_loop3A_282], %parallel_loop3A_324 {add = true} : memref<16xf32, #tpu.memory_space<vmem>>[vector<16xi32>], vector<16xf32>,
        %parallel_loop3A_552 = arith.constant 112 : i32
        %parallel_loop3A_553 = tpu.memref_slice %arg7[%parallel_loop3A_552] : memref<544xf32, #tpu.memory_space<vmem>> -> memref<16xf32, #tpu.memory_space<vmem>>
        tpu.vector_store_idx %parallel_loop3A_553[%parallel_loop3A_282], %parallel_loop3A_330 {add = true} : memref<16xf32, #tpu.memory_space<vmem>>[vector<16xi32>], vector<16xf32>,
        %parallel_loop3A_554 = arith.constant 128 : i32
        %parallel_loop3A_555 = tpu.memref_slice %arg7[%parallel_loop3A_554] : memref<544xf32, #tpu.memory_space<vmem>> -> memref<16xf32, #tpu.memory_space<vmem>>
        tpu.vector_store_idx %parallel_loop3A_555[%parallel_loop3A_282], %parallel_loop3A_336 {add = true} : memref<16xf32, #tpu.memory_space<vmem>>[vector<16xi32>], vector<16xf32>,
        %parallel_loop3A_556 = arith.constant 144 : i32
        %parallel_loop3A_557 = tpu.memref_slice %arg7[%parallel_loop3A_556] : memref<544xf32, #tpu.memory_space<vmem>> -> memref<16xf32, #tpu.memory_space<vmem>>
        tpu.vector_store_idx %parallel_loop3A_557[%parallel_loop3A_282], %parallel_loop3A_342 {add = true} : memref<16xf32, #tpu.memory_space<vmem>>[vector<16xi32>], vector<16xf32>,
        %parallel_loop3A_558 = arith.constant 160 : i32
        %parallel_loop3A_559 = tpu.memref_slice %arg7[%parallel_loop3A_558] : memref<544xf32, #tpu.memory_space<vmem>> -> memref<16xf32, #tpu.memory_space<vmem>>
        tpu.vector_store_idx %parallel_loop3A_559[%parallel_loop3A_282], %parallel_loop3A_348 {add = true} : memref<16xf32, #tpu.memory_space<vmem>>[vector<16xi32>], vector<16xf32>,
        %parallel_loop3A_560 = arith.constant 176 : i32
        %parallel_loop3A_561 = tpu.memref_slice %arg7[%parallel_loop3A_560] : memref<544xf32, #tpu.memory_space<vmem>> -> memref<16xf32, #tpu.memory_space<vmem>>
        tpu.vector_store_idx %parallel_loop3A_561[%parallel_loop3A_282], %parallel_loop3A_354 {add = true} : memref<16xf32, #tpu.memory_space<vmem>>[vector<16xi32>], vector<16xf32>,
        %parallel_loop3A_562 = arith.constant 192 : i32
        %parallel_loop3A_563 = tpu.memref_slice %arg7[%parallel_loop3A_562] : memref<544xf32, #tpu.memory_space<vmem>> -> memref<16xf32, #tpu.memory_space<vmem>>
        tpu.vector_store_idx %parallel_loop3A_563[%parallel_loop3A_282], %parallel_loop3A_360 {add = true} : memref<16xf32, #tpu.memory_space<vmem>>[vector<16xi32>], vector<16xf32>,
        %parallel_loop3A_564 = arith.constant 208 : i32
        %parallel_loop3A_565 = tpu.memref_slice %arg7[%parallel_loop3A_564] : memref<544xf32, #tpu.memory_space<vmem>> -> memref<16xf32, #tpu.memory_space<vmem>>
        tpu.vector_store_idx %parallel_loop3A_565[%parallel_loop3A_282], %parallel_loop3A_366 {add = true} : memref<16xf32, #tpu.memory_space<vmem>>[vector<16xi32>], vector<16xf32>,
        %parallel_loop3A_566 = arith.constant 224 : i32
        %parallel_loop3A_567 = tpu.memref_slice %arg7[%parallel_loop3A_566] : memref<544xf32, #tpu.memory_space<vmem>> -> memref<16xf32, #tpu.memory_space<vmem>>
        tpu.vector_store_idx %parallel_loop3A_567[%parallel_loop3A_282], %parallel_loop3A_372 {add = true} : memref<16xf32, #tpu.memory_space<vmem>>[vector<16xi32>], vector<16xf32>,
        %parallel_loop3A_568 = arith.constant 240 : i32
        %parallel_loop3A_569 = tpu.memref_slice %arg7[%parallel_loop3A_568] : memref<544xf32, #tpu.memory_space<vmem>> -> memref<16xf32, #tpu.memory_space<vmem>>
        tpu.vector_store_idx %parallel_loop3A_569[%parallel_loop3A_282], %parallel_loop3A_378 {add = true} : memref<16xf32, #tpu.memory_space<vmem>>[vector<16xi32>], vector<16xf32>,
        %parallel_loop3A_570 = arith.constant 256 : i32
        %parallel_loop3A_571 = tpu.memref_slice %arg7[%parallel_loop3A_570] : memref<544xf32, #tpu.memory_space<vmem>> -> memref<16xf32, #tpu.memory_space<vmem>>
        tpu.vector_store_idx %parallel_loop3A_571[%parallel_loop3A_282], %parallel_loop3A_384 {add = true} : memref<16xf32, #tpu.memory_space<vmem>>[vector<16xi32>], vector<16xf32>,
        %parallel_loop3A_572 = arith.constant 272 : i32
        %parallel_loop3A_573 = tpu.memref_slice %arg7[%parallel_loop3A_572] : memref<544xf32, #tpu.memory_space<vmem>> -> memref<16xf32, #tpu.memory_space<vmem>>
        tpu.vector_store_idx %parallel_loop3A_573[%parallel_loop3A_282], %parallel_loop3A_390 {add = true} : memref<16xf32, #tpu.memory_space<vmem>>[vector<16xi32>], vector<16xf32>,
        %parallel_loop3A_574 = arith.constant 288 : i32
        %parallel_loop3A_575 = tpu.memref_slice %arg7[%parallel_loop3A_574] : memref<544xf32, #tpu.memory_space<vmem>> -> memref<16xf32, #tpu.memory_space<vmem>>
        tpu.vector_store_idx %parallel_loop3A_575[%parallel_loop3A_282], %parallel_loop3A_396 {add = true} : memref<16xf32, #tpu.memory_space<vmem>>[vector<16xi32>], vector<16xf32>,
        %parallel_loop3A_576 = arith.constant 304 : i32
        %parallel_loop3A_577 = tpu.memref_slice %arg7[%parallel_loop3A_576] : memref<544xf32, #tpu.memory_space<vmem>> -> memref<16xf32, #tpu.memory_space<vmem>>
        tpu.vector_store_idx %parallel_loop3A_577[%parallel_loop3A_282], %parallel_loop3A_402 {add = true} : memref<16xf32, #tpu.memory_space<vmem>>[vector<16xi32>], vector<16xf32>,
        %parallel_loop3A_578 = arith.constant 320 : i32
        %parallel_loop3A_579 = tpu.memref_slice %arg7[%parallel_loop3A_578] : memref<544xf32, #tpu.memory_space<vmem>> -> memref<16xf32, #tpu.memory_space<vmem>>
        tpu.vector_store_idx %parallel_loop3A_579[%parallel_loop3A_282], %parallel_loop3A_408 {add = true} : memref<16xf32, #tpu.memory_space<vmem>>[vector<16xi32>], vector<16xf32>,
        %parallel_loop3A_580 = arith.constant 336 : i32
        %parallel_loop3A_581 = tpu.memref_slice %arg7[%parallel_loop3A_580] : memref<544xf32, #tpu.memory_space<vmem>> -> memref<16xf32, #tpu.memory_space<vmem>>
        tpu.vector_store_idx %parallel_loop3A_581[%parallel_loop3A_282], %parallel_loop3A_414 {add = true} : memref<16xf32, #tpu.memory_space<vmem>>[vector<16xi32>], vector<16xf32>,
        %parallel_loop3A_582 = arith.constant 352 : i32
        %parallel_loop3A_583 = tpu.memref_slice %arg7[%parallel_loop3A_582] : memref<544xf32, #tpu.memory_space<vmem>> -> memref<16xf32, #tpu.memory_space<vmem>>
        tpu.vector_store_idx %parallel_loop3A_583[%parallel_loop3A_282], %parallel_loop3A_420 {add = true} : memref<16xf32, #tpu.memory_space<vmem>>[vector<16xi32>], vector<16xf32>,
        %parallel_loop3A_584 = arith.constant 368 : i32
        %parallel_loop3A_585 = tpu.memref_slice %arg7[%parallel_loop3A_584] : memref<544xf32, #tpu.memory_space<vmem>> -> memref<16xf32, #tpu.memory_space<vmem>>
        tpu.vector_store_idx %parallel_loop3A_585[%parallel_loop3A_282], %parallel_loop3A_426 {add = true} : memref<16xf32, #tpu.memory_space<vmem>>[vector<16xi32>], vector<16xf32>,
        %parallel_loop3A_586 = arith.constant 384 : i32
        %parallel_loop3A_587 = tpu.memref_slice %arg7[%parallel_loop3A_586] : memref<544xf32, #tpu.memory_space<vmem>> -> memref<16xf32, #tpu.memory_space<vmem>>
        tpu.vector_store_idx %parallel_loop3A_587[%parallel_loop3A_282], %parallel_loop3A_432 {add = true} : memref<16xf32, #tpu.memory_space<vmem>>[vector<16xi32>], vector<16xf32>,
        %parallel_loop3A_588 = arith.constant 400 : i32
        %parallel_loop3A_589 = tpu.memref_slice %arg7[%parallel_loop3A_588] : memref<544xf32, #tpu.memory_space<vmem>> -> memref<16xf32, #tpu.memory_space<vmem>>
        tpu.vector_store_idx %parallel_loop3A_589[%parallel_loop3A_282], %parallel_loop3A_438 {add = true} : memref<16xf32, #tpu.memory_space<vmem>>[vector<16xi32>], vector<16xf32>,
        %parallel_loop3A_590 = arith.constant 416 : i32
        %parallel_loop3A_591 = tpu.memref_slice %arg7[%parallel_loop3A_590] : memref<544xf32, #tpu.memory_space<vmem>> -> memref<16xf32, #tpu.memory_space<vmem>>
        tpu.vector_store_idx %parallel_loop3A_591[%parallel_loop3A_282], %parallel_loop3A_444 {add = true} : memref<16xf32, #tpu.memory_space<vmem>>[vector<16xi32>], vector<16xf32>,
        %parallel_loop3A_592 = arith.constant 432 : i32
        %parallel_loop3A_593 = tpu.memref_slice %arg7[%parallel_loop3A_592] : memref<544xf32, #tpu.memory_space<vmem>> -> memref<16xf32, #tpu.memory_space<vmem>>
        tpu.vector_store_idx %parallel_loop3A_593[%parallel_loop3A_282], %parallel_loop3A_450 {add = true} : memref<16xf32, #tpu.memory_space<vmem>>[vector<16xi32>], vector<16xf32>,
        %parallel_loop3A_594 = arith.constant 448 : i32
        %parallel_loop3A_595 = tpu.memref_slice %arg7[%parallel_loop3A_594] : memref<544xf32, #tpu.memory_space<vmem>> -> memref<16xf32, #tpu.memory_space<vmem>>
        tpu.vector_store_idx %parallel_loop3A_595[%parallel_loop3A_282], %parallel_loop3A_456 {add = true} : memref<16xf32, #tpu.memory_space<vmem>>[vector<16xi32>], vector<16xf32>,
        %parallel_loop3A_596 = arith.constant 464 : i32
        %parallel_loop3A_597 = tpu.memref_slice %arg7[%parallel_loop3A_596] : memref<544xf32, #tpu.memory_space<vmem>> -> memref<16xf32, #tpu.memory_space<vmem>>
        tpu.vector_store_idx %parallel_loop3A_597[%parallel_loop3A_282], %parallel_loop3A_462 {add = true} : memref<16xf32, #tpu.memory_space<vmem>>[vector<16xi32>], vector<16xf32>,
        %parallel_loop3A_598 = arith.constant 480 : i32
        %parallel_loop3A_599 = tpu.memref_slice %arg7[%parallel_loop3A_598] : memref<544xf32, #tpu.memory_space<vmem>> -> memref<16xf32, #tpu.memory_space<vmem>>
        tpu.vector_store_idx %parallel_loop3A_599[%parallel_loop3A_282], %parallel_loop3A_468 {add = true} : memref<16xf32, #tpu.memory_space<vmem>>[vector<16xi32>], vector<16xf32>,
        %parallel_loop3A_600 = arith.constant 496 : i32
        %parallel_loop3A_601 = tpu.memref_slice %arg7[%parallel_loop3A_600] : memref<544xf32, #tpu.memory_space<vmem>> -> memref<16xf32, #tpu.memory_space<vmem>>
        tpu.vector_store_idx %parallel_loop3A_601[%parallel_loop3A_282], %parallel_loop3A_474 {add = true} : memref<16xf32, #tpu.memory_space<vmem>>[vector<16xi32>], vector<16xf32>,
        %parallel_loop3A_602 = arith.constant 512 : i32
        %parallel_loop3A_603 = tpu.memref_slice %arg7[%parallel_loop3A_602] : memref<544xf32, #tpu.memory_space<vmem>> -> memref<16xf32, #tpu.memory_space<vmem>>
        tpu.vector_store_idx %parallel_loop3A_603[%parallel_loop3A_282], %parallel_loop3A_537 {add = true} : memref<16xf32, #tpu.memory_space<vmem>>[vector<16xi32>], vector<16xf32>,
        %parallel_loop3A_604 = arith.constant 1.000000e+00 : f32
        %parallel_loop3A_605 = vector.broadcast %parallel_loop3A_604 : f32 to vector<16xf32>
        %parallel_loop3A_606 = arith.constant 528 : i32
        %parallel_loop3A_607 = tpu.memref_slice %arg7[%parallel_loop3A_606] : memref<544xf32, #tpu.memory_space<vmem>> -> memref<16xf32, #tpu.memory_space<vmem>>
        tpu.vector_store_idx %parallel_loop3A_607[%parallel_loop3A_282], %parallel_loop3A_605 {add = true} : memref<16xf32, #tpu.memory_space<vmem>>[vector<16xi32>], vector<16xf32>,
      } {sc.loop_unroll_factor = 2 : i64, sc.parallel_access}
      %mul3A_236 = arith.constant 2 : i32
      %mul3A_237 = arith.muli %scan3A_199, %mul3A_236 : i32
      %add3A_238 = arith.constant 1 : i32
      %add3A_239 = arith.addi %mul3A_237, %add3A_238 : i32
      %add3A_240 = arith.constant 1 : i32
      %add3A_241 = arith.addi %add3A_239, %add3A_240 : i32
      %lt3A_242 = arith.constant 32 : i32
      %lt3A_243 = arith.cmpi slt, %add3A_241, %lt3A_242 : i32
      %convert_element_type3A_244 = arith.extui %lt3A_243 : i1 to i32
      %cond3A_245 = arith.constant 0 : i32
      %cond3A_246 = arith.cmpi ne, %convert_element_type3A_244, %cond3A_245 : i32
      scf.if %cond3A_246 {
        %add3A_276 = arith.constant 1 : i32
        %add3A_277 = arith.addi %add3A_239, %add3A_276 : i32
        %mul3A_278 = arith.constant 1024 : i32
        %mul3A_279 = arith.muli %add3A_277, %mul3A_278 : i32
        %add3A_280 = arith.addi %mul3A_32, %mul3A_279 : i32
        %dma_start3A_281 = arith.constant 0 : i32
        %dma_start3A_282 = arith.constant 0 : i32
        %dma_start3A_283 = arith.constant 0 : i32
        %dma_start3A_284 = tpu.memref_slice %arg5[%dma_start3A_281, %dma_start3A_282, %dma_start3A_283] : memref<2x32x1024xf32, #tpu.memory_space<vmem>> -> memref<1x32x1024xf32, #tpu.memory_space<vmem>>
        %dma_start3A_285 = tpu.memref_squeeze %dma_start3A_284 : memref<1x32x1024xf32, #tpu.memory_space<vmem>> -> memref<32x1024xf32, #tpu.memory_space<vmem>>
        %dma_start3A_286 = arith.constant 0 : i32
        %dma_start3A_287 = tpu.memref_slice %arg2[%select_n3A, %dma_start3A_286, %add3A_280] : memref<4x32x262144xf32, #tpu.memory_space<hbm>> -> memref<1x32x1024xf32, #tpu.memory_space<hbm>>
        %dma_start3A_288 = tpu.memref_squeeze %dma_start3A_287 : memref<1x32x1024xf32, #tpu.memory_space<hbm>> -> memref<32x1024xf32, #tpu.memory_space<hbm>>
        %dma_start3A_289 = arith.constant 0 : i32
        %dma_start3A_290 = arith.constant 0 : i32
        %dma_start3A_291 = tpu.memref_slice %arg5[%dma_start3A_281, %dma_start3A_289, %dma_start3A_290] : memref<2x32x1024xf32, #tpu.memory_space<vmem>> -> memref<1x32x1024xf32, #tpu.memory_space<vmem>>
        %dma_start3A_292 = tpu.memref_squeeze %dma_start3A_291 : memref<1x32x1024xf32, #tpu.memory_space<vmem>> -> memref<32x1024xf32, #tpu.memory_space<vmem>>
        %dma_start3A_293 = arith.constant 0 : i32
        %dma_start3A_294 = tpu.memref_slice %arg2[%select_n3A, %dma_start3A_293, %add3A_280] : memref<4x32x262144xf32, #tpu.memory_space<hbm>> -> memref<1x32x1024xf32, #tpu.memory_space<hbm>>
        %dma_start3A_295 = tpu.memref_squeeze %dma_start3A_294 : memref<1x32x1024xf32, #tpu.memory_space<hbm>> -> memref<32x1024xf32, #tpu.memory_space<hbm>>
        tpu.enqueue_dma source(%dma_start3A_295 : memref<32x1024xf32, #tpu.memory_space<hbm>>) target(%dma_start3A_292 : memref<32x1024xf32, #tpu.memory_space<vmem>>) target_semaphore(%arg8 : memref<!tpu.dma_semaphore, #tpu.memory_space<semaphore_mem>>)
        %dma_start3A_296 = arith.constant 0 : i32
        %dma_start3A_297 = arith.constant 0 : i32
        %dma_start3A_298 = tpu.memref_slice %arg6[%dma_start3A_296, %dma_start3A_297] : memref<2x1024xi32, #tpu.memory_space<vmem>> -> memref<1x1024xi32, #tpu.memory_space<vmem>>
        %dma_start3A_299 = tpu.memref_squeeze %dma_start3A_298 : memref<1x1024xi32, #tpu.memory_space<vmem>> -> memref<1024xi32, #tpu.memory_space<vmem>>
        %dma_start3A_300 = tpu.memref_slice %arg3[%select_n3A, %add3A_280] : memref<4x262144xi32, #tpu.memory_space<hbm>> -> memref<1x1024xi32, #tpu.memory_space<hbm>>
        %dma_start3A_301 = tpu.memref_squeeze %dma_start3A_300 : memref<1x1024xi32, #tpu.memory_space<hbm>> -> memref<1024xi32, #tpu.memory_space<hbm>>
        %dma_start3A_302 = arith.constant 0 : i32
        %dma_start3A_303 = tpu.memref_slice %arg6[%dma_start3A_296, %dma_start3A_302] : memref<2x1024xi32, #tpu.memory_space<vmem>> -> memref<1x1024xi32, #tpu.memory_space<vmem>>
        %dma_start3A_304 = tpu.memref_squeeze %dma_start3A_303 : memref<1x1024xi32, #tpu.memory_space<vmem>> -> memref<1024xi32, #tpu.memory_space<vmem>>
        %dma_start3A_305 = tpu.memref_slice %arg3[%select_n3A, %add3A_280] : memref<4x262144xi32, #tpu.memory_space<hbm>> -> memref<1x1024xi32, #tpu.memory_space<hbm>>
        %dma_start3A_306 = tpu.memref_squeeze %dma_start3A_305 : memref<1x1024xi32, #tpu.memory_space<hbm>> -> memref<1024xi32, #tpu.memory_space<hbm>>
        tpu.enqueue_dma source(%dma_start3A_306 : memref<1024xi32, #tpu.memory_space<hbm>>) target(%dma_start3A_304 : memref<1024xi32, #tpu.memory_space<vmem>>) target_semaphore(%arg10 : memref<!tpu.dma_semaphore, #tpu.memory_space<semaphore_mem>>)
      } else {
      }
      %dma_wait3A_247 = arith.constant 1 : i32
      %dma_wait3A_248 = arith.constant 0 : i32
      %dma_wait3A_249 = arith.constant 0 : i32
      %dma_wait3A_250 = tpu.memref_slice %arg5[%dma_wait3A_247, %dma_wait3A_248, %dma_wait3A_249] : memref<2x32x1024xf32, #tpu.memory_space<vmem>> -> memref<1x32x1024xf32, #tpu.memory_space<vmem>>
      %dma_wait3A_251 = tpu.memref_squeeze %dma_wait3A_250 : memref<1x32x1024xf32, #tpu.memory_space<vmem>> -> memref<32x1024xf32, #tpu.memory_space<vmem>>
      %dma_wait3A_252 = arith.constant 0 : i32
      %dma_wait3A_253 = tpu.memref_slice %arg2[%select_n3A, %dma_wait3A_252, %mul3A_32] : memref<4x32x262144xf32, #tpu.memory_space<hbm>> -> memref<1x32x1024xf32, #tpu.memory_space<hbm>>
      %dma_wait3A_254 = tpu.memref_squeeze %dma_wait3A_253 : memref<1x32x1024xf32, #tpu.memory_space<hbm>> -> memref<32x1024xf32, #tpu.memory_space<hbm>>
      %dma_wait3A_255 = arith.constant 0 : i32
      %dma_wait3A_256 = arith.constant 0 : i32
      %dma_wait3A_257 = tpu.memref_slice %arg5[%dma_wait3A_247, %dma_wait3A_255, %dma_wait3A_256] : memref<2x32x1024xf32, #tpu.memory_space<vmem>> -> memref<1x32x1024xf32, #tpu.memory_space<vmem>>
      %dma_wait3A_258 = tpu.memref_squeeze %dma_wait3A_257 : memref<1x32x1024xf32, #tpu.memory_space<vmem>> -> memref<32x1024xf32, #tpu.memory_space<vmem>>
      %dma_wait3A_259 = arith.constant 0 : i32
      %dma_wait3A_260 = tpu.memref_slice %arg2[%select_n3A, %dma_wait3A_259, %mul3A_32] : memref<4x32x262144xf32, #tpu.memory_space<hbm>> -> memref<1x32x1024xf32, #tpu.memory_space<hbm>>
      %dma_wait3A_261 = tpu.memref_squeeze %dma_wait3A_260 : memref<1x32x1024xf32, #tpu.memory_space<hbm>> -> memref<32x1024xf32, #tpu.memory_space<hbm>>
      tpu.wait_dma2 semaphore(%arg9 : memref<!tpu.dma_semaphore, #tpu.memory_space<semaphore_mem>>) src(%dma_wait3A_261 : memref<32x1024xf32, #tpu.memory_space<hbm>>) dst(%dma_wait3A_258 : memref<32x1024xf32, #tpu.memory_space<vmem>>)
      %dma_wait3A_262 = arith.constant 1 : i32
      %dma_wait3A_263 = arith.constant 0 : i32
      %dma_wait3A_264 = tpu.memref_slice %arg6[%dma_wait3A_262, %dma_wait3A_263] : memref<2x1024xi32, #tpu.memory_space<vmem>> -> memref<1x1024xi32, #tpu.memory_space<vmem>>
      %dma_wait3A_265 = tpu.memref_squeeze %dma_wait3A_264 : memref<1x1024xi32, #tpu.memory_space<vmem>> -> memref<1024xi32, #tpu.memory_space<vmem>>
      %dma_wait3A_266 = tpu.memref_slice %arg3[%select_n3A, %mul3A_32] : memref<4x262144xi32, #tpu.memory_space<hbm>> -> memref<1x1024xi32, #tpu.memory_space<hbm>>
      %dma_wait3A_267 = tpu.memref_squeeze %dma_wait3A_266 : memref<1x1024xi32, #tpu.memory_space<hbm>> -> memref<1024xi32, #tpu.memory_space<hbm>>
      %dma_wait3A_268 = arith.constant 0 : i32
      %dma_wait3A_269 = tpu.memref_slice %arg6[%dma_wait3A_262, %dma_wait3A_268] : memref<2x1024xi32, #tpu.memory_space<vmem>> -> memref<1x1024xi32, #tpu.memory_space<vmem>>
      %dma_wait3A_270 = tpu.memref_squeeze %dma_wait3A_269 : memref<1x1024xi32, #tpu.memory_space<vmem>> -> memref<1024xi32, #tpu.memory_space<vmem>>
      %dma_wait3A_271 = tpu.memref_slice %arg3[%select_n3A, %mul3A_32] : memref<4x262144xi32, #tpu.memory_space<hbm>> -> memref<1x1024xi32, #tpu.memory_space<hbm>>
      %dma_wait3A_272 = tpu.memref_squeeze %dma_wait3A_271 : memref<1x1024xi32, #tpu.memory_space<hbm>> -> memref<1024xi32, #tpu.memory_space<hbm>>
      tpu.wait_dma2 semaphore(%arg11 : memref<!tpu.dma_semaphore, #tpu.memory_space<semaphore_mem>>) src(%dma_wait3A_272 : memref<1024xi32, #tpu.memory_space<hbm>>) dst(%dma_wait3A_270 : memref<1024xi32, #tpu.memory_space<vmem>>)
      %parallel_loop3A_273 = arith.constant 0 : i32
      %parallel_loop3A_274 = arith.constant 64 : i32
      %parallel_loop3A_275 = arith.constant 1 : i32
      scf.for %parallel_loop3A_276 = %parallel_loop3A_273 to %parallel_loop3A_274 step %parallel_loop3A_275  : i32 {
        %parallel_loop3A_277 = arith.constant 16 : i32
        %parallel_loop3A_278 = arith.muli %parallel_loop3A_276, %parallel_loop3A_277 : i32
        %parallel_loop3A_279 = arith.constant 1 : i32
        %parallel_loop3A_280 = arith.index_cast %parallel_loop3A_279 : i32 to index
        %parallel_loop3A_281 = arith.index_cast %parallel_loop3A_278 : i32 to index
        %parallel_loop3A_282 = tpu.vector_load %arg6[%parallel_loop3A_280, %parallel_loop3A_281] {strides = array<i32>} : memref<2x1024xi32, #tpu.memory_space<vmem>>, vector<16xi32>,
        %parallel_loop3A_283 = arith.constant 1 : i32
        %parallel_loop3A_284 = arith.constant 0 : i32
        %parallel_loop3A_285 = arith.index_cast %parallel_loop3A_283 : i32 to index
        %parallel_loop3A_286 = arith.index_cast %parallel_loop3A_284 : i32 to index
        %parallel_loop3A_287 = arith.index_cast %parallel_loop3A_278 : i32 to index
        %parallel_loop3A_288 = tpu.vector_load %arg5[%parallel_loop3A_285, %parallel_loop3A_286, %parallel_loop3A_287] {strides = array<i32>} : memref<2x32x1024xf32, #tpu.memory_space<vmem>>, vector<16xf32>,
        %parallel_loop3A_289 = arith.constant 1 : i32
        %parallel_loop3A_290 = arith.constant 1 : i32
        %parallel_loop3A_291 = arith.index_cast %parallel_loop3A_289 : i32 to index
        %parallel_loop3A_292 = arith.index_cast %parallel_loop3A_290 : i32 to index
        %parallel_loop3A_293 = arith.index_cast %parallel_loop3A_278 : i32 to index
        %parallel_loop3A_294 = tpu.vector_load %arg5[%parallel_loop3A_291, %parallel_loop3A_292, %parallel_loop3A_293] {strides = array<i32>} : memref<2x32x1024xf32, #tpu.memory_space<vmem>>, vector<16xf32>,
        %parallel_loop3A_295 = arith.constant 1 : i32
        %parallel_loop3A_296 = arith.constant 2 : i32
        %parallel_loop3A_297 = arith.index_cast %parallel_loop3A_295 : i32 to index
        %parallel_loop3A_298 = arith.index_cast %parallel_loop3A_296 : i32 to index
        %parallel_loop3A_299 = arith.index_cast %parallel_loop3A_278 : i32 to index
        %parallel_loop3A_300 = tpu.vector_load %arg5[%parallel_loop3A_297, %parallel_loop3A_298, %parallel_loop3A_299] {strides = array<i32>} : memref<2x32x1024xf32, #tpu.memory_space<vmem>>, vector<16xf32>,
        %parallel_loop3A_301 = arith.constant 1 : i32
        %parallel_loop3A_302 = arith.constant 3 : i32
        %parallel_loop3A_303 = arith.index_cast %parallel_loop3A_301 : i32 to index
        %parallel_loop3A_304 = arith.index_cast %parallel_loop3A_302 : i32 to index
        %parallel_loop3A_305 = arith.index_cast %parallel_loop3A_278 : i32 to index
        %parallel_loop3A_306 = tpu.vector_load %arg5[%parallel_loop3A_303, %parallel_loop3A_304, %parallel_loop3A_305] {strides = array<i32>} : memref<2x32x1024xf32, #tpu.memory_space<vmem>>, vector<16xf32>,
        %parallel_loop3A_307 = arith.constant 1 : i32
        %parallel_loop3A_308 = arith.constant 4 : i32
        %parallel_loop3A_309 = arith.index_cast %parallel_loop3A_307 : i32 to index
        %parallel_loop3A_310 = arith.index_cast %parallel_loop3A_308 : i32 to index
        %parallel_loop3A_311 = arith.index_cast %parallel_loop3A_278 : i32 to index
        %parallel_loop3A_312 = tpu.vector_load %arg5[%parallel_loop3A_309, %parallel_loop3A_310, %parallel_loop3A_311] {strides = array<i32>} : memref<2x32x1024xf32, #tpu.memory_space<vmem>>, vector<16xf32>,
        %parallel_loop3A_313 = arith.constant 1 : i32
        %parallel_loop3A_314 = arith.constant 5 : i32
        %parallel_loop3A_315 = arith.index_cast %parallel_loop3A_313 : i32 to index
        %parallel_loop3A_316 = arith.index_cast %parallel_loop3A_314 : i32 to index
        %parallel_loop3A_317 = arith.index_cast %parallel_loop3A_278 : i32 to index
        %parallel_loop3A_318 = tpu.vector_load %arg5[%parallel_loop3A_315, %parallel_loop3A_316, %parallel_loop3A_317] {strides = array<i32>} : memref<2x32x1024xf32, #tpu.memory_space<vmem>>, vector<16xf32>,
        %parallel_loop3A_319 = arith.constant 1 : i32
        %parallel_loop3A_320 = arith.constant 6 : i32
        %parallel_loop3A_321 = arith.index_cast %parallel_loop3A_319 : i32 to index
        %parallel_loop3A_322 = arith.index_cast %parallel_loop3A_320 : i32 to index
        %parallel_loop3A_323 = arith.index_cast %parallel_loop3A_278 : i32 to index
        %parallel_loop3A_324 = tpu.vector_load %arg5[%parallel_loop3A_321, %parallel_loop3A_322, %parallel_loop3A_323] {strides = array<i32>} : memref<2x32x1024xf32, #tpu.memory_space<vmem>>, vector<16xf32>,
        %parallel_loop3A_325 = arith.constant 1 : i32
        %parallel_loop3A_326 = arith.constant 7 : i32
        %parallel_loop3A_327 = arith.index_cast %parallel_loop3A_325 : i32 to index
        %parallel_loop3A_328 = arith.index_cast %parallel_loop3A_326 : i32 to index
        %parallel_loop3A_329 = arith.index_cast %parallel_loop3A_278 : i32 to index
        %parallel_loop3A_330 = tpu.vector_load %arg5[%parallel_loop3A_327, %parallel_loop3A_328, %parallel_loop3A_329] {strides = array<i32>} : memref<2x32x1024xf32, #tpu.memory_space<vmem>>, vector<16xf32>,
        %parallel_loop3A_331 = arith.constant 1 : i32
        %parallel_loop3A_332 = arith.constant 8 : i32
        %parallel_loop3A_333 = arith.index_cast %parallel_loop3A_331 : i32 to index
        %parallel_loop3A_334 = arith.index_cast %parallel_loop3A_332 : i32 to index
        %parallel_loop3A_335 = arith.index_cast %parallel_loop3A_278 : i32 to index
        %parallel_loop3A_336 = tpu.vector_load %arg5[%parallel_loop3A_333, %parallel_loop3A_334, %parallel_loop3A_335] {strides = array<i32>} : memref<2x32x1024xf32, #tpu.memory_space<vmem>>, vector<16xf32>,
        %parallel_loop3A_337 = arith.constant 1 : i32
        %parallel_loop3A_338 = arith.constant 9 : i32
        %parallel_loop3A_339 = arith.index_cast %parallel_loop3A_337 : i32 to index
        %parallel_loop3A_340 = arith.index_cast %parallel_loop3A_338 : i32 to index
        %parallel_loop3A_341 = arith.index_cast %parallel_loop3A_278 : i32 to index
        %parallel_loop3A_342 = tpu.vector_load %arg5[%parallel_loop3A_339, %parallel_loop3A_340, %parallel_loop3A_341] {strides = array<i32>} : memref<2x32x1024xf32, #tpu.memory_space<vmem>>, vector<16xf32>,
        %parallel_loop3A_343 = arith.constant 1 : i32
        %parallel_loop3A_344 = arith.constant 10 : i32
        %parallel_loop3A_345 = arith.index_cast %parallel_loop3A_343 : i32 to index
        %parallel_loop3A_346 = arith.index_cast %parallel_loop3A_344 : i32 to index
        %parallel_loop3A_347 = arith.index_cast %parallel_loop3A_278 : i32 to index
        %parallel_loop3A_348 = tpu.vector_load %arg5[%parallel_loop3A_345, %parallel_loop3A_346, %parallel_loop3A_347] {strides = array<i32>} : memref<2x32x1024xf32, #tpu.memory_space<vmem>>, vector<16xf32>,
        %parallel_loop3A_349 = arith.constant 1 : i32
        %parallel_loop3A_350 = arith.constant 11 : i32
        %parallel_loop3A_351 = arith.index_cast %parallel_loop3A_349 : i32 to index
        %parallel_loop3A_352 = arith.index_cast %parallel_loop3A_350 : i32 to index
        %parallel_loop3A_353 = arith.index_cast %parallel_loop3A_278 : i32 to index
        %parallel_loop3A_354 = tpu.vector_load %arg5[%parallel_loop3A_351, %parallel_loop3A_352, %parallel_loop3A_353] {strides = array<i32>} : memref<2x32x1024xf32, #tpu.memory_space<vmem>>, vector<16xf32>,
        %parallel_loop3A_355 = arith.constant 1 : i32
        %parallel_loop3A_356 = arith.constant 12 : i32
        %parallel_loop3A_357 = arith.index_cast %parallel_loop3A_355 : i32 to index
        %parallel_loop3A_358 = arith.index_cast %parallel_loop3A_356 : i32 to index
        %parallel_loop3A_359 = arith.index_cast %parallel_loop3A_278 : i32 to index
        %parallel_loop3A_360 = tpu.vector_load %arg5[%parallel_loop3A_357, %parallel_loop3A_358, %parallel_loop3A_359] {strides = array<i32>} : memref<2x32x1024xf32, #tpu.memory_space<vmem>>, vector<16xf32>,
        %parallel_loop3A_361 = arith.constant 1 : i32
        %parallel_loop3A_362 = arith.constant 13 : i32
        %parallel_loop3A_363 = arith.index_cast %parallel_loop3A_361 : i32 to index
        %parallel_loop3A_364 = arith.index_cast %parallel_loop3A_362 : i32 to index
        %parallel_loop3A_365 = arith.index_cast %parallel_loop3A_278 : i32 to index
        %parallel_loop3A_366 = tpu.vector_load %arg5[%parallel_loop3A_363, %parallel_loop3A_364, %parallel_loop3A_365] {strides = array<i32>} : memref<2x32x1024xf32, #tpu.memory_space<vmem>>, vector<16xf32>,
        %parallel_loop3A_367 = arith.constant 1 : i32
        %parallel_loop3A_368 = arith.constant 14 : i32
        %parallel_loop3A_369 = arith.index_cast %parallel_loop3A_367 : i32 to index
        %parallel_loop3A_370 = arith.index_cast %parallel_loop3A_368 : i32 to index
        %parallel_loop3A_371 = arith.index_cast %parallel_loop3A_278 : i32 to index
        %parallel_loop3A_372 = tpu.vector_load %arg5[%parallel_loop3A_369, %parallel_loop3A_370, %parallel_loop3A_371] {strides = array<i32>} : memref<2x32x1024xf32, #tpu.memory_space<vmem>>, vector<16xf32>,
        %parallel_loop3A_373 = arith.constant 1 : i32
        %parallel_loop3A_374 = arith.constant 15 : i32
        %parallel_loop3A_375 = arith.index_cast %parallel_loop3A_373 : i32 to index
        %parallel_loop3A_376 = arith.index_cast %parallel_loop3A_374 : i32 to index
        %parallel_loop3A_377 = arith.index_cast %parallel_loop3A_278 : i32 to index
        %parallel_loop3A_378 = tpu.vector_load %arg5[%parallel_loop3A_375, %parallel_loop3A_376, %parallel_loop3A_377] {strides = array<i32>} : memref<2x32x1024xf32, #tpu.memory_space<vmem>>, vector<16xf32>,
        %parallel_loop3A_379 = arith.constant 1 : i32
        %parallel_loop3A_380 = arith.constant 16 : i32
        %parallel_loop3A_381 = arith.index_cast %parallel_loop3A_379 : i32 to index
        %parallel_loop3A_382 = arith.index_cast %parallel_loop3A_380 : i32 to index
        %parallel_loop3A_383 = arith.index_cast %parallel_loop3A_278 : i32 to index
        %parallel_loop3A_384 = tpu.vector_load %arg5[%parallel_loop3A_381, %parallel_loop3A_382, %parallel_loop3A_383] {strides = array<i32>} : memref<2x32x1024xf32, #tpu.memory_space<vmem>>, vector<16xf32>,
        %parallel_loop3A_385 = arith.constant 1 : i32
        %parallel_loop3A_386 = arith.constant 17 : i32
        %parallel_loop3A_387 = arith.index_cast %parallel_loop3A_385 : i32 to index
        %parallel_loop3A_388 = arith.index_cast %parallel_loop3A_386 : i32 to index
        %parallel_loop3A_389 = arith.index_cast %parallel_loop3A_278 : i32 to index
        %parallel_loop3A_390 = tpu.vector_load %arg5[%parallel_loop3A_387, %parallel_loop3A_388, %parallel_loop3A_389] {strides = array<i32>} : memref<2x32x1024xf32, #tpu.memory_space<vmem>>, vector<16xf32>,
        %parallel_loop3A_391 = arith.constant 1 : i32
        %parallel_loop3A_392 = arith.constant 18 : i32
        %parallel_loop3A_393 = arith.index_cast %parallel_loop3A_391 : i32 to index
        %parallel_loop3A_394 = arith.index_cast %parallel_loop3A_392 : i32 to index
        %parallel_loop3A_395 = arith.index_cast %parallel_loop3A_278 : i32 to index
        %parallel_loop3A_396 = tpu.vector_load %arg5[%parallel_loop3A_393, %parallel_loop3A_394, %parallel_loop3A_395] {strides = array<i32>} : memref<2x32x1024xf32, #tpu.memory_space<vmem>>, vector<16xf32>,
        %parallel_loop3A_397 = arith.constant 1 : i32
        %parallel_loop3A_398 = arith.constant 19 : i32
        %parallel_loop3A_399 = arith.index_cast %parallel_loop3A_397 : i32 to index
        %parallel_loop3A_400 = arith.index_cast %parallel_loop3A_398 : i32 to index
        %parallel_loop3A_401 = arith.index_cast %parallel_loop3A_278 : i32 to index
        %parallel_loop3A_402 = tpu.vector_load %arg5[%parallel_loop3A_399, %parallel_loop3A_400, %parallel_loop3A_401] {strides = array<i32>} : memref<2x32x1024xf32, #tpu.memory_space<vmem>>, vector<16xf32>,
        %parallel_loop3A_403 = arith.constant 1 : i32
        %parallel_loop3A_404 = arith.constant 20 : i32
        %parallel_loop3A_405 = arith.index_cast %parallel_loop3A_403 : i32 to index
        %parallel_loop3A_406 = arith.index_cast %parallel_loop3A_404 : i32 to index
        %parallel_loop3A_407 = arith.index_cast %parallel_loop3A_278 : i32 to index
        %parallel_loop3A_408 = tpu.vector_load %arg5[%parallel_loop3A_405, %parallel_loop3A_406, %parallel_loop3A_407] {strides = array<i32>} : memref<2x32x1024xf32, #tpu.memory_space<vmem>>, vector<16xf32>,
        %parallel_loop3A_409 = arith.constant 1 : i32
        %parallel_loop3A_410 = arith.constant 21 : i32
        %parallel_loop3A_411 = arith.index_cast %parallel_loop3A_409 : i32 to index
        %parallel_loop3A_412 = arith.index_cast %parallel_loop3A_410 : i32 to index
        %parallel_loop3A_413 = arith.index_cast %parallel_loop3A_278 : i32 to index
        %parallel_loop3A_414 = tpu.vector_load %arg5[%parallel_loop3A_411, %parallel_loop3A_412, %parallel_loop3A_413] {strides = array<i32>} : memref<2x32x1024xf32, #tpu.memory_space<vmem>>, vector<16xf32>,
        %parallel_loop3A_415 = arith.constant 1 : i32
        %parallel_loop3A_416 = arith.constant 22 : i32
        %parallel_loop3A_417 = arith.index_cast %parallel_loop3A_415 : i32 to index
        %parallel_loop3A_418 = arith.index_cast %parallel_loop3A_416 : i32 to index
        %parallel_loop3A_419 = arith.index_cast %parallel_loop3A_278 : i32 to index
        %parallel_loop3A_420 = tpu.vector_load %arg5[%parallel_loop3A_417, %parallel_loop3A_418, %parallel_loop3A_419] {strides = array<i32>} : memref<2x32x1024xf32, #tpu.memory_space<vmem>>, vector<16xf32>,
        %parallel_loop3A_421 = arith.constant 1 : i32
        %parallel_loop3A_422 = arith.constant 23 : i32
        %parallel_loop3A_423 = arith.index_cast %parallel_loop3A_421 : i32 to index
        %parallel_loop3A_424 = arith.index_cast %parallel_loop3A_422 : i32 to index
        %parallel_loop3A_425 = arith.index_cast %parallel_loop3A_278 : i32 to index
        %parallel_loop3A_426 = tpu.vector_load %arg5[%parallel_loop3A_423, %parallel_loop3A_424, %parallel_loop3A_425] {strides = array<i32>} : memref<2x32x1024xf32, #tpu.memory_space<vmem>>, vector<16xf32>,
        %parallel_loop3A_427 = arith.constant 1 : i32
        %parallel_loop3A_428 = arith.constant 24 : i32
        %parallel_loop3A_429 = arith.index_cast %parallel_loop3A_427 : i32 to index
        %parallel_loop3A_430 = arith.index_cast %parallel_loop3A_428 : i32 to index
        %parallel_loop3A_431 = arith.index_cast %parallel_loop3A_278 : i32 to index
        %parallel_loop3A_432 = tpu.vector_load %arg5[%parallel_loop3A_429, %parallel_loop3A_430, %parallel_loop3A_431] {strides = array<i32>} : memref<2x32x1024xf32, #tpu.memory_space<vmem>>, vector<16xf32>,
        %parallel_loop3A_433 = arith.constant 1 : i32
        %parallel_loop3A_434 = arith.constant 25 : i32
        %parallel_loop3A_435 = arith.index_cast %parallel_loop3A_433 : i32 to index
        %parallel_loop3A_436 = arith.index_cast %parallel_loop3A_434 : i32 to index
        %parallel_loop3A_437 = arith.index_cast %parallel_loop3A_278 : i32 to index
        %parallel_loop3A_438 = tpu.vector_load %arg5[%parallel_loop3A_435, %parallel_loop3A_436, %parallel_loop3A_437] {strides = array<i32>} : memref<2x32x1024xf32, #tpu.memory_space<vmem>>, vector<16xf32>,
        %parallel_loop3A_439 = arith.constant 1 : i32
        %parallel_loop3A_440 = arith.constant 26 : i32
        %parallel_loop3A_441 = arith.index_cast %parallel_loop3A_439 : i32 to index
        %parallel_loop3A_442 = arith.index_cast %parallel_loop3A_440 : i32 to index
        %parallel_loop3A_443 = arith.index_cast %parallel_loop3A_278 : i32 to index
        %parallel_loop3A_444 = tpu.vector_load %arg5[%parallel_loop3A_441, %parallel_loop3A_442, %parallel_loop3A_443] {strides = array<i32>} : memref<2x32x1024xf32, #tpu.memory_space<vmem>>, vector<16xf32>,
        %parallel_loop3A_445 = arith.constant 1 : i32
        %parallel_loop3A_446 = arith.constant 27 : i32
        %parallel_loop3A_447 = arith.index_cast %parallel_loop3A_445 : i32 to index
        %parallel_loop3A_448 = arith.index_cast %parallel_loop3A_446 : i32 to index
        %parallel_loop3A_449 = arith.index_cast %parallel_loop3A_278 : i32 to index
        %parallel_loop3A_450 = tpu.vector_load %arg5[%parallel_loop3A_447, %parallel_loop3A_448, %parallel_loop3A_449] {strides = array<i32>} : memref<2x32x1024xf32, #tpu.memory_space<vmem>>, vector<16xf32>,
        %parallel_loop3A_451 = arith.constant 1 : i32
        %parallel_loop3A_452 = arith.constant 28 : i32
        %parallel_loop3A_453 = arith.index_cast %parallel_loop3A_451 : i32 to index
        %parallel_loop3A_454 = arith.index_cast %parallel_loop3A_452 : i32 to index
        %parallel_loop3A_455 = arith.index_cast %parallel_loop3A_278 : i32 to index
        %parallel_loop3A_456 = tpu.vector_load %arg5[%parallel_loop3A_453, %parallel_loop3A_454, %parallel_loop3A_455] {strides = array<i32>} : memref<2x32x1024xf32, #tpu.memory_space<vmem>>, vector<16xf32>,
        %parallel_loop3A_457 = arith.constant 1 : i32
        %parallel_loop3A_458 = arith.constant 29 : i32
        %parallel_loop3A_459 = arith.index_cast %parallel_loop3A_457 : i32 to index
        %parallel_loop3A_460 = arith.index_cast %parallel_loop3A_458 : i32 to index
        %parallel_loop3A_461 = arith.index_cast %parallel_loop3A_278 : i32 to index
        %parallel_loop3A_462 = tpu.vector_load %arg5[%parallel_loop3A_459, %parallel_loop3A_460, %parallel_loop3A_461] {strides = array<i32>} : memref<2x32x1024xf32, #tpu.memory_space<vmem>>, vector<16xf32>,
        %parallel_loop3A_463 = arith.constant 1 : i32
        %parallel_loop3A_464 = arith.constant 30 : i32
        %parallel_loop3A_465 = arith.index_cast %parallel_loop3A_463 : i32 to index
        %parallel_loop3A_466 = arith.index_cast %parallel_loop3A_464 : i32 to index
        %parallel_loop3A_467 = arith.index_cast %parallel_loop3A_278 : i32 to index
        %parallel_loop3A_468 = tpu.vector_load %arg5[%parallel_loop3A_465, %parallel_loop3A_466, %parallel_loop3A_467] {strides = array<i32>} : memref<2x32x1024xf32, #tpu.memory_space<vmem>>, vector<16xf32>,
        %parallel_loop3A_469 = arith.constant 1 : i32
        %parallel_loop3A_470 = arith.constant 31 : i32
        %parallel_loop3A_471 = arith.index_cast %parallel_loop3A_469 : i32 to index
        %parallel_loop3A_472 = arith.index_cast %parallel_loop3A_470 : i32 to index
        %parallel_loop3A_473 = arith.index_cast %parallel_loop3A_278 : i32 to index
        %parallel_loop3A_474 = tpu.vector_load %arg5[%parallel_loop3A_471, %parallel_loop3A_472, %parallel_loop3A_473] {strides = array<i32>} : memref<2x32x1024xf32, #tpu.memory_space<vmem>>, vector<16xf32>,
        %parallel_loop3A_475 = arith.mulf %parallel_loop3A_288, %parallel_loop3A_288 : vector<16xf32>
        %parallel_loop3A_476 = arith.mulf %parallel_loop3A_294, %parallel_loop3A_294 : vector<16xf32>
        %parallel_loop3A_477 = arith.mulf %parallel_loop3A_300, %parallel_loop3A_300 : vector<16xf32>
        %parallel_loop3A_478 = arith.mulf %parallel_loop3A_306, %parallel_loop3A_306 : vector<16xf32>
        %parallel_loop3A_479 = arith.mulf %parallel_loop3A_312, %parallel_loop3A_312 : vector<16xf32>
        %parallel_loop3A_480 = arith.mulf %parallel_loop3A_318, %parallel_loop3A_318 : vector<16xf32>
        %parallel_loop3A_481 = arith.mulf %parallel_loop3A_324, %parallel_loop3A_324 : vector<16xf32>
        %parallel_loop3A_482 = arith.mulf %parallel_loop3A_330, %parallel_loop3A_330 : vector<16xf32>
        %parallel_loop3A_483 = arith.mulf %parallel_loop3A_336, %parallel_loop3A_336 : vector<16xf32>
        %parallel_loop3A_484 = arith.mulf %parallel_loop3A_342, %parallel_loop3A_342 : vector<16xf32>
        %parallel_loop3A_485 = arith.mulf %parallel_loop3A_348, %parallel_loop3A_348 : vector<16xf32>
        %parallel_loop3A_486 = arith.mulf %parallel_loop3A_354, %parallel_loop3A_354 : vector<16xf32>
        %parallel_loop3A_487 = arith.mulf %parallel_loop3A_360, %parallel_loop3A_360 : vector<16xf32>
        %parallel_loop3A_488 = arith.mulf %parallel_loop3A_366, %parallel_loop3A_366 : vector<16xf32>
        %parallel_loop3A_489 = arith.mulf %parallel_loop3A_372, %parallel_loop3A_372 : vector<16xf32>
        %parallel_loop3A_490 = arith.mulf %parallel_loop3A_378, %parallel_loop3A_378 : vector<16xf32>
        %parallel_loop3A_491 = arith.mulf %parallel_loop3A_384, %parallel_loop3A_384 : vector<16xf32>
        %parallel_loop3A_492 = arith.mulf %parallel_loop3A_390, %parallel_loop3A_390 : vector<16xf32>
        %parallel_loop3A_493 = arith.mulf %parallel_loop3A_396, %parallel_loop3A_396 : vector<16xf32>
        %parallel_loop3A_494 = arith.mulf %parallel_loop3A_402, %parallel_loop3A_402 : vector<16xf32>
        %parallel_loop3A_495 = arith.mulf %parallel_loop3A_408, %parallel_loop3A_408 : vector<16xf32>
        %parallel_loop3A_496 = arith.mulf %parallel_loop3A_414, %parallel_loop3A_414 : vector<16xf32>
        %parallel_loop3A_497 = arith.mulf %parallel_loop3A_420, %parallel_loop3A_420 : vector<16xf32>
        %parallel_loop3A_498 = arith.mulf %parallel_loop3A_426, %parallel_loop3A_426 : vector<16xf32>
        %parallel_loop3A_499 = arith.mulf %parallel_loop3A_432, %parallel_loop3A_432 : vector<16xf32>
        %parallel_loop3A_500 = arith.mulf %parallel_loop3A_438, %parallel_loop3A_438 : vector<16xf32>
        %parallel_loop3A_501 = arith.mulf %parallel_loop3A_444, %parallel_loop3A_444 : vector<16xf32>
        %parallel_loop3A_502 = arith.mulf %parallel_loop3A_450, %parallel_loop3A_450 : vector<16xf32>
        %parallel_loop3A_503 = arith.mulf %parallel_loop3A_456, %parallel_loop3A_456 : vector<16xf32>
        %parallel_loop3A_504 = arith.mulf %parallel_loop3A_462, %parallel_loop3A_462 : vector<16xf32>
        %parallel_loop3A_505 = arith.mulf %parallel_loop3A_468, %parallel_loop3A_468 : vector<16xf32>
        %parallel_loop3A_506 = arith.mulf %parallel_loop3A_474, %parallel_loop3A_474 : vector<16xf32>
        %parallel_loop3A_507 = arith.addf %parallel_loop3A_475, %parallel_loop3A_476 : vector<16xf32>
        %parallel_loop3A_508 = arith.addf %parallel_loop3A_477, %parallel_loop3A_478 : vector<16xf32>
        %parallel_loop3A_509 = arith.addf %parallel_loop3A_479, %parallel_loop3A_480 : vector<16xf32>
        %parallel_loop3A_510 = arith.addf %parallel_loop3A_481, %parallel_loop3A_482 : vector<16xf32>
        %parallel_loop3A_511 = arith.addf %parallel_loop3A_483, %parallel_loop3A_484 : vector<16xf32>
        %parallel_loop3A_512 = arith.addf %parallel_loop3A_485, %parallel_loop3A_486 : vector<16xf32>
        %parallel_loop3A_513 = arith.addf %parallel_loop3A_487, %parallel_loop3A_488 : vector<16xf32>
        %parallel_loop3A_514 = arith.addf %parallel_loop3A_489, %parallel_loop3A_490 : vector<16xf32>
        %parallel_loop3A_515 = arith.addf %parallel_loop3A_491, %parallel_loop3A_492 : vector<16xf32>
        %parallel_loop3A_516 = arith.addf %parallel_loop3A_493, %parallel_loop3A_494 : vector<16xf32>
        %parallel_loop3A_517 = arith.addf %parallel_loop3A_495, %parallel_loop3A_496 : vector<16xf32>
        %parallel_loop3A_518 = arith.addf %parallel_loop3A_497, %parallel_loop3A_498 : vector<16xf32>
        %parallel_loop3A_519 = arith.addf %parallel_loop3A_499, %parallel_loop3A_500 : vector<16xf32>
        %parallel_loop3A_520 = arith.addf %parallel_loop3A_501, %parallel_loop3A_502 : vector<16xf32>
        %parallel_loop3A_521 = arith.addf %parallel_loop3A_503, %parallel_loop3A_504 : vector<16xf32>
        %parallel_loop3A_522 = arith.addf %parallel_loop3A_505, %parallel_loop3A_506 : vector<16xf32>
        %parallel_loop3A_523 = arith.addf %parallel_loop3A_507, %parallel_loop3A_508 : vector<16xf32>
        %parallel_loop3A_524 = arith.addf %parallel_loop3A_509, %parallel_loop3A_510 : vector<16xf32>
        %parallel_loop3A_525 = arith.addf %parallel_loop3A_511, %parallel_loop3A_512 : vector<16xf32>
        %parallel_loop3A_526 = arith.addf %parallel_loop3A_513, %parallel_loop3A_514 : vector<16xf32>
        %parallel_loop3A_527 = arith.addf %parallel_loop3A_515, %parallel_loop3A_516 : vector<16xf32>
        %parallel_loop3A_528 = arith.addf %parallel_loop3A_517, %parallel_loop3A_518 : vector<16xf32>
        %parallel_loop3A_529 = arith.addf %parallel_loop3A_519, %parallel_loop3A_520 : vector<16xf32>
        %parallel_loop3A_530 = arith.addf %parallel_loop3A_521, %parallel_loop3A_522 : vector<16xf32>
        %parallel_loop3A_531 = arith.addf %parallel_loop3A_523, %parallel_loop3A_524 : vector<16xf32>
        %parallel_loop3A_532 = arith.addf %parallel_loop3A_525, %parallel_loop3A_526 : vector<16xf32>
        %parallel_loop3A_533 = arith.addf %parallel_loop3A_527, %parallel_loop3A_528 : vector<16xf32>
        %parallel_loop3A_534 = arith.addf %parallel_loop3A_529, %parallel_loop3A_530 : vector<16xf32>
        %parallel_loop3A_535 = arith.addf %parallel_loop3A_531, %parallel_loop3A_532 : vector<16xf32>
        %parallel_loop3A_536 = arith.addf %parallel_loop3A_533, %parallel_loop3A_534 : vector<16xf32>
        %parallel_loop3A_537 = arith.addf %parallel_loop3A_535, %parallel_loop3A_536 : vector<16xf32>
        %parallel_loop3A_538 = arith.constant 0 : i32
        %parallel_loop3A_539 = tpu.memref_slice %arg7[%parallel_loop3A_538] : memref<544xf32, #tpu.memory_space<vmem>> -> memref<16xf32, #tpu.memory_space<vmem>>
        tpu.vector_store_idx %parallel_loop3A_539[%parallel_loop3A_282], %parallel_loop3A_288 {add = true} : memref<16xf32, #tpu.memory_space<vmem>>[vector<16xi32>], vector<16xf32>,
        %parallel_loop3A_540 = arith.constant 16 : i32
        %parallel_loop3A_541 = tpu.memref_slice %arg7[%parallel_loop3A_540] : memref<544xf32, #tpu.memory_space<vmem>> -> memref<16xf32, #tpu.memory_space<vmem>>
        tpu.vector_store_idx %parallel_loop3A_541[%parallel_loop3A_282], %parallel_loop3A_294 {add = true} : memref<16xf32, #tpu.memory_space<vmem>>[vector<16xi32>], vector<16xf32>,
        %parallel_loop3A_542 = arith.constant 32 : i32
        %parallel_loop3A_543 = tpu.memref_slice %arg7[%parallel_loop3A_542] : memref<544xf32, #tpu.memory_space<vmem>> -> memref<16xf32, #tpu.memory_space<vmem>>
        tpu.vector_store_idx %parallel_loop3A_543[%parallel_loop3A_282], %parallel_loop3A_300 {add = true} : memref<16xf32, #tpu.memory_space<vmem>>[vector<16xi32>], vector<16xf32>,
        %parallel_loop3A_544 = arith.constant 48 : i32
        %parallel_loop3A_545 = tpu.memref_slice %arg7[%parallel_loop3A_544] : memref<544xf32, #tpu.memory_space<vmem>> -> memref<16xf32, #tpu.memory_space<vmem>>
        tpu.vector_store_idx %parallel_loop3A_545[%parallel_loop3A_282], %parallel_loop3A_306 {add = true} : memref<16xf32, #tpu.memory_space<vmem>>[vector<16xi32>], vector<16xf32>,
        %parallel_loop3A_546 = arith.constant 64 : i32
        %parallel_loop3A_547 = tpu.memref_slice %arg7[%parallel_loop3A_546] : memref<544xf32, #tpu.memory_space<vmem>> -> memref<16xf32, #tpu.memory_space<vmem>>
        tpu.vector_store_idx %parallel_loop3A_547[%parallel_loop3A_282], %parallel_loop3A_312 {add = true} : memref<16xf32, #tpu.memory_space<vmem>>[vector<16xi32>], vector<16xf32>,
        %parallel_loop3A_548 = arith.constant 80 : i32
        %parallel_loop3A_549 = tpu.memref_slice %arg7[%parallel_loop3A_548] : memref<544xf32, #tpu.memory_space<vmem>> -> memref<16xf32, #tpu.memory_space<vmem>>
        tpu.vector_store_idx %parallel_loop3A_549[%parallel_loop3A_282], %parallel_loop3A_318 {add = true} : memref<16xf32, #tpu.memory_space<vmem>>[vector<16xi32>], vector<16xf32>,
        %parallel_loop3A_550 = arith.constant 96 : i32
        %parallel_loop3A_551 = tpu.memref_slice %arg7[%parallel_loop3A_550] : memref<544xf32, #tpu.memory_space<vmem>> -> memref<16xf32, #tpu.memory_space<vmem>>
        tpu.vector_store_idx %parallel_loop3A_551[%parallel_loop3A_282], %parallel_loop3A_324 {add = true} : memref<16xf32, #tpu.memory_space<vmem>>[vector<16xi32>], vector<16xf32>,
        %parallel_loop3A_552 = arith.constant 112 : i32
        %parallel_loop3A_553 = tpu.memref_slice %arg7[%parallel_loop3A_552] : memref<544xf32, #tpu.memory_space<vmem>> -> memref<16xf32, #tpu.memory_space<vmem>>
        tpu.vector_store_idx %parallel_loop3A_553[%parallel_loop3A_282], %parallel_loop3A_330 {add = true} : memref<16xf32, #tpu.memory_space<vmem>>[vector<16xi32>], vector<16xf32>,
        %parallel_loop3A_554 = arith.constant 128 : i32
        %parallel_loop3A_555 = tpu.memref_slice %arg7[%parallel_loop3A_554] : memref<544xf32, #tpu.memory_space<vmem>> -> memref<16xf32, #tpu.memory_space<vmem>>
        tpu.vector_store_idx %parallel_loop3A_555[%parallel_loop3A_282], %parallel_loop3A_336 {add = true} : memref<16xf32, #tpu.memory_space<vmem>>[vector<16xi32>], vector<16xf32>,
        %parallel_loop3A_556 = arith.constant 144 : i32
        %parallel_loop3A_557 = tpu.memref_slice %arg7[%parallel_loop3A_556] : memref<544xf32, #tpu.memory_space<vmem>> -> memref<16xf32, #tpu.memory_space<vmem>>
        tpu.vector_store_idx %parallel_loop3A_557[%parallel_loop3A_282], %parallel_loop3A_342 {add = true} : memref<16xf32, #tpu.memory_space<vmem>>[vector<16xi32>], vector<16xf32>,
        %parallel_loop3A_558 = arith.constant 160 : i32
        %parallel_loop3A_559 = tpu.memref_slice %arg7[%parallel_loop3A_558] : memref<544xf32, #tpu.memory_space<vmem>> -> memref<16xf32, #tpu.memory_space<vmem>>
        tpu.vector_store_idx %parallel_loop3A_559[%parallel_loop3A_282], %parallel_loop3A_348 {add = true} : memref<16xf32, #tpu.memory_space<vmem>>[vector<16xi32>], vector<16xf32>,
        %parallel_loop3A_560 = arith.constant 176 : i32
        %parallel_loop3A_561 = tpu.memref_slice %arg7[%parallel_loop3A_560] : memref<544xf32, #tpu.memory_space<vmem>> -> memref<16xf32, #tpu.memory_space<vmem>>
        tpu.vector_store_idx %parallel_loop3A_561[%parallel_loop3A_282], %parallel_loop3A_354 {add = true} : memref<16xf32, #tpu.memory_space<vmem>>[vector<16xi32>], vector<16xf32>,
        %parallel_loop3A_562 = arith.constant 192 : i32
        %parallel_loop3A_563 = tpu.memref_slice %arg7[%parallel_loop3A_562] : memref<544xf32, #tpu.memory_space<vmem>> -> memref<16xf32, #tpu.memory_space<vmem>>
        tpu.vector_store_idx %parallel_loop3A_563[%parallel_loop3A_282], %parallel_loop3A_360 {add = true} : memref<16xf32, #tpu.memory_space<vmem>>[vector<16xi32>], vector<16xf32>,
        %parallel_loop3A_564 = arith.constant 208 : i32
        %parallel_loop3A_565 = tpu.memref_slice %arg7[%parallel_loop3A_564] : memref<544xf32, #tpu.memory_space<vmem>> -> memref<16xf32, #tpu.memory_space<vmem>>
        tpu.vector_store_idx %parallel_loop3A_565[%parallel_loop3A_282], %parallel_loop3A_366 {add = true} : memref<16xf32, #tpu.memory_space<vmem>>[vector<16xi32>], vector<16xf32>,
        %parallel_loop3A_566 = arith.constant 224 : i32
        %parallel_loop3A_567 = tpu.memref_slice %arg7[%parallel_loop3A_566] : memref<544xf32, #tpu.memory_space<vmem>> -> memref<16xf32, #tpu.memory_space<vmem>>
        tpu.vector_store_idx %parallel_loop3A_567[%parallel_loop3A_282], %parallel_loop3A_372 {add = true} : memref<16xf32, #tpu.memory_space<vmem>>[vector<16xi32>], vector<16xf32>,
        %parallel_loop3A_568 = arith.constant 240 : i32
        %parallel_loop3A_569 = tpu.memref_slice %arg7[%parallel_loop3A_568] : memref<544xf32, #tpu.memory_space<vmem>> -> memref<16xf32, #tpu.memory_space<vmem>>
        tpu.vector_store_idx %parallel_loop3A_569[%parallel_loop3A_282], %parallel_loop3A_378 {add = true} : memref<16xf32, #tpu.memory_space<vmem>>[vector<16xi32>], vector<16xf32>,
        %parallel_loop3A_570 = arith.constant 256 : i32
        %parallel_loop3A_571 = tpu.memref_slice %arg7[%parallel_loop3A_570] : memref<544xf32, #tpu.memory_space<vmem>> -> memref<16xf32, #tpu.memory_space<vmem>>
        tpu.vector_store_idx %parallel_loop3A_571[%parallel_loop3A_282], %parallel_loop3A_384 {add = true} : memref<16xf32, #tpu.memory_space<vmem>>[vector<16xi32>], vector<16xf32>,
        %parallel_loop3A_572 = arith.constant 272 : i32
        %parallel_loop3A_573 = tpu.memref_slice %arg7[%parallel_loop3A_572] : memref<544xf32, #tpu.memory_space<vmem>> -> memref<16xf32, #tpu.memory_space<vmem>>
        tpu.vector_store_idx %parallel_loop3A_573[%parallel_loop3A_282], %parallel_loop3A_390 {add = true} : memref<16xf32, #tpu.memory_space<vmem>>[vector<16xi32>], vector<16xf32>,
        %parallel_loop3A_574 = arith.constant 288 : i32
        %parallel_loop3A_575 = tpu.memref_slice %arg7[%parallel_loop3A_574] : memref<544xf32, #tpu.memory_space<vmem>> -> memref<16xf32, #tpu.memory_space<vmem>>
        tpu.vector_store_idx %parallel_loop3A_575[%parallel_loop3A_282], %parallel_loop3A_396 {add = true} : memref<16xf32, #tpu.memory_space<vmem>>[vector<16xi32>], vector<16xf32>,
        %parallel_loop3A_576 = arith.constant 304 : i32
        %parallel_loop3A_577 = tpu.memref_slice %arg7[%parallel_loop3A_576] : memref<544xf32, #tpu.memory_space<vmem>> -> memref<16xf32, #tpu.memory_space<vmem>>
        tpu.vector_store_idx %parallel_loop3A_577[%parallel_loop3A_282], %parallel_loop3A_402 {add = true} : memref<16xf32, #tpu.memory_space<vmem>>[vector<16xi32>], vector<16xf32>,
        %parallel_loop3A_578 = arith.constant 320 : i32
        %parallel_loop3A_579 = tpu.memref_slice %arg7[%parallel_loop3A_578] : memref<544xf32, #tpu.memory_space<vmem>> -> memref<16xf32, #tpu.memory_space<vmem>>
        tpu.vector_store_idx %parallel_loop3A_579[%parallel_loop3A_282], %parallel_loop3A_408 {add = true} : memref<16xf32, #tpu.memory_space<vmem>>[vector<16xi32>], vector<16xf32>,
        %parallel_loop3A_580 = arith.constant 336 : i32
        %parallel_loop3A_581 = tpu.memref_slice %arg7[%parallel_loop3A_580] : memref<544xf32, #tpu.memory_space<vmem>> -> memref<16xf32, #tpu.memory_space<vmem>>
        tpu.vector_store_idx %parallel_loop3A_581[%parallel_loop3A_282], %parallel_loop3A_414 {add = true} : memref<16xf32, #tpu.memory_space<vmem>>[vector<16xi32>], vector<16xf32>,
        %parallel_loop3A_582 = arith.constant 352 : i32
        %parallel_loop3A_583 = tpu.memref_slice %arg7[%parallel_loop3A_582] : memref<544xf32, #tpu.memory_space<vmem>> -> memref<16xf32, #tpu.memory_space<vmem>>
        tpu.vector_store_idx %parallel_loop3A_583[%parallel_loop3A_282], %parallel_loop3A_420 {add = true} : memref<16xf32, #tpu.memory_space<vmem>>[vector<16xi32>], vector<16xf32>,
        %parallel_loop3A_584 = arith.constant 368 : i32
        %parallel_loop3A_585 = tpu.memref_slice %arg7[%parallel_loop3A_584] : memref<544xf32, #tpu.memory_space<vmem>> -> memref<16xf32, #tpu.memory_space<vmem>>
        tpu.vector_store_idx %parallel_loop3A_585[%parallel_loop3A_282], %parallel_loop3A_426 {add = true} : memref<16xf32, #tpu.memory_space<vmem>>[vector<16xi32>], vector<16xf32>,
        %parallel_loop3A_586 = arith.constant 384 : i32
        %parallel_loop3A_587 = tpu.memref_slice %arg7[%parallel_loop3A_586] : memref<544xf32, #tpu.memory_space<vmem>> -> memref<16xf32, #tpu.memory_space<vmem>>
        tpu.vector_store_idx %parallel_loop3A_587[%parallel_loop3A_282], %parallel_loop3A_432 {add = true} : memref<16xf32, #tpu.memory_space<vmem>>[vector<16xi32>], vector<16xf32>,
        %parallel_loop3A_588 = arith.constant 400 : i32
        %parallel_loop3A_589 = tpu.memref_slice %arg7[%parallel_loop3A_588] : memref<544xf32, #tpu.memory_space<vmem>> -> memref<16xf32, #tpu.memory_space<vmem>>
        tpu.vector_store_idx %parallel_loop3A_589[%parallel_loop3A_282], %parallel_loop3A_438 {add = true} : memref<16xf32, #tpu.memory_space<vmem>>[vector<16xi32>], vector<16xf32>,
        %parallel_loop3A_590 = arith.constant 416 : i32
        %parallel_loop3A_591 = tpu.memref_slice %arg7[%parallel_loop3A_590] : memref<544xf32, #tpu.memory_space<vmem>> -> memref<16xf32, #tpu.memory_space<vmem>>
        tpu.vector_store_idx %parallel_loop3A_591[%parallel_loop3A_282], %parallel_loop3A_444 {add = true} : memref<16xf32, #tpu.memory_space<vmem>>[vector<16xi32>], vector<16xf32>,
        %parallel_loop3A_592 = arith.constant 432 : i32
        %parallel_loop3A_593 = tpu.memref_slice %arg7[%parallel_loop3A_592] : memref<544xf32, #tpu.memory_space<vmem>> -> memref<16xf32, #tpu.memory_space<vmem>>
        tpu.vector_store_idx %parallel_loop3A_593[%parallel_loop3A_282], %parallel_loop3A_450 {add = true} : memref<16xf32, #tpu.memory_space<vmem>>[vector<16xi32>], vector<16xf32>,
        %parallel_loop3A_594 = arith.constant 448 : i32
        %parallel_loop3A_595 = tpu.memref_slice %arg7[%parallel_loop3A_594] : memref<544xf32, #tpu.memory_space<vmem>> -> memref<16xf32, #tpu.memory_space<vmem>>
        tpu.vector_store_idx %parallel_loop3A_595[%parallel_loop3A_282], %parallel_loop3A_456 {add = true} : memref<16xf32, #tpu.memory_space<vmem>>[vector<16xi32>], vector<16xf32>,
        %parallel_loop3A_596 = arith.constant 464 : i32
        %parallel_loop3A_597 = tpu.memref_slice %arg7[%parallel_loop3A_596] : memref<544xf32, #tpu.memory_space<vmem>> -> memref<16xf32, #tpu.memory_space<vmem>>
        tpu.vector_store_idx %parallel_loop3A_597[%parallel_loop3A_282], %parallel_loop3A_462 {add = true} : memref<16xf32, #tpu.memory_space<vmem>>[vector<16xi32>], vector<16xf32>,
        %parallel_loop3A_598 = arith.constant 480 : i32
        %parallel_loop3A_599 = tpu.memref_slice %arg7[%parallel_loop3A_598] : memref<544xf32, #tpu.memory_space<vmem>> -> memref<16xf32, #tpu.memory_space<vmem>>
        tpu.vector_store_idx %parallel_loop3A_599[%parallel_loop3A_282], %parallel_loop3A_468 {add = true} : memref<16xf32, #tpu.memory_space<vmem>>[vector<16xi32>], vector<16xf32>,
        %parallel_loop3A_600 = arith.constant 496 : i32
        %parallel_loop3A_601 = tpu.memref_slice %arg7[%parallel_loop3A_600] : memref<544xf32, #tpu.memory_space<vmem>> -> memref<16xf32, #tpu.memory_space<vmem>>
        tpu.vector_store_idx %parallel_loop3A_601[%parallel_loop3A_282], %parallel_loop3A_474 {add = true} : memref<16xf32, #tpu.memory_space<vmem>>[vector<16xi32>], vector<16xf32>,
        %parallel_loop3A_602 = arith.constant 512 : i32
        %parallel_loop3A_603 = tpu.memref_slice %arg7[%parallel_loop3A_602] : memref<544xf32, #tpu.memory_space<vmem>> -> memref<16xf32, #tpu.memory_space<vmem>>
        tpu.vector_store_idx %parallel_loop3A_603[%parallel_loop3A_282], %parallel_loop3A_537 {add = true} : memref<16xf32, #tpu.memory_space<vmem>>[vector<16xi32>], vector<16xf32>,
        %parallel_loop3A_604 = arith.constant 1.000000e+00 : f32
        %parallel_loop3A_605 = vector.broadcast %parallel_loop3A_604 : f32 to vector<16xf32>
        %parallel_loop3A_606 = arith.constant 528 : i32
        %parallel_loop3A_607 = tpu.memref_slice %arg7[%parallel_loop3A_606] : memref<544xf32, #tpu.memory_space<vmem>> -> memref<16xf32, #tpu.memory_space<vmem>>
        tpu.vector_store_idx %parallel_loop3A_607[%parallel_loop3A_282], %parallel_loop3A_605 {add = true} : memref<16xf32, #tpu.memory_space<vmem>>[vector<16xi32>], vector<16xf32>,
      } {sc.loop_unroll_factor = 2 : i64, sc.parallel_access}
    }
    %scan3A_198 = arith.constant 16 : i32
    "tpu.region"() ({
      %run_scoped3A = tpu.sem_alloc : memref<!tpu.dma_semaphore, #tpu.memory_space<semaphore_mem>>
      %dma_start3A_199 = arith.constant 0 : i32
      %dma_start3A_200 = tpu.memref_slice %arg4[%select_n3A, %select_n3A_30, %dma_start3A_199] : memref<4x8x544xf32, #tpu.memory_space<hbm>> -> memref<1x1x544xf32, #tpu.memory_space<hbm>>
      %dma_start3A_201 = tpu.memref_squeeze %dma_start3A_200 : memref<1x1x544xf32, #tpu.memory_space<hbm>> -> memref<544xf32, #tpu.memory_space<hbm>>
      %dma_start3A_202 = arith.constant 0 : i32
      %dma_start3A_203 = tpu.memref_slice %arg4[%select_n3A, %select_n3A_30, %dma_start3A_202] : memref<4x8x544xf32, #tpu.memory_space<hbm>> -> memref<1x1x544xf32, #tpu.memory_space<hbm>>
      %dma_start3A_204 = tpu.memref_squeeze %dma_start3A_203 : memref<1x1x544xf32, #tpu.memory_space<hbm>> -> memref<544xf32, #tpu.memory_space<hbm>>
      tpu.enqueue_dma source(%arg7 : memref<544xf32, #tpu.memory_space<vmem>>) target(%dma_start3A_204 : memref<544xf32, #tpu.memory_space<hbm>>) target_semaphore(%run_scoped3A : memref<!tpu.dma_semaphore, #tpu.memory_space<semaphore_mem>>)
      %dma_wait3A = arith.constant 0 : i32
      %dma_wait3A_205 = tpu.memref_slice %arg4[%select_n3A, %select_n3A_30, %dma_wait3A] : memref<4x8x544xf32, #tpu.memory_space<hbm>> -> memref<1x1x544xf32, #tpu.memory_space<hbm>>
      %dma_wait3A_206 = tpu.memref_squeeze %dma_wait3A_205 : memref<1x1x544xf32, #tpu.memory_space<hbm>> -> memref<544xf32, #tpu.memory_space<hbm>>
      %dma_wait3A_207 = arith.constant 0 : i32
      %dma_wait3A_208 = tpu.memref_slice %arg4[%select_n3A, %select_n3A_30, %dma_wait3A_207] : memref<4x8x544xf32, #tpu.memory_space<hbm>> -> memref<1x1x544xf32, #tpu.memory_space<hbm>>
      %dma_wait3A_209 = tpu.memref_squeeze %dma_wait3A_208 : memref<1x1x544xf32, #tpu.memory_space<hbm>> -> memref<544xf32, #tpu.memory_space<hbm>>
      tpu.wait_dma2 semaphore(%run_scoped3A : memref<!tpu.dma_semaphore, #tpu.memory_space<semaphore_mem>>) src(%arg7 : memref<544xf32, #tpu.memory_space<vmem>>) dst(%dma_wait3A_209 : memref<544xf32, #tpu.memory_space<hbm>>)
      tpu.yield
    }) : () -> ()
    return
  }
}

</mosaic_0001>

<sc_bundles>
// kernel: _sc_stats.3.cloned.1.call-start
scs
__scs_entry_jumppad:
0x0: {  	(pc) =	sbr.rel $0x88, $3  }
0x1: {  	(tag) =	ssettag $0x0;
	lr =	simm.s32 $0x1  }
0x2: {  	[smem:$0x3F9F] =	sst lr;
	_ =	strace $0xD0000000  }
0x3: {  	_ = 	snop  }
0x4: {  	_ = 	snop  }
0x5: {  	_ = 	snop  }
0x6: {  	_ = 	snop  }
0x7: {  	_ = 	snop  }
__scs_overlays_trampoline_lowered:
0x8: {  	[smem:$0x3FAE] =	sst s0  }
0x9: {  	[smem:$0x3FAF] =	sst s1  }
0xa: {  	[smem:$0x3FB0] =	sst s2  }
0xb: {  	[smem:$0x3FB1] =	sst s3  }
0xc: {  	[smem:$0x3FB2] =	sst s4  }
0xd: {  	[smem:$0x3FB3] =	sst s5  }
0xe: {  	[smem:$0x3FB4] =	sst s6  }
0xf: {  	[smem:$0x3FB5] =	sst s7  }
0x10: {  	[smem:$0x3FB6] =	sst s8  }
0x11: {  	[smem:$0x3FB7] =	sst s9;
	s0 =	simm.s32 @!p0 $0x0  }
0x12: {  	s1 =	sld [smem:$0x3F9D];
	s0 =	simm.s32 @p0 $0x1  }
0x13: {  	[smem:$0x3FB8] =	sst s0;
	s0 =	simm.s32 @!p1 $0x0  }
0x14: {  	s2 =	sld [smem:$0x3F9C];
	s0 =	simm.s32 @p1 $0x1  }
0x15: {  	[smem:$0x3FB9] =	sst s0;
	s0 =	simm.s32 @!p2 $0x0  }
0x16: {  	s3 =	sld [smem:$0x3FDB];
	s0 =	simm.s32 @p2 $0x1  }
0x17: {  	s4 =	simm.s32 $0x1BF5;
	[smem:$0x3FBB] =	sst s0  }
0x18: {  	s0 =	sld [smem:$0x3F9E];
	_ =	swait.ge [sflag:s4], $0x0  }
0x19: {  	s7 =	sld [smem:$0x3F9F]  }
0x1a: {  	s8 =	sadd.s32 $0xFFFFE003, lr  }
0x1b: {  	s9 =	sadd.s32 $0xFFFFFEF7, lr;
	s5 =	simm.s32 $0xFFFFFFFF;
	p2 =	slt.u32 s8, $0xFFFFF086  }
0x1c: {  	p1 =	slt.u32 s9, $0xF7A;
	s5 =	simm.s32 @!p2 $0x0  }
0x1d: {  	s5 =	simm.s32 @p1 $0x1;
	p0 =	seq.s32 s7, s2  }
0x1e: {  	s7 =	smul.u32 @!p0 $0xF7A, s2;
	p2 =	seq.s32 @!p0 s5, $0x0  }
0x1f: {  	s9 =	smul.u32 $0xF7A, s1;
	s8 =	simm.s32 @!p0 $0x1BF5;
	p2 =	por !p2, p0  }
0x20: {  	[sflag:s8] =	ssyncset.s32 @!p0 $0xFFFFF086;
	s6 =	sadd.s32 @!p0 s3, s7;
	s7 =	simm.s32 @!p0 $0x108  }
0x21: {  	s3 =	sadd.s32 s3, s9;
	s6 =	sadd.s32 @!p0 $0x88, s6;
	s7 =	simm.s32 @p2 $0x1082  }
0x22: {  	[simem:s7], [sflag:s8] =	dma.local @!p0 [hbm:s6], $0xF7A  }
0x23: {  	s9 =	sor.u32 $0xD0000000, s2;
	s6 =	simm.s32 $0x108;
	_ =	swait.ge @!p0 [sflag:s8], $0x0  }
0x24: {  	s3 =	sadd.s32 $0x88, s3;
	s6 =	simm.s32 @!p1 $0x1082;
	[sflag:s4] =	ssyncset.s32 $0xFFFFF086  }
0x25: {  	[simem:s6], [sflag:s4] =	dma.local [hbm:s3], $0xF7A  }
0x26: {  	[smem:$0x3F9F] =	sst s1;
	(tag) =	ssettag s2;
	_ =	strace s9  }
0x27: {  	s1 =	sld [smem:$0x3FAF]  }
0x28: {  	s2 =	sld [smem:$0x3FB0]  }
0x29: {  	s4 =	sld [smem:$0x3FB2]  }
0x2a: {  	p0 =	seq.s32 s5, $0x0;
	s5 =	sld [smem:$0x3FB3]  }
0x2b: {  	s6 =	sld [smem:$0x3FB4]  }
0x2c: {  	s7 =	sld [smem:$0x3FB5]  }
0x2d: {  	s3 =	simm.s32 $0x108;
	s8 =	sld [smem:$0x3FB6]  }
0x2e: {  	s3 =	simm.s32 @!p0 $0x1082;
	s9 =	sld [smem:$0x3FB7]  }
0x2f: {  	lr =	sadd.s32 s0, s3;
	s0 =	sld [smem:$0x3FAE]  }
0x30: {  	s3 =	sld [smem:$0x3FB1]  }
0x31: {  	[smem:$0x3FBA] =	sst s10  }
0x32: {  	s10 =	sld [smem:$0x3FB8];
	_ =	sdelay $0x3  }
0x33: {  	p0 =	seq.s32 s10, $0x1;
	s10 =	sld [smem:$0x3FBA];
	_ =	sdelay $0x3  }
0x34: {  	[smem:$0x3FBA] =	sst s10  }
0x35: {  	s10 =	sld [smem:$0x3FB9];
	_ =	sdelay $0x3  }
0x36: {  	p1 =	seq.s32 s10, $0x1;
	s10 =	sld [smem:$0x3FBA];
	_ =	sdelay $0x3  }
0x37: {  	[smem:$0x3FBA] =	sst s10  }
0x38: {  	s10 =	sld [smem:$0x3FBB]  }
0x39: {  	_ = 	snop;
	(pc) =	sbr.ind lr, $3  }
0x3a: {  	_ = 	snop  }
0x3b: {  	_ = 	snop  }
0x3c: {  	p2 =	seq.s32 s10, $0x1;
	s10 =	sld [smem:$0x3FBA]  }
0x3d: {  	_ =	shalt  }
0x3e: {  	_ =	shalt  }
0x3f: {  	_ =	shalt  }
0x40: {  	_ =	shalt  }
0x41: {  	_ =	shalt  }
0x42: {  	_ =	shalt  }
0x43: {  	_ =	shalt  }
0x44: {  	_ =	shalt  }
0x45: {  	_ =	shalt  }
0x46: {  	_ =	shalt  }
0x47: {  	_ =	shalt  }
0x48: {  	_ =	shalt  }
0x49: {  	_ =	shalt  }
0x4a: {  	_ =	shalt  }
0x4b: {  	_ =	shalt  }
0x4c: {  	_ =	shalt  }
0x4d: {  	_ =	shalt  }
0x4e: {  	_ =	shalt  }
0x4f: {  	_ =	shalt  }
0x50: {  	_ =	shalt  }
0x51: {  	_ =	shalt  }
0x52: {  	_ =	shalt  }
0x53: {  	_ =	shalt  }
0x54: {  	_ =	shalt  }
0x55: {  	_ =	shalt  }
0x56: {  	_ =	shalt  }
0x57: {  	_ =	shalt  }
0x58: {  	_ =	shalt  }
0x59: {  	_ =	shalt  }
0x5a: {  	_ =	shalt  }
0x5b: {  	_ =	shalt  }
0x5c: {  	_ =	shalt  }
0x5d: {  	_ =	shalt  }
0x5e: {  	_ =	shalt  }
0x5f: {  	_ =	shalt  }
0x60: {  	_ =	shalt  }
0x61: {  	_ =	shalt  }
0x62: {  	_ =	shalt  }
0x63: {  	_ =	shalt  }
0x64: {  	_ =	shalt  }
0x65: {  	_ =	shalt  }
0x66: {  	_ =	shalt  }
0x67: {  	_ =	shalt  }
0x68: {  	_ =	shalt  }
0x69: {  	_ =	shalt  }
0x6a: {  	_ =	shalt  }
0x6b: {  	_ =	shalt  }
0x6c: {  	_ =	shalt  }
0x6d: {  	_ =	shalt  }
0x6e: {  	_ =	shalt  }
0x6f: {  	_ =	shalt  }
0x70: {  	_ =	shalt  }
0x71: {  	_ =	shalt  }
0x72: {  	_ =	shalt  }
0x73: {  	_ =	shalt  }
0x74: {  	_ =	shalt  }
0x75: {  	_ =	shalt  }
0x76: {  	_ =	shalt  }
0x77: {  	_ =	shalt  }
0x78: {  	_ =	shalt  }
0x79: {  	_ =	shalt  }
0x7a: {  	_ =	shalt  }
0x7b: {  	_ =	shalt  }
0x7c: {  	_ =	shalt  }
0x7d: {  	_ =	shalt  }
0x7e: {  	_ =	shalt  }
0x7f: {  	_ =	shalt  }
0x80: {  	_ =	shalt  }
0x81: {  	_ =	shalt  }
0x82: {  	_ =	shalt  }
0x83: {  	_ =	shalt  }
0x84: {  	_ =	shalt  }
0x85: {  	_ =	shalt  }
0x86: {  	_ =	shalt  }
0x87: {  	_ =	shalt  }
.Lfunc_end0:
.L_simem_size_0:
called_computation_lowered:
.L_overlay_start_0:
0x88: {  	s2 =	sld [smem:$0x3FD9]  }
0x89: {  	s3 =	sld [smem:$0x3FFE];
	_ =	sdelay $0x1  }
0x8a: {  	s1 =	srdreg.scid  }
0x8b: {  	s0 =	sand.u32 $0x1, s1  }
0x8c: {  	s18 =	sshll.u32 s0, $0xA;
	s2 =	sadd.s32 s3, s2  }
0x8d: {  	s2 =	sadd.s32 s2, s18  }
0x8e: {  	[smem:$0x3FC6] =	sst s2  }
0x8f: {  	_ = 	snop  }
0x90: {  	s2 =	sld [smem:$0x3FC9]  }
0x91: {  	s19 =	sld [smem:$0x3FC8]  }
0x92: {  	s4 =	sld [smem:$0x3FD0];
	(tm) =	ssettm $0x1  }
0x93: {  	s5 =	sld [smem:$0x3FFB];
	_ =	sdelay $0x3  }
0x94: {  	_ =	strace s5  }
0x95: {  	s5 =	sld [smem:$0x3FFC];
	_ =	sdelay $0x3  }
0x96: {  	_ =	strace s5  }
0x97: {  	s5 =	sld [smem:$0x3FFD];
	_ =	sdelay $0x3  }
0x98: {  	_ =	strace s5  }
0x99: {  	_ =	strace $0x8FFFFFFF  }
0x9a: {  	s20 =	sld [smem:$0x3FDB];
	_ =	sdelay $0x1  }
0x9b: {  	s6 =	simm.s32 $_scs_section_size  }
0x9c: {  	s7 =	simm.s32 $_size__tile_overlayer_lowered;
	s8 =	simm.s32 $_tile_overlayer_lowered  }
0x9d: {  	s23 =	simm.s32 $0x1BFF;
	s22 =	sshll.u32 s8, $0x1;
	s5 =	sadd.s32 s6, s20  }
0x9e: {  	s9 =	simm.s32 $0x0;
	s21 =	sshll.u32 s7, $0x1;
	s7 =	sadd.s32 s22, s5  }
0x9f: {  	[timem:s9], [sflag:s23] =	dma.local [hbm:s7], s21  }
0xa0: {  	_ =	swait.ge [sflag:s23], s21  }
0xa1: {  	s6 =	ssub.s32 $0x0, s21;
	[sflag:s23] =	ssyncset.done $0x0  }
0xa2: {  	[sflag:s23] =	ssyncadd.s32 s6;
	_ =	sdelay $0x1  }
0xa3: {  	s24 =	simm.s32 $0x1B8B  }
0xa4: {  	_ =	swait.ge [sflag:s24], $0x1  }
0xa5: {  	[sflag:s24] =	ssyncset.done $0x0  }
0xa6: {  	s25 =	simm.s32 $0x1B8E;
	[sflag:s24] =	ssyncadd.s32 $0xFFFFFFFF  }
0xa7: {  	s26 =	simm.s32 $execute0_lowered;
	[smem:$0x3FD2] =	sst s25  }
0xa8: {  	s6 =	sshll.u32 s26, $0x1;
	_ =	strace $0x80000046;
	[dreg:$0x1] =	wrdreg $0xFFFFFFFF  }
0xa9: {  	s28 =	simm.s32 $_size_execute0_lowered;
	s5 =	sadd.s32 s5, s6;
	[dreg:$0x0] =	wrdreg $0x0  }
0xaa: {  	s6 =	sshll.u32 s28, $0x1;
	[dreg:$0x2] =	wrdreg s5  }
0xab: {  	[dreg:$0x3] =	wrdreg s6  }
0xac: {  	[dreg:$0x4] =	wrdreg $0xC0  }
0xad: {  	_ =	task [dreg:s9], $0x5FFFF  }
0xae: {  	[dreg:$0x1] =	wrdreg $0xFFFFFFFF  }
0xaf: {  	[dreg:$0x0] =	wrdreg $0x60  }
0xb0: {  	[dreg:$0x2] =	wrdreg s2  }
0xb1: {  	[dreg:$0x3] =	wrdreg s19  }
0xb2: {  	[dreg:$0x4] =	wrdreg s4  }
0xb3: {  	[dreg:$0x5] =	wrdreg $0x9  }
0xb4: {  	_ =	task.clear_ibuf [dreg:s9], $0x6FFFF;
	_ =	strace $0x90000046  }
0xb5: {  	s29 =	simm.s32 $0x9;
	_ =	strace $0x80000048  }
0xb6: {  	_ =	swait.ge [sflag:s29], $0x1  }
0xb7: {  	[sflag:s29] =	ssyncadd.s32 $0xFFFFFFFF  }
0xb8: {  	_ =	strace $0x90000048  }
0xb9: {  	_ =	sfence  }
0xba: {  	s30 =	sld [smem:$0x0];
	_ =	sdelay $0x2  }
0xbb: {  	s31 =	sshll.u32 s1, $0xD;
	s1 =	sshrl.u32 s1, $0x2  }
0xbc: {  	s3 =	sand.u32 $0x4000, s31;
	s1 =	sadd.s32 s1, s30  }
0xbd: {  	s0 =	sor.u32 s3, s0;
	s1 =	sshll.u32 s1, $0x11  }
0xbe: {  	s0 =	sor.u32 s1, s0  }
0xbf: {  	s0 =	sadd.s32 $0x8F2B, s0  }
0xc0: {  	[sflag:s0] =	ssyncadd.remote.s32 $0x1  }
0xc1: {  	_ =	sfence.sel $0xFFFF  }
0xc2: {  	[dreg:$0x0] =	wrdreg $0xFFFFFFFF;
	(pc) =	sbr.abs _section_cstart, $3  }
0xc3: {  	[dreg:$0x1] =	wrdreg $0xFFFFFFFF  }
0xc4: {  	_ =	task.clear_ibuf [dreg:s9], $0x2FFFF;
	_ =	strace $0x9FFFFFFF  }
0xc5: {  	(tm) =	ssettm $0x7FFFFFFF  }
tec
execute0_lowered:
.L_overlay_start_1:
0x0: {  	(tag) =	ssettag $0x1  }
0x1: {  	s0 =	rddreg [dreg:$0x0]  }
0x2: {  	s8 =	rddreg [dreg:$0x1]  }
0x3: {  	s1 =	rddreg [dreg:$0x2]  }
0x4: {  	s2 =	srdreg.scid;
	s6 =	stileid.u32  }
0x5: {  	s4 =	simm.s32 $0x0;
	s2 =	sand.u32 $0x1, s2;
	s3 =	sshll.u32 s6, $0x1  }
0x6: {  	[smem:$0x7FF] =	sst s4;
	s14 =	sshrl.u32 s6, $0x2;
	s12 =	ssub.s32 $0x2, s2  }
0x7: {  	s3 =	sand.u32 $0x6, s3;
	_ =	strace $0x80000047;
	s9 =	sshll.u32 s14, $0x7  }
0x8: {  	s7 =	smul.u32 $0x1400, s14;
	s4 =	sshll.u32 s14, $0x14;
	s5 =	sshrl.u32 s12, $0x1  }
0x9: {  	s2 =	sor.u32 s2, s3;
	[dreg:$0x15] =	wrdreg s9;
	s4 =	sadd.s32 s0, s4  }
0xa: {  	s13 =	ssub.s32 s12, s5;
	s15 =	sshll.u32 s2, $0xF;
	s16 =	sshll.u32 s2, $0x11  }
0xb: {  	s2 =	sshll.u32 s2, $0x7;
	[dreg:$0x16] =	wrdreg s4;
	s4 =	sadd.s32 s15, s4  }
0xc: {  	s6 =	sor.u32 s9, s16;
	s20 =	sor.u32 $0x800, s15;
	[dreg:$0x17] =	wrdreg s4  }
0xd: {  	s2 =	sor.u32 s7, s2;
	s21 =	smax.u32 s13, $0x1;
	[dreg:$0x19] =	wrdreg s20  }
0xe: {  	s30 =	sor.u32 $0x400, s15;
	s19 =	sshrl.u32 s2, $0x3;
	[dreg:$0x1b] =	wrdreg s21  }
0xf: {  	s17 =	sshrl.u32 s6, $0x3;
	[smem:$0x7FD] =	sst s30;
	s0 =	sadd.s32 s1, s19  }
0x10: {  	s18 =	sadd.s32 s8, s17;
	[dreg:$0x1a] =	wrdreg s0  }
0x11: {  	s22 =	sadd.s32 $0x40, s18;
	[dreg:$0x18] =	wrdreg s18  }
0x12: {  	s23 =	sadd.s32 $0x80, s18;
	[dreg:$0x1c] =	wrdreg s22  }
0x13: {  	s24 =	sadd.s32 $0xC0, s18;
	[dreg:$0x1d] =	wrdreg s23  }
0x14: {  	s25 =	sadd.s32 $0x100, s18;
	[dreg:$0x1e] =	wrdreg s24  }
0x15: {  	s26 =	sadd.s32 $0x140, s18;
	[dreg:$0x1f] =	wrdreg s25  }
0x16: {  	s28 =	sadd.s32 $0x180, s18;
	[smem:$0x7FA] =	sst s26  }
0x17: {  	s29 =	sadd.s32 $0x1C0, s18;
	[smem:$0x7FB] =	sst s28  }
0x18: {  	s31 =	simm.s32 $0x10800;
	v1 =	vimm.f32 $1.000000000e+00;
	s2 =	simm.s32 $0x0;
	[smem:$0x7FC] =	sst s29  }
.LBB2_1:
0x19: {  	v0 =	vimm.f32 $0.0e+00  }
0x1a: {  	[tilespmem:$0x10800] =	vst v0  }
0x1b: {  	[tilespmem:$0x10810] =	vst v0  }
0x1c: {  	[tilespmem:$0x10820] =	vst v0  }
0x1d: {  	[tilespmem:$0x10830] =	vst v0  }
0x1e: {  	[tilespmem:$0x10840] =	vst v0  }
0x1f: {  	[tilespmem:$0x10850] =	vst v0  }
0x20: {  	[tilespmem:$0x10860] =	vst v0  }
0x21: {  	[tilespmem:$0x10870] =	vst v0  }
0x22: {  	[tilespmem:$0x10880] =	vst v0  }
0x23: {  	[tilespmem:$0x10890] =	vst v0  }
0x24: {  	[tilespmem:$0x108A0] =	vst v0  }
0x25: {  	[tilespmem:$0x108B0] =	vst v0  }
0x26: {  	[tilespmem:$0x108C0] =	vst v0  }
0x27: {  	[tilespmem:$0x108D0] =	vst v0  }
0x28: {  	[tilespmem:$0x108E0] =	vst v0  }
0x29: {  	[tilespmem:$0x108F0] =	vst v0  }
0x2a: {  	[tilespmem:$0x10900] =	vst v0  }
0x2b: {  	[tilespmem:$0x10910] =	vst v0  }
0x2c: {  	[tilespmem:$0x10920] =	vst v0  }
0x2d: {  	[tilespmem:$0x10930] =	vst v0  }
0x2e: {  	[tilespmem:$0x10940] =	vst v0  }
0x2f: {  	[tilespmem:$0x10950] =	vst v0  }
0x30: {  	[tilespmem:$0x10960] =	vst v0  }
0x31: {  	[tilespmem:$0x10970] =	vst v0  }
0x32: {  	[tilespmem:$0x10980] =	vst v0  }
0x33: {  	[tilespmem:$0x10990] =	vst v0  }
0x34: {  	[tilespmem:$0x109A0] =	vst v0  }
0x35: {  	[tilespmem:$0x109B0] =	vst v0  }
0x36: {  	[tilespmem:$0x109C0] =	vst v0  }
0x37: {  	[tilespmem:$0x109D0] =	vst v0  }
0x38: {  	[tilespmem:$0x109E0] =	vst v0  }
0x39: {  	[tilespmem:$0x109F0] =	vst v0  }
0x3a: {  	s0 =	simm.s32 $0x0;
	s1 =	rddreg [dreg:$0x17];
	[tilespmem:$0x10A00] =	vst v0  }
0x3b: {  	s13 =	simm.s32 $0x2000;
	s3 =	simm.s32 $0x200000;
	s14 =	rddreg [dreg:$0x18];
	[tilespmem:$0x10A10] =	vst v0  }
0x3c: {  	[tilespmem:s0], [sflag:$0x1] =	stream.strided.gather [hbm4b:s1+s13], $0x8000, s3, s13, $0x38;
	[tilespmem:$0x10A80] =	vst v63  }
0x3d: {  	s15 =	simm.s32 $0x10000;
	s16 =	rddreg [dreg:$0x1c]  }
0x3e: {  	[tilespmem:s15], [sflag:$0x3] =	stream.linear.gather [hbm4b:s14+s0], $0x80, $0x38;
	[tilespmem:$0x10A80] =	vst v63  }
0x3f: {  	s17 =	simm.s32 $0x10100;
	s18 =	rddreg [dreg:$0x1d]  }
0x40: {  	[tilespmem:s17], [sflag:$0x3] =	stream.linear.gather [hbm4b:s16+s0], $0x80, $0x38;
	[tilespmem:$0x10A80] =	vst v63  }
0x41: {  	s19 =	simm.s32 $0x10200;
	s20 =	rddreg [dreg:$0x1e]  }
0x42: {  	[tilespmem:s19], [sflag:$0x3] =	stream.linear.gather [hbm4b:s18+s0], $0x80, $0x38;
	[tilespmem:$0x10A80] =	vst v63  }
0x43: {  	s21 =	simm.s32 $0x10300;
	s22 =	rddreg [dreg:$0x1f]  }
0x44: {  	[tilespmem:s21], [sflag:$0x3] =	stream.linear.gather [hbm4b:s20+s0], $0x80, $0x38;
	[tilespmem:$0x10A80] =	vst v63  }
0x45: {  	s23 =	simm.s32 $0x10400;
	s24 =	sld [smem:$0x7FA]  }
0x46: {  	[tilespmem:s23], [sflag:$0x3] =	stream.linear.gather [hbm4b:s22+s0], $0x80, $0x38;
	[tilespmem:$0x10A80] =	vst v63  }
0x47: {  	s25 =	simm.s32 $0x10500;
	s26 =	sld [smem:$0x7FB]  }
0x48: {  	[tilespmem:s25], [sflag:$0x3] =	stream.linear.gather [hbm4b:s24+s0], $0x80, $0x38;
	[tilespmem:$0x10A80] =	vst v63  }
0x49: {  	s28 =	simm.s32 $0x10600;
	s29 =	sld [smem:$0x7FC]  }
0x4a: {  	[tilespmem:s28], [sflag:$0x3] =	stream.linear.gather [hbm4b:s26+s0], $0x80, $0x38;
	[tilespmem:$0x10A80] =	vst v63  }
0x4b: {  	s30 =	simm.s32 $0x10700  }
0x4c: {  	[tilespmem:s30], [sflag:$0x3] =	stream.linear.gather [hbm4b:s29+s0], $0x80, $0x38;
	[tilespmem:$0x10A80] =	vst v63  }
0x4d: {  	[smem:$0x7F9] =	sst s2;
	s0 =	simm.s32 $0x0  }
.LBB2_2:
0x4e: {  	s19 =	sld [smem:$0x7FD]  }
0x4f: {  	[smem:$0x7F7] =	sst s0;
	s1 =	sshll.u32 s0, $0xB  }
0x50: {  	s20 =	rddreg [dreg:$0x16];
	s2 =	simm.s32 $0x2000;
	s3 =	simm.s32 $0x200000  }
0x51: {  	s4 =	simm.s32 $0x8000;
	s21 =	rddreg [dreg:$0x15];
	s0 =	sor.u32 s19, s1  }
0x52: {  	[smem:$0x7F8] =	sst s1;
	s1 =	sadd.s32 s0, s20;
	s0 =	sshll.u32 s0, $0x2  }
0x53: {  	[tilespmem:s4], [sflag:$0x2] =	stream.strided.gather [hbm4b:s1+s2], $0x8000, s3, s2, $0x38;
	[tilespmem:$0x10A80] =	vst v63  }
0x54: {  	s0 =	sor.u32 s21, s0  }
0x55: {  	s22 =	rddreg [dreg:$0x1];
	s0 =	sshrl.u32 s0, $0x3  }
0x56: {  	s23 =	simm.s32 $0x0;
	s24 =	simm.s32 $0x10080;
	s0 =	sadd.s32 s22, s0  }
0x57: {  	[tilespmem:s24], [sflag:$0x4] =	stream.linear.gather [hbm4b:s0+s23], $0x80, $0x38;
	[tilespmem:$0x10A80] =	vst v63  }
0x58: {  	s26 =	simm.s32 $0x10180;
	s25 =	sadd.s32 $0x40, s0  }
0x59: {  	[tilespmem:s26], [sflag:$0x4] =	stream.linear.gather [hbm4b:s25+s23], $0x80, $0x38;
	[tilespmem:$0x10A80] =	vst v63  }
0x5a: {  	s29 =	simm.s32 $0x10280;
	s28 =	sadd.s32 $0x80, s0  }
0x5b: {  	[tilespmem:s29], [sflag:$0x4] =	stream.linear.gather [hbm4b:s28+s23], $0x80, $0x38;
	[tilespmem:$0x10A80] =	vst v63  }
0x5c: {  	s5 =	simm.s32 $0x10380;
	s4 =	sadd.s32 $0xC0, s0  }
0x5d: {  	[tilespmem:s5], [sflag:$0x4] =	stream.linear.gather [hbm4b:s4+s23], $0x80, $0x38;
	[tilespmem:$0x10A80] =	vst v63  }
0x5e: {  	s7 =	simm.s32 $0x10480;
	s6 =	sadd.s32 $0x100, s0  }
0x5f: {  	[tilespmem:s7], [sflag:$0x4] =	stream.linear.gather [hbm4b:s6+s23], $0x80, $0x38;
	[tilespmem:$0x10A80] =	vst v63  }
0x60: {  	s9 =	simm.s32 $0x10580;
	s8 =	sadd.s32 $0x140, s0  }
0x61: {  	[tilespmem:s9], [sflag:$0x4] =	stream.linear.gather [hbm4b:s8+s23], $0x80, $0x38;
	[tilespmem:$0x10A80] =	vst v63  }
0x62: {  	s11 =	simm.s32 $0x10680;
	s10 =	sadd.s32 $0x180, s0  }
0x63: {  	[tilespmem:s11], [sflag:$0x4] =	stream.linear.gather [hbm4b:s10+s23], $0x80, $0x38;
	[tilespmem:$0x10A80] =	vst v63  }
0x64: {  	s12 =	simm.s32 $0x10780;
	s13 =	simm.s32 $0x1;
	s0 =	sadd.s32 $0x1C0, s0  }
0x65: {  	[tilespmem:s12], [sflag:$0x4] =	stream.linear.gather [hbm4b:s0+s23], $0x80, $0x38;
	[tilespmem:$0x10A80] =	vst v63  }
0x66: {  	_ =	swait.ge [sflag:s13], $0x8000  }
0x67: {  	[sflag:s13] =	ssyncset.done $0x0  }
0x68: {  	s14 =	simm.s32 $0x3;
	[sflag:s13] =	ssyncadd.s32 $0xFFFF8000  }
0x69: {  	s15 =	simm.s32 $0x0;
	s0 =	sand.u32 $0x60, s23;
	_ =	swait.ge [sflag:s14], $0x400  }
0x6a: {  	s1 =	sand.u32 $0x1C00, s23;
	s7 =	sor.u32 $0x10, s0;
	[sflag:s14] =	ssyncset.done $0x0  }
0x6b: {  	s16 =	sor.u32 s7, s1;
	[dreg:$0x4] =	wrdreg s15;
	[sflag:s14] =	ssyncadd.s32 $0xFFFFFC00  }
0x6c: {  	v42 =	vld [tilespmem:s16+$0x0]  }
0x6d: {  	v43 =	vld [tilespmem:s16+$0x80]  }
0x6e: {  	v44 =	vld [tilespmem:s16+$0x100]  }
0x6f: {  	v45 =	vld [tilespmem:s16+$0x180]  }
0x70: {  	v46 =	vld [tilespmem:s16+$0x200]  }
0x71: {  	v8 =	vld [tilespmem:s16+$0x280]  }
0x72: {  	s9 =	sor.u32 $0x2000, s1;
	v47 =	vld [tilespmem:s16+$0x300]  }
0x73: {  	s11 =	sor.u32 $0x2080, s1;
	s17 =	sor.u32 s7, s9;
	v48 =	vld [tilespmem:s16+$0x380]  }
0x74: {  	s12 =	sor.u32 $0x2100, s1;
	s18 =	sor.u32 s7, s11;
	v49 =	vld [tilespmem:s17+$0x0]  }
0x75: {  	s19 =	sor.u32 s7, s12;
	s13 =	sor.u32 $0x2180, s1;
	v50 =	vld [tilespmem:s18+$0x0]  }
0x76: {  	s20 =	sor.u32 s7, s13;
	s15 =	sor.u32 $0x2280, s1;
	v51 =	vld [tilespmem:s19+$0x0]  }
0x77: {  	s22 =	sor.u32 s7, s15;
	v52 =	vld [tilespmem:s20+$0x0]  }
0x78: {  	s9 =	sor.u32 s0, s9;
	s14 =	sor.u32 $0x2200, s1;
	v9 =	vld [tilespmem:s22+$0x0]  }
0x79: {  	s21 =	sor.u32 s7, s14;
	v26 =	vld [tilespmem:s9+$0x0]  }
0x7a: {  	s9 =	sor.u32 s0, s11;
	v53 =	vld [tilespmem:s21+$0x0]  }
0x7b: {  	s11 =	sor.u32 s0, s12;
	v25 =	vld [tilespmem:s9+$0x0]  }
0x7c: {  	s12 =	sor.u32 s0, s13;
	v24 =	vld [tilespmem:s11+$0x0]  }
0x7d: {  	s13 =	sor.u32 s0, s14;
	v23 =	vld [tilespmem:s12+$0x0]  }
0x7e: {  	s16 =	sor.u32 $0x2300, s1;
	s14 =	sor.u32 s0, s15;
	v22 =	vld [tilespmem:s13+$0x0]  }
0x7f: {  	s17 =	sor.u32 $0x2380, s1;
	s23 =	sor.u32 s7, s16;
	v21 =	vld [tilespmem:s14+$0x0]  }
0x80: {  	s18 =	sor.u32 $0x4000, s1;
	s24 =	sor.u32 s7, s17;
	v2 =	vld [tilespmem:s23+$0x0]  }
0x81: {  	s19 =	sor.u32 $0x4080, s1;
	s25 =	sor.u32 s7, s18;
	v41 =	vld [tilespmem:s24+$0x0]  }
0x82: {  	s20 =	sor.u32 $0x4100, s1;
	s26 =	sor.u32 s7, s19;
	v3 =	vld [tilespmem:s25+$0x0]  }
0x83: {  	s22 =	sor.u32 $0x4200, s1;
	s28 =	sor.u32 s7, s20;
	v4 =	vld [tilespmem:s26+$0x0]  }
0x84: {  	s3 =	sor.u32 s7, s22;
	v30 =	vld [tilespmem:s28+$0x0]  }
0x85: {  	s15 =	sor.u32 s0, s16;
	v28 =	vld [tilespmem:s3+$0x0]  }
0x86: {  	s16 =	sor.u32 s0, s17;
	v20 =	vld [tilespmem:s15+$0x0]  }
0x87: {  	s17 =	sor.u32 s0, s18;
	v19 =	vld [tilespmem:s16+$0x0]  }
0x88: {  	s18 =	sor.u32 s0, s19;
	v18 =	vld [tilespmem:s17+$0x0]  }
0x89: {  	s21 =	sor.u32 $0x4180, s1;
	s19 =	sor.u32 s0, s20;
	v17 =	vld [tilespmem:s18+$0x0]  }
0x8a: {  	s29 =	sor.u32 s7, s21;
	v16 =	vld [tilespmem:s19+$0x0]  }
0x8b: {  	s20 =	sor.u32 s0, s21;
	v27 =	vld [tilespmem:s29+$0x0]  }
0x8c: {  	s23 =	sor.u32 $0x4280, s1;
	s21 =	sor.u32 s0, s22;
	v15 =	vld [tilespmem:s20+$0x0]  }
0x8d: {  	s24 =	sor.u32 $0x4300, s1;
	s4 =	sor.u32 s7, s23;
	v12 =	vld [tilespmem:s21+$0x0]  }
0x8e: {  	s25 =	sor.u32 $0x4380, s1;
	s5 =	sor.u32 s7, s24;
	v29 =	vld [tilespmem:s4+$0x0]  }
0x8f: {  	s26 =	sor.u32 $0x6000, s1;
	s6 =	sor.u32 s7, s25;
	v31 =	vld [tilespmem:s5+$0x0]  }
0x90: {  	s8 =	sor.u32 s7, s26;
	v32 =	vld [tilespmem:s6+$0x0]  }
0x91: {  	s22 =	sor.u32 s0, s23;
	v33 =	vld [tilespmem:s8+$0x0]  }
0x92: {  	s23 =	sor.u32 s0, s24;
	v6 =	vld [tilespmem:s22+$0x0]  }
0x93: {  	s24 =	sor.u32 s0, s25;
	v13 =	vld [tilespmem:s23+$0x0]  }
0x94: {  	s3 =	sshrl.u32 s1, $0x2;
	s28 =	sor.u32 $0x6080, s1;
	s25 =	sor.u32 s0, s26;
	v10 =	vld [tilespmem:s24+$0x0]  }
0x95: {  	s2 =	sor.u32 $0x10000, s3;
	s26 =	sor.u32 s0, s28;
	v14 =	vld [tilespmem:s25+$0x0]  }
0x96: {  	s10 =	sor.u32 s7, s2;
	v11 =	vld [tilespmem:s26+$0x0]  }
0x97: {  	s29 =	sor.u32 $0x6100, s1;
	s5 =	sor.u32 s7, s28;
	v5 =	vld [tilespmem:s10+$0x0]  }
0x98: {  	s6 =	sor.u32 s7, s29;
	v34 =	vld [tilespmem:s5+$0x0]  }
0x99: {  	s8 =	sor.u32 $0x6180, s1;
	s28 =	sor.u32 s0, s29;
	v35 =	vld [tilespmem:s6+$0x0]  }
0x9a: {  	s6 =	sor.u32 $0x6200, s1;
	s10 =	sor.u32 s7, s8;
	v7 =	vld [tilespmem:s28+$0x0]  }
0x9b: {  	s5 =	sor.u32 $0x6280, s1;
	v36 =	vld [tilespmem:s10+$0x0];
	s4 =	sor.u32 s7, s6  }
0x9c: {  	s10 =	sor.u32 s7, s5;
	v37 =	vld [tilespmem:s4+$0x0];
	s4 =	sor.u32 $0x6300, s1  }
0x9d: {  	s3 =	sor.u32 $0x6380, s1;
	v38 =	vld [tilespmem:s10+$0x0];
	s30 =	sor.u32 s7, s4  }
0x9e: {  	s7 =	sor.u32 s7, s3;
	v39 =	vld [tilespmem:s30+$0x0]  }
0x9f: {  	v40 =	vld [tilespmem:s7+$0x0]  }
0xa0: {  	s9 =	simm.s32 $0x10810;
	[tilespmem:v5+s31+$0x0] =	vst.idx.add.f32.msk $0xffff, v42  }
0xa1: {  	s11 =	simm.s32 $0x10820;
	[tilespmem:v5+s9+$0x0] =	vst.idx.add.f32.msk $0xffff, v43  }
0xa2: {  	s12 =	simm.s32 $0x10830;
	[tilespmem:v5+s11+$0x0] =	vst.idx.add.f32.msk $0xffff, v44  }
0xa3: {  	s13 =	simm.s32 $0x10840;
	[tilespmem:v5+s12+$0x0] =	vst.idx.add.f32.msk $0xffff, v45  }
0xa4: {  	s14 =	simm.s32 $0x10850;
	[tilespmem:v5+s13+$0x0] =	vst.idx.add.f32.msk $0xffff, v46  }
0xa5: {  	v54 =	vmul.f32 v8, v8;
	v55 =	vmul.f32 v49, v49;
	s29 =	sor.u32 s0, s8;
	[tilespmem:v5+s14+$0x0] =	vst.idx.add.f32.msk $0xffff, v8  }
0xa6: {  	s15 =	simm.s32 $0x10860;
	v61 =	vmul.f32 v50, v50;
	v56 =	vmul.f32 v51, v51;
	v8 =	vld [tilespmem:s29+$0x0]  }
0xa7: {  	s16 =	simm.s32 $0x10870;
	v62 =	vmul.f32 v52, v52;
	v57 =	vmul.f32 v53, v53;
	[tilespmem:v5+s15+$0x0] =	vst.idx.add.f32.msk $0xffff, v47  }
0xa8: {  	s17 =	simm.s32 $0x10880;
	v58 =	vmul.f32 v2, v2;
	v59 =	vmul.f32 v3, v3;
	[tilespmem:v5+s16+$0x0] =	vst.idx.add.f32.msk $0xffff, v48  }
0xa9: {  	s18 =	simm.s32 $0x10890;
	v63 =	vmul.f32 v4, v4;
	v60 =	vmul.f32 v29, v29;
	[tilespmem:v5+s17+$0x0] =	vst.idx.add.f32.msk $0xffff, v49  }
0xaa: {  	s19 =	simm.s32 $0x108A0;
	v42 =	vmul.f32 v42, v42;
	v43 =	vmul.f32 v43, v43;
	[tilespmem:v5+s18+$0x0] =	vst.idx.add.f32.msk $0xffff, v50  }
0xab: {  	s20 =	simm.s32 $0x108B0;
	v44 =	vmul.f32 v44, v44;
	v45 =	vmul.f32 v45, v45;
	[tilespmem:v5+s19+$0x0] =	vst.idx.add.f32.msk $0xffff, v51  }
0xac: {  	s8 =	simm.s32 $0x108C0;
	v42 =	vadd.f32 v43, v42;
	v43 =	vmul.f32 v30, v30;
	[tilespmem:v5+s20+$0x0] =	vst.idx.add.f32.msk $0xffff, v52  }
0xad: {  	s7 =	simm.s32 $0x108D0;
	v46 =	vmul.f32 v46, v46;
	v44 =	vadd.f32 v45, v44;
	[tilespmem:v5+s8+$0x0] =	vst.idx.add.f32.msk $0xffff, v53  }
0xae: {  	s6 =	sor.u32 s0, s6;
	v45 =	vmul.f32 v27, v27;
	v47 =	vmul.f32 v47, v47;
	[tilespmem:v5+s7+$0x0] =	vst.idx.add.f32.msk $0xffff, v9  }
0xaf: {  	v46 =	vadd.f32 v54, v46;
	v54 =	vmul.f32 v28, v28;
	v51 =	vmul.f32 v9, v9;
	v9 =	vld [tilespmem:s6+$0x0];
	s6 =	simm.s32 $0x108E0  }
0xb0: {  	s5 =	sor.u32 s0, s5;
	v48 =	vmul.f32 v48, v48;
	v43 =	vadd.f32 v45, v43;
	[tilespmem:v5+s6+$0x0] =	vst.idx.add.f32.msk $0xffff, v2  }
0xb1: {  	v45 =	vmul.f32 v37, v37;
	v49 =	vadd.f32 v61, v55;
	v61 =	vmul.f32 v31, v31;
	v2 =	vld [tilespmem:s5+$0x0];
	s5 =	simm.s32 $0x108F0  }
0xb2: {  	s21 =	simm.s32 $0x10900;
	v47 =	vadd.f32 v48, v47;
	v50 =	vadd.f32 v62, v56;
	[tilespmem:v5+s5+$0x0] =	vst.idx.add.f32.msk $0xffff, v41  }
0xb3: {  	s4 =	sor.u32 s0, s4;
	v62 =	vmul.f32 v32, v32;
	v48 =	vadd.f32 v60, v54;
	[tilespmem:v5+s21+$0x0] =	vst.idx.add.f32.msk $0xffff, v3  }
0xb4: {  	v60 =	vmul.f32 v38, v38;
	v56 =	vadd.f32 v44, v42;
	v52 =	vmul.f32 v41, v41;
	v3 =	vld [tilespmem:s4+$0x0];
	s4 =	simm.s32 $0x10910  }
0xb5: {  	s3 =	sor.u32 s0, s3;
	v55 =	vadd.f32 v62, v61;
	v61 =	vmul.f32 v39, v39;
	[tilespmem:v5+s4+$0x0] =	vst.idx.add.f32.msk $0xffff, v4  }
0xb6: {  	v62 =	vmul.f32 v40, v40;
	v54 =	vadd.f32 v60, v45;
	v51 =	vadd.f32 v51, v57;
	v4 =	vld [tilespmem:s3+$0x0];
	s3 =	simm.s32 $0x10920  }
0xb7: {  	s22 =	simm.s32 $0x10930;
	v53 =	vadd.f32 v63, v59;
	v63 =	vmul.f32 v36, v36;
	[tilespmem:v5+s3+$0x0] =	vst.idx.add.f32.msk $0xffff, v30  }
0xb8: {  	s23 =	simm.s32 $0x10940;
	v52 =	vadd.f32 v52, v58;
	v58 =	vmul.f32 v35, v35;
	[tilespmem:v5+s22+$0x0] =	vst.idx.add.f32.msk $0xffff, v27  }
0xb9: {  	s24 =	simm.s32 $0x10950;
	v57 =	vmul.f32 v34, v34;
	v59 =	vadd.f32 v50, v49;
	[tilespmem:v5+s23+$0x0] =	vst.idx.add.f32.msk $0xffff, v28  }
0xba: {  	s25 =	simm.s32 $0x10960;
	v41 =	vmul.f32 v33, v33;
	v63 =	vadd.f32 v63, v58;
	[tilespmem:v5+s24+$0x0] =	vst.idx.add.f32.msk $0xffff, v29  }
0xbb: {  	s1 =	sor.u32 s0, s1;
	v58 =	vadd.f32 v47, v46;
	v60 =	vadd.f32 v52, v51;
	[tilespmem:v5+s25+$0x0] =	vst.idx.add.f32.msk $0xffff, v31  }
0xbc: {  	s26 =	simm.s32 $0x10970;
	v41 =	vadd.f32 v57, v41;
	v30 =	vadd.f32 v62, v61;
	v31 =	vld [tilespmem:s1+$0x100]  }
0xbd: {  	s28 =	simm.s32 $0x10980;
	v61 =	vadd.f32 v43, v53;
	v62 =	vadd.f32 v55, v48;
	[tilespmem:v5+s26+$0x0] =	vst.idx.add.f32.msk $0xffff, v32  }
0xbe: {  	s29 =	simm.s32 $0x10990;
	v63 =	vadd.f32 v63, v41;
	v27 =	vadd.f32 v30, v54;
	[tilespmem:v5+s28+$0x0] =	vst.idx.add.f32.msk $0xffff, v33  }
0xbf: {  	s30 =	simm.s32 $0x109A0;
	v28 =	vadd.f32 v58, v56;
	v29 =	vadd.f32 v60, v59;
	[tilespmem:v5+s29+$0x0] =	vst.idx.add.f32.msk $0xffff, v34  }
0xc0: {  	s10 =	simm.s32 $0x109B0;
	v27 =	vadd.f32 v27, v63;
	v34 =	vadd.f32 v62, v61;
	[tilespmem:v5+s30+$0x0] =	vst.idx.add.f32.msk $0xffff, v35  }
0xc1: {  	[tilespmem:v5+s10+$0x0] =	vst.idx.add.f32.msk $0xffff, v36;
	s10 =	simm.s32 $0x109C0  }
0xc2: {  	v28 =	vadd.f32 v29, v28;
	v27 =	vadd.f32 v27, v34;
	[tilespmem:v5+s10+$0x0] =	vst.idx.add.f32.msk $0xffff, v37;
	s10 =	simm.s32 $0x109D0  }
0xc3: {  	[tilespmem:v5+s10+$0x0] =	vst.idx.add.f32.msk $0xffff, v38;
	s10 =	simm.s32 $0x109E0  }
0xc4: {  	v27 =	vadd.f32 v27, v28;
	[tilespmem:v5+s10+$0x0] =	vst.idx.add.f32.msk $0xffff, v39;
	s10 =	simm.s32 $0x109F0  }
0xc5: {  	[tilespmem:v5+s10+$0x0] =	vst.idx.add.f32.msk $0xffff, v40;
	s10 =	simm.s32 $0x10A00  }
0xc6: {  	[tilespmem:v5+s10+$0x0] =	vst.idx.add.f32.msk $0xffff, v27;
	s10 =	simm.s32 $0x10A10  }
0xc7: {  	s0 =	sor.u32 s0, s2;
	[tilespmem:v5+s10+$0x0] =	vst.idx.add.f32.msk $0xffff, v1  }
0xc8: {  	v5 =	vld [tilespmem:s0+$0x0]  }
0xc9: {  	v42 =	vmul.f32 v23, v23;
	v44 =	vmul.f32 v21, v21;
	v34 =	vld [tilespmem:s1+$0x180]  }
0xca: {  	v45 =	vmul.f32 v20, v20;
	v50 =	vmul.f32 v16, v16;
	v36 =	vld [tilespmem:s1+$0x200]  }
0xcb: {  	v46 =	vmul.f32 v19, v19;
	v47 =	vmul.f32 v18, v18;
	v27 =	vld [tilespmem:s1+$0x0]  }
0xcc: {  	v51 =	vmul.f32 v15, v15;
	v52 =	vmul.f32 v12, v12;
	v28 =	vld [tilespmem:s1+$0x80]  }
0xcd: {  	v37 =	vld [tilespmem:s1+$0x380];
	v39 =	vmul.f32 v26, v26;
	v40 =	vmul.f32 v25, v25  }
0xce: {  	v49 =	vadd.f32 v46, v45;
	v57 =	vmul.f32 v11, v11;
	v43 =	vmul.f32 v22, v22;
	v38 =	vld [tilespmem:s1+$0x280]  }
0xcf: {  	v48 =	vmul.f32 v17, v17;
	v53 =	vmul.f32 v6, v6;
	v29 =	vadd.f32 v40, v39;
	v40 =	vld [tilespmem:s1+$0x300]  }
0xd0: {  	v55 =	vmul.f32 v10, v10;
	v41 =	vmul.f32 v24, v24;
	[tilespmem:v5+s31+$0x0] =	vst.idx.add.f32.msk $0xffff, v27  }
0xd1: {  	v30 =	vadd.f32 v44, v43;
	v54 =	vmul.f32 v13, v13;
	[tilespmem:v5+s9+$0x0] =	vst.idx.add.f32.msk $0xffff, v28  }
0xd2: {  	v56 =	vmul.f32 v14, v14;
	v58 =	vmul.f32 v7, v7;
	[tilespmem:v5+s11+$0x0] =	vst.idx.add.f32.msk $0xffff, v31  }
0xd3: {  	v59 =	vmul.f32 v8, v8;
	v60 =	vmul.f32 v9, v9;
	[tilespmem:v5+s12+$0x0] =	vst.idx.add.f32.msk $0xffff, v34  }
0xd4: {  	v30 =	vadd.f32 v49, v30;
	v63 =	vmul.f32 v3, v3;
	[tilespmem:v5+s13+$0x0] =	vst.idx.add.f32.msk $0xffff, v36  }
0xd5: {  	v45 =	vmul.f32 v4, v4;
	v32 =	vadd.f32 v42, v41;
	[tilespmem:v5+s14+$0x0] =	vst.idx.add.f32.msk $0xffff, v38  }
0xd6: {  	v33 =	vadd.f32 v51, v50;
	v35 =	vadd.f32 v48, v47;
	[tilespmem:v5+s15+$0x0] =	vst.idx.add.f32.msk $0xffff, v40  }
0xd7: {  	v61 =	vmul.f32 v2, v2;
	v62 =	vadd.f32 v59, v58;
	[tilespmem:v5+s16+$0x0] =	vst.idx.add.f32.msk $0xffff, v37  }
0xd8: {  	v33 =	vadd.f32 v33, v35;
	v35 =	vadd.f32 v57, v56;
	[tilespmem:v5+s17+$0x0] =	vst.idx.add.f32.msk $0xffff, v26  }
0xd9: {  	v41 =	vadd.f32 v55, v54;
	v46 =	vadd.f32 v61, v60;
	[tilespmem:v5+s18+$0x0] =	vst.idx.add.f32.msk $0xffff, v25  }
0xda: {  	v49 =	vmul.f32 v31, v31;
	v57 =	vadd.f32 v62, v35;
	[tilespmem:v5+s19+$0x0] =	vst.idx.add.f32.msk $0xffff, v24  }
0xdb: {  	v50 =	vmul.f32 v34, v34;
	v51 =	vmul.f32 v36, v36;
	[tilespmem:v5+s20+$0x0] =	vst.idx.add.f32.msk $0xffff, v23  }
0xdc: {  	v54 =	vmul.f32 v37, v37;
	v29 =	vadd.f32 v32, v29;
	[tilespmem:v5+s8+$0x0] =	vst.idx.add.f32.msk $0xffff, v22  }
0xdd: {  	v32 =	vadd.f32 v53, v52;
	v52 =	vmul.f32 v38, v38;
	[tilespmem:v5+s7+$0x0] =	vst.idx.add.f32.msk $0xffff, v21  }
0xde: {  	v48 =	vmul.f32 v28, v28;
	v47 =	vmul.f32 v27, v27;
	[tilespmem:v5+s6+$0x0] =	vst.idx.add.f32.msk $0xffff, v20  }
0xdf: {  	v56 =	vadd.f32 v52, v51;
	v53 =	vmul.f32 v40, v40;
	[tilespmem:v5+s5+$0x0] =	vst.idx.add.f32.msk $0xffff, v19  }
0xe0: {  	v55 =	vadd.f32 v48, v47;
	v25 =	vadd.f32 v45, v63;
	[tilespmem:v5+s21+$0x0] =	vst.idx.add.f32.msk $0xffff, v18  }
0xe1: {  	v22 =	vadd.f32 v50, v49;
	v20 =	vadd.f32 v54, v53;
	[tilespmem:v5+s4+$0x0] =	vst.idx.add.f32.msk $0xffff, v17  }
0xe2: {  	v32 =	vadd.f32 v41, v32;
	v58 =	vadd.f32 v25, v46;
	[tilespmem:v5+s3+$0x0] =	vst.idx.add.f32.msk $0xffff, v16  }
0xe3: {  	v59 =	vadd.f32 v22, v55;
	v18 =	vadd.f32 v20, v56;
	[tilespmem:v5+s22+$0x0] =	vst.idx.add.f32.msk $0xffff, v15  }
0xe4: {  	v60 =	vadd.f32 v30, v29;
	v61 =	vadd.f32 v32, v33;
	[tilespmem:v5+s23+$0x0] =	vst.idx.add.f32.msk $0xffff, v12  }
0xe5: {  	v62 =	vadd.f32 v58, v57;
	v16 =	vadd.f32 v18, v59;
	[tilespmem:v5+s24+$0x0] =	vst.idx.add.f32.msk $0xffff, v6  }
0xe6: {  	[tilespmem:v5+s25+$0x0] =	vst.idx.add.f32.msk $0xffff, v13  }
0xe7: {  	v63 =	vadd.f32 v60, v16;
	v6 =	vadd.f32 v62, v61;
	[tilespmem:v5+s26+$0x0] =	vst.idx.add.f32.msk $0xffff, v10  }
0xe8: {  	[tilespmem:v5+s28+$0x0] =	vst.idx.add.f32.msk $0xffff, v14  }
0xe9: {  	s11 =	simm.s32 $0x0;
	s12 =	simm.s32 $0x20;
	v6 =	vadd.f32 v6, v63;
	[tilespmem:v5+s29+$0x0] =	vst.idx.add.f32.msk $0xffff, v11  }
.LBB2_3:
0xea: {  	s0 =	rddreg [dreg:$0x4]  }
0xeb: {  	s29 =	sand.u32 $0x60, s12;
	[tilespmem:v5+s30+$0x0] =	vst.idx.add.f32.msk $0xffff, v7;
	s10 =	simm.s32 $0x109B0;
	s0 =	sadd.s32 $0x100, s0  }
0xec: {  	s25 =	simm.s32 $0x109C0;
	s30 =	sor.u32 $0x10, s29;
	[tilespmem:v5+s10+$0x0] =	vst.idx.add.f32.msk $0xffff, v8;
	s4 =	sand.u32 $0x1C00, s0  }
0xed: {  	[tilespmem:v5+s25+$0x0] =	vst.idx.add.f32.msk $0xffff, v9;
	s1 =	sor.u32 s30, s4  }
0xee: {  	v27 =	vld [tilespmem:s1+$0x0]  }
0xef: {  	v24 =	vld [tilespmem:s1+$0x80]  }
0xf0: {  	v21 =	vld [tilespmem:s1+$0x100]  }
0xf1: {  	v16 =	vld [tilespmem:s1+$0x180]  }
0xf2: {  	[dreg:$0x4] =	wrdreg s0;
	v13 =	vld [tilespmem:s1+$0x200]  }
0xf3: {  	s13 =	sor.u32 s29, s4;
	s2 =	sor.u32 $0x2000, s4;
	s3 =	sor.u32 $0x2080, s4;
	v10 =	vld [tilespmem:s1+$0x280]  }
0xf4: {  	s5 =	sor.u32 $0x2100, s4;
	s6 =	sor.u32 $0x2180, s4;
	s7 =	sor.u32 $0x2200, s4;
	v8 =	vld [tilespmem:s1+$0x300]  }
0xf5: {  	s8 =	sor.u32 $0x2280, s4;
	s26 =	sor.u32 s29, s2;
	v9 =	vld [tilespmem:s1+$0x380];
	s2 =	sor.u32 s30, s2  }
0xf6: {  	s9 =	sor.u32 $0x2300, s4;
	s28 =	sor.u32 s29, s3;
	s3 =	sor.u32 s30, s3;
	v11 =	vld [tilespmem:s2+$0x0]  }
0xf7: {  	s14 =	sor.u32 $0x2380, s4;
	s31 =	sor.u32 s29, s5;
	s5 =	sor.u32 s30, s5;
	v12 =	vld [tilespmem:s3+$0x0]  }
0xf8: {  	s22 =	sor.u32 $0x4380, s4;
	s1 =	sor.u32 s29, s6;
	s6 =	sor.u32 s30, s6;
	v14 =	vld [tilespmem:s5+$0x0]  }
0xf9: {  	s15 =	sor.u32 $0x4000, s4;
	s23 =	sor.u32 $0x6000, s4;
	s24 =	sor.u32 s30, s22;
	v15 =	vld [tilespmem:s6+$0x0]  }
0xfa: {  	s16 =	sor.u32 $0x4080, s4;
	s17 =	sor.u32 $0x4100, s4;
	s25 =	sor.u32 s30, s23;
	v31 =	vld [tilespmem:s24+$0x0]  }
0xfb: {  	s18 =	sor.u32 $0x4180, s4;
	s5 =	sor.u32 s29, s7;
	s7 =	sor.u32 s30, s7;
	v32 =	vld [tilespmem:s25+$0x0]  }
0xfc: {  	s21 =	sor.u32 $0x4300, s4;
	s6 =	sor.u32 s29, s8;
	s8 =	sor.u32 s30, s8;
	v17 =	vld [tilespmem:s7+$0x0]  }
0xfd: {  	s19 =	sor.u32 $0x4200, s4;
	[dreg:$0x11] =	wrdreg s26;
	s2 =	sor.u32 s30, s21;
	v18 =	vld [tilespmem:s8+$0x0]  }
0xfe: {  	[dreg:$0x12] =	wrdreg s28;
	s7 =	sor.u32 s29, s9;
	s9 =	sor.u32 s30, s9;
	v30 =	vld [tilespmem:s2+$0x0]  }
0xff: {  	s26 =	sor.u32 $0x6080, s4;
	s8 =	sor.u32 s29, s14;
	s14 =	sor.u32 s30, s14;
	v19 =	vld [tilespmem:s9+$0x0]  }
0x100: {  	s20 =	sor.u32 $0x4280, s4;
	[dreg:$0x13] =	wrdreg s31;
	s0 =	sor.u32 s30, s26;
	v20 =	vld [tilespmem:s14+$0x0]  }
0x101: {  	s3 =	sshrl.u32 s4, $0x2;
	s9 =	sor.u32 s29, s15;
	s15 =	sor.u32 s30, s15;
	v33 =	vld [tilespmem:s0+$0x0]  }
0x102: {  	s31 =	sor.u32 $0x10000, s3;
	s14 =	sor.u32 s29, s16;
	s16 =	sor.u32 s30, s16;
	v22 =	vld [tilespmem:s15+$0x0]  }
0x103: {  	[dreg:$0x14] =	wrdreg s1;
	s25 =	sor.u32 $0x6100, s4;
	s28 =	sor.u32 s30, s31;
	v23 =	vld [tilespmem:s16+$0x0]  }
0x104: {  	s1 =	sor.u32 $0x6280, s4;
	s15 =	sor.u32 s29, s17;
	s17 =	sor.u32 s30, s17;
	v7 =	vld [tilespmem:s28+$0x0]  }
0x105: {  	s2 =	sor.u32 $0x6300, s4;
	s16 =	sor.u32 s29, s18;
	s18 =	sor.u32 s30, s18;
	v25 =	vld [tilespmem:s17+$0x0]  }
0x106: {  	s0 =	sor.u32 s30, s1;
	s17 =	sor.u32 s29, s19;
	v26 =	vld [tilespmem:s18+$0x0];
	s19 =	sor.u32 s30, s19  }
0x107: {  	s18 =	sor.u32 s29, s20;
	s20 =	sor.u32 s30, s20;
	v28 =	vld [tilespmem:s19+$0x0];
	s19 =	sor.u32 s29, s21  }
0x108: {  	v29 =	vld [tilespmem:s20+$0x0];
	s20 =	sor.u32 s29, s22;
	s21 =	sor.u32 s29, s23;
	s22 =	sor.u32 s29, s26  }
0x109: {  	v37 =	vld [tilespmem:s0+$0x0];
	s23 =	sor.u32 s29, s25;
	s26 =	sor.u32 $0x6180, s4;
	s25 =	sor.u32 s30, s25  }
0x10a: {  	s28 =	sor.u32 $0x6200, s4;
	s24 =	sor.u32 s29, s26;
	v34 =	vld [tilespmem:s25+$0x0];
	s26 =	sor.u32 s30, s26  }
0x10b: {  	s4 =	sor.u32 $0x6380, s4;
	s25 =	sor.u32 s29, s28;
	s28 =	sor.u32 s30, s28;
	v35 =	vld [tilespmem:s26+$0x0]  }
0x10c: {  	s3 =	sor.u32 s30, s4;
	v36 =	vld [tilespmem:s28+$0x0]  }
0x10d: {  	s26 =	sor.u32 s29, s1;
	s28 =	sor.u32 s29, s2;
	s1 =	sor.u32 s30, s2;
	v43 =	vld [tilespmem:s3+$0x0]  }
0x10e: {  	s2 =	sor.u32 s29, s31;
	s29 =	sor.u32 s29, s4;
	s4 =	simm.s32 $0x10800;
	v40 =	vld [tilespmem:s1+$0x0]  }
0x10f: {  	v38 =	vmul.f32 v27, v27;
	s31 =	simm.s32 $0x10810;
	[tilespmem:v7+s4+$0x0] =	vst.idx.add.f32.msk $0xffff, v27  }
0x110: {  	v39 =	vmul.f32 v24, v24;
	v41 =	vmul.f32 v21, v21;
	s1 =	simm.s32 $0x10820;
	[tilespmem:v7+s31+$0x0] =	vst.idx.add.f32.msk $0xffff, v24  }
0x111: {  	v42 =	vmul.f32 v16, v16;
	v44 =	vmul.f32 v13, v13;
	s3 =	simm.s32 $0x10830;
	[tilespmem:v7+s1+$0x0] =	vst.idx.add.f32.msk $0xffff, v21  }
0x112: {  	v50 =	vmul.f32 v18, v18;
	s4 =	simm.s32 $0x10840;
	v21 =	vmul.f32 v17, v17;
	[tilespmem:v7+s3+$0x0] =	vst.idx.add.f32.msk $0xffff, v16  }
0x113: {  	v46 =	vmul.f32 v8, v8;
	v47 =	vmul.f32 v9, v9;
	[tilespmem:v7+s4+$0x0] =	vst.idx.add.f32.msk $0xffff, v13  }
0x114: {  	v51 =	vmul.f32 v20, v20;
	s31 =	simm.s32 $0x10850;
	v16 =	vmul.f32 v19, v19;
	v27 =	vadd.f32 v50, v21;
	v21 =	vld [tilespmem:s16+$0x0]  }
0x115: {  	v63 =	vmul.f32 v11, v11;
	v48 =	vmul.f32 v12, v12;
	s1 =	simm.s32 $0x10860;
	[tilespmem:v7+s31+$0x0] =	vst.idx.add.f32.msk $0xffff, v10  }
0x116: {  	v49 =	vmul.f32 v15, v15;
	s3 =	simm.s32 $0x10870;
	v16 =	vadd.f32 v51, v16;
	[tilespmem:v7+s1+$0x0] =	vst.idx.add.f32.msk $0xffff, v8  }
0x117: {  	v55 =	vmul.f32 v31, v31;
	v56 =	vmul.f32 v33, v33;
	[tilespmem:v7+s3+$0x0] =	vst.idx.add.f32.msk $0xffff, v9  }
0x118: {  	v63 =	vadd.f32 v48, v63;
	v58 =	vmul.f32 v37, v37;
	s4 =	simm.s32 $0x10880;
	v16 =	vadd.f32 v16, v27;
	v27 =	vld [tilespmem:s22+$0x0]  }
0x119: {  	v54 =	vmul.f32 v29, v29;
	v24 =	vmul.f32 v14, v14;
	s31 =	simm.s32 $0x10890;
	[tilespmem:v7+s4+$0x0] =	vst.idx.add.f32.msk $0xffff, v11  }
0x11a: {  	v57 =	vmul.f32 v35, v35;
	v59 =	vmul.f32 v43, v43;
	s1 =	simm.s32 $0x108A0;
	[tilespmem:v7+s31+$0x0] =	vst.idx.add.f32.msk $0xffff, v12  }
0x11b: {  	v24 =	vadd.f32 v49, v24;
	v8 =	vmul.f32 v28, v28;
	s3 =	simm.s32 $0x108B0;
	[tilespmem:v7+s1+$0x0] =	vst.idx.add.f32.msk $0xffff, v14  }
0x11c: {  	v9 =	vmul.f32 v30, v30;
	v11 =	vmul.f32 v32, v32;
	s4 =	simm.s32 $0x108C0;
	[tilespmem:v7+s3+$0x0] =	vst.idx.add.f32.msk $0xffff, v15  }
0x11d: {  	v8 =	vadd.f32 v54, v8;
	v12 =	vmul.f32 v34, v34;
	[tilespmem:v7+s4+$0x0] =	vst.idx.add.f32.msk $0xffff, v17  }
0x11e: {  	s31 =	simm.s32 $0x108D0;
	v9 =	vadd.f32 v55, v9;
	v14 =	vmul.f32 v36, v36;
	v17 =	vadd.f32 v39, v38;
	v38 =	vld [tilespmem:s13+$0x0]  }
0x11f: {  	s1 =	simm.s32 $0x108E0;
	v11 =	vadd.f32 v56, v11;
	v15 =	vmul.f32 v40, v40;
	[tilespmem:v7+s31+$0x0] =	vst.idx.add.f32.msk $0xffff, v18  }
0x120: {  	v12 =	vadd.f32 v57, v12;
	v14 =	vadd.f32 v58, v14;
	[tilespmem:v7+s1+$0x0] =	vst.idx.add.f32.msk $0xffff, v19  }
0x121: {  	v45 =	vmul.f32 v10, v10;
	s3 =	simm.s32 $0x108F0;
	v15 =	vadd.f32 v59, v15;
	v19 =	vadd.f32 v24, v63;
	v24 =	vld [tilespmem:s19+$0x0]  }
0x122: {  	v60 =	vadd.f32 v42, v41;
	v8 =	vadd.f32 v9, v8;
	[tilespmem:v7+s3+$0x0] =	vst.idx.add.f32.msk $0xffff, v20  }
0x123: {  	v9 =	vadd.f32 v12, v11;
	v11 =	vadd.f32 v15, v14;
	v14 =	vld [tilespmem:s5+$0x0]  }
0x124: {  	v61 =	vadd.f32 v45, v44;
	v62 =	vadd.f32 v47, v46;
	v15 =	vld [tilespmem:s6+$0x0]  }
0x125: {  	s4 =	simm.s32 $0x10900;
	v20 =	vld [tilespmem:s15+$0x0]  }
0x126: {  	v18 =	vadd.f32 v62, v61;
	v17 =	vadd.f32 v60, v17;
	[tilespmem:v7+s4+$0x0] =	vst.idx.add.f32.msk $0xffff, v22  }
0x127: {  	v41 =	vadd.f32 v16, v19;
	v16 =	vld [tilespmem:s7+$0x0]  }
0x128: {  	v39 =	vadd.f32 v18, v17;
	v17 =	vld [tilespmem:s8+$0x0]  }
0x129: {  	v52 =	vmul.f32 v23, v23;
	v53 =	vmul.f32 v26, v26;
	v18 =	vld [tilespmem:s9+$0x0]  }
0x12a: {  	v13 =	vmul.f32 v22, v22;
	v10 =	vmul.f32 v25, v25;
	s31 =	simm.s32 $0x10910;
	v19 =	vld [tilespmem:s14+$0x0]  }
0x12b: {  	s1 =	simm.s32 $0x10920;
	[tilespmem:v7+s31+$0x0] =	vst.idx.add.f32.msk $0xffff, v23  }
0x12c: {  	v13 =	vadd.f32 v52, v13;
	v10 =	vadd.f32 v53, v10;
	[tilespmem:v7+s1+$0x0] =	vst.idx.add.f32.msk $0xffff, v25  }
0x12d: {  	s3 =	simm.s32 $0x10930;
	v25 =	vld [tilespmem:s20+$0x0]  }
0x12e: {  	v10 =	vadd.f32 v10, v13;
	s4 =	simm.s32 $0x10940;
	[tilespmem:v7+s3+$0x0] =	vst.idx.add.f32.msk $0xffff, v26  }
0x12f: {  	s31 =	simm.s32 $0x10950;
	[tilespmem:v7+s4+$0x0] =	vst.idx.add.f32.msk $0xffff, v28  }
0x130: {  	v8 =	vadd.f32 v8, v10;
	v9 =	vadd.f32 v11, v9;
	s1 =	simm.s32 $0x10960;
	[tilespmem:v7+s31+$0x0] =	vst.idx.add.f32.msk $0xffff, v29  }
0x131: {  	s3 =	simm.s32 $0x10970;
	[tilespmem:v7+s1+$0x0] =	vst.idx.add.f32.msk $0xffff, v30  }
0x132: {  	v10 =	vadd.f32 v41, v39;
	v8 =	vadd.f32 v9, v8;
	s4 =	simm.s32 $0x10980;
	[tilespmem:v7+s3+$0x0] =	vst.idx.add.f32.msk $0xffff, v31  }
0x133: {  	s3 =	rddreg [dreg:$0x11];
	[tilespmem:v7+s4+$0x0] =	vst.idx.add.f32.msk $0xffff, v32  }
0x134: {  	s31 =	simm.s32 $0x10990;
	v8 =	vadd.f32 v8, v10;
	v10 =	vld [tilespmem:s3+$0x0]  }
0x135: {  	s3 =	rddreg [dreg:$0x12];
	[tilespmem:v7+s31+$0x0] =	vst.idx.add.f32.msk $0xffff, v33  }
0x136: {  	s30 =	simm.s32 $0x109A0;
	v11 =	vld [tilespmem:s3+$0x0]  }
0x137: {  	s3 =	rddreg [dreg:$0x13];
	[tilespmem:v7+s30+$0x0] =	vst.idx.add.f32.msk $0xffff, v34  }
0x138: {  	v12 =	vld [tilespmem:s3+$0x0]  }
0x139: {  	s3 =	rddreg [dreg:$0x14];
	[tilespmem:v7+s10+$0x0] =	vst.idx.add.f32.msk $0xffff, v35  }
0x13a: {  	s1 =	simm.s32 $0x109C0;
	v13 =	vld [tilespmem:s3+$0x0]  }
0x13b: {  	s0 =	simm.s32 $0x109D0;
	[tilespmem:v7+s1+$0x0] =	vst.idx.add.f32.msk $0xffff, v36  }
0x13c: {  	s10 =	simm.s32 $0x109E0;
	[tilespmem:v7+s0+$0x0] =	vst.idx.add.f32.msk $0xffff, v37  }
0x13d: {  	s31 =	simm.s32 $0x109F0;
	[tilespmem:v7+s10+$0x0] =	vst.idx.add.f32.msk $0xffff, v40  }
0x13e: {  	s4 =	simm.s32 $0x10A00;
	[tilespmem:v7+s31+$0x0] =	vst.idx.add.f32.msk $0xffff, v43  }
0x13f: {  	v44 =	vmul.f32 v16, v16;
	v45 =	vmul.f32 v17, v17;
	s1 =	simm.s32 $0x10A10;
	[tilespmem:v7+s4+$0x0] =	vst.idx.add.f32.msk $0xffff, v8  }
0x140: {  	v8 =	vmul.f32 v11, v11;
	[tilespmem:v7+s1+$0x0] =	vst.idx.add.f32.msk $0xffff, v1;
	v7 =	vmul.f32 v10, v10  }
0x141: {  	v22 =	vld [tilespmem:s17+$0x0];
	v9 =	vmul.f32 v12, v12;
	v42 =	vmul.f32 v13, v13  }
0x142: {  	v23 =	vld [tilespmem:s18+$0x0];
	v43 =	vmul.f32 v15, v15;
	v7 =	vadd.f32 v8, v7;
	v8 =	vmul.f32 v14, v14  }
0x143: {  	v26 =	vld [tilespmem:s21+$0x0];
	v53 =	vmul.f32 v24, v24;
	v9 =	vadd.f32 v42, v9  }
0x144: {  	v47 =	vadd.f32 v45, v44;
	v54 =	vmul.f32 v25, v25;
	v31 =	vld [tilespmem:s26+$0x0];
	v8 =	vadd.f32 v43, v8  }
0x145: {  	v46 =	vmul.f32 v19, v19;
	v44 =	vld [tilespmem:s13+$0x300];
	v9 =	vadd.f32 v9, v7;
	v7 =	vmul.f32 v18, v18  }
0x146: {  	v33 =	vadd.f32 v54, v53;
	v53 =	vld [tilespmem:s13+$0x380];
	v8 =	vadd.f32 v47, v8  }
0x147: {  	v56 =	vmul.f32 v27, v27;
	v51 =	vmul.f32 v22, v22;
	v50 =	vadd.f32 v46, v7;
	v7 =	vld [tilespmem:s23+$0x0]  }
0x148: {  	v52 =	vmul.f32 v23, v23;
	v55 =	vmul.f32 v26, v26;
	v30 =	vadd.f32 v8, v9;
	v8 =	vld [tilespmem:s24+$0x0]  }
0x149: {  	v49 =	vmul.f32 v21, v21;
	v34 =	vld [tilespmem:s29+$0x0]  }
0x14a: {  	v48 =	vmul.f32 v20, v20;
	v28 =	vadd.f32 v52, v51;
	v32 =	vadd.f32 v56, v55;
	v55 =	vld [tilespmem:s2+$0x0]  }
0x14b: {  	v35 =	vld [tilespmem:s28+$0x0]  }
0x14c: {  	v29 =	vadd.f32 v49, v48;
	v28 =	vadd.f32 v33, v28;
	v33 =	vld [tilespmem:s13+$0x80]  }
0x14d: {  	v40 =	vld [tilespmem:s13+$0x100];
	v57 =	vmul.f32 v7, v7;
	v58 =	vmul.f32 v8, v8  }
0x14e: {  	v42 =	vld [tilespmem:s13+$0x200];
	v29 =	vadd.f32 v29, v50  }
0x14f: {  	v9 =	vld [tilespmem:s25+$0x0];
	v37 =	vadd.f32 v58, v57  }
0x150: {  	v28 =	vadd.f32 v28, v29;
	v29 =	vld [tilespmem:s13+$0x180]  }
0x151: {  	v32 =	vadd.f32 v37, v32;
	v37 =	vld [tilespmem:s13+$0x280]  }
0x152: {  	[tilespmem:v5+s0+$0x0] =	vst.idx.add.f32.msk $0xffff, v2  }
0x153: {  	[tilespmem:v5+s10+$0x0] =	vst.idx.add.f32.msk $0xffff, v3  }
0x154: {  	[tilespmem:v5+s31+$0x0] =	vst.idx.add.f32.msk $0xffff, v4  }
0x155: {  	[tilespmem:v5+s4+$0x0] =	vst.idx.add.f32.msk $0xffff, v6  }
0x156: {  	s2 =	simm.s32 $0x10800;
	[tilespmem:v5+s1+$0x0] =	vst.idx.add.f32.msk $0xffff, v1  }
0x157: {  	s3 =	simm.s32 $0x10810;
	[tilespmem:v55+s2+$0x0] =	vst.idx.add.f32.msk $0xffff, v38  }
0x158: {  	s4 =	simm.s32 $0x10820;
	[tilespmem:v55+s3+$0x0] =	vst.idx.add.f32.msk $0xffff, v33  }
0x159: {  	s5 =	simm.s32 $0x10830;
	[tilespmem:v55+s4+$0x0] =	vst.idx.add.f32.msk $0xffff, v40  }
0x15a: {  	s6 =	simm.s32 $0x10840;
	[tilespmem:v55+s5+$0x0] =	vst.idx.add.f32.msk $0xffff, v29  }
0x15b: {  	s7 =	simm.s32 $0x10850;
	[tilespmem:v55+s6+$0x0] =	vst.idx.add.f32.msk $0xffff, v42  }
0x15c: {  	s8 =	simm.s32 $0x10860;
	[tilespmem:v55+s7+$0x0] =	vst.idx.add.f32.msk $0xffff, v37  }
0x15d: {  	s9 =	simm.s32 $0x10870;
	[tilespmem:v55+s8+$0x0] =	vst.idx.add.f32.msk $0xffff, v44  }
0x15e: {  	s10 =	simm.s32 $0x10880;
	[tilespmem:v55+s9+$0x0] =	vst.idx.add.f32.msk $0xffff, v53  }
0x15f: {  	s13 =	simm.s32 $0x10890;
	[tilespmem:v55+s10+$0x0] =	vst.idx.add.f32.msk $0xffff, v10  }
0x160: {  	s14 =	simm.s32 $0x108A0;
	v63 =	vmul.f32 v38, v38;
	v60 =	vmul.f32 v31, v31;
	[tilespmem:v55+s13+$0x0] =	vst.idx.add.f32.msk $0xffff, v11  }
0x161: {  	s15 =	simm.s32 $0x108B0;
	v62 =	vmul.f32 v34, v34;
	v61 =	vmul.f32 v35, v35;
	v5 =	vmov v55;
	[tilespmem:v55+s14+$0x0] =	vst.idx.add.f32.msk $0xffff, v12  }
0x162: {  	s16 =	simm.s32 $0x108C0;
	v52 =	vmul.f32 v33, v33;
	v59 =	vmul.f32 v9, v9;
	[tilespmem:v55+s15+$0x0] =	vst.idx.add.f32.msk $0xffff, v13  }
0x163: {  	s17 =	simm.s32 $0x108D0;
	v39 =	vadd.f32 v62, v61;
	v61 =	vmul.f32 v53, v53;
	[tilespmem:v55+s16+$0x0] =	vst.idx.add.f32.msk $0xffff, v14  }
0x164: {  	s18 =	simm.s32 $0x108E0;
	v54 =	vmul.f32 v40, v40;
	v36 =	vadd.f32 v60, v59;
	[tilespmem:v55+s17+$0x0] =	vst.idx.add.f32.msk $0xffff, v15  }
0x165: {  	s19 =	simm.s32 $0x108F0;
	v56 =	vmul.f32 v29, v29;
	v57 =	vmul.f32 v42, v42;
	[tilespmem:v55+s18+$0x0] =	vst.idx.add.f32.msk $0xffff, v16  }
0x166: {  	s20 =	simm.s32 $0x10900;
	v60 =	vmul.f32 v44, v44;
	v58 =	vmul.f32 v37, v37;
	[tilespmem:v5+s19+$0x0] =	vst.idx.add.f32.msk $0xffff, v17  }
0x167: {  	s21 =	simm.s32 $0x10910;
	v41 =	vadd.f32 v52, v63;
	v59 =	vadd.f32 v56, v54;
	[tilespmem:v5+s20+$0x0] =	vst.idx.add.f32.msk $0xffff, v18  }
0x168: {  	s22 =	simm.s32 $0x10920;
	v2 =	vmov v31;
	v63 =	vadd.f32 v61, v60;
	v31 =	vadd.f32 v58, v57;
	[tilespmem:v5+s21+$0x0] =	vst.idx.add.f32.msk $0xffff, v19  }
0x169: {  	s23 =	simm.s32 $0x10930;
	v36 =	vadd.f32 v39, v36;
	[tilespmem:v5+s22+$0x0] =	vst.idx.add.f32.msk $0xffff, v20  }
0x16a: {  	s11 =	sadd.s32 $0x2, s11;
	s24 =	simm.s32 $0x10940;
	v62 =	vadd.f32 v59, v41;
	v6 =	vadd.f32 v63, v31;
	[tilespmem:v5+s23+$0x0] =	vst.idx.add.f32.msk $0xffff, v21  }
0x16b: {  	p0 =	slt.u32 s11, $0x3E;
	s25 =	simm.s32 $0x10950;
	[tilespmem:v5+s24+$0x0] =	vst.idx.add.f32.msk $0xffff, v22  }
.Ltmp0:
0x16c: {  	s26 =	simm.s32 $0x10960;
	v32 =	vadd.f32 v36, v32;
	v6 =	vadd.f32 v6, v62;
	[tilespmem:v5+s25+$0x0] =	vst.idx.add.f32.msk $0xffff, v23;
	(pc) =	sbr.rel @p0 .LBB2_3-.Ltmp0, $4  }
0x16d: {  	s28 =	simm.s32 $0x10970;
	[tilespmem:v5+s26+$0x0] =	vst.idx.add.f32.msk $0xffff, v24  }
0x16e: {  	s29 =	simm.s32 $0x10980;
	v28 =	vadd.f32 v32, v28;
	v6 =	vadd.f32 v30, v6;
	[tilespmem:v5+s28+$0x0] =	vst.idx.add.f32.msk $0xffff, v25  }
0x16f: {  	s31 =	simm.s32 $0x10990;
	[tilespmem:v5+s29+$0x0] =	vst.idx.add.f32.msk $0xffff, v26  }
0x170: {  	s12 =	sadd.s32 $0x20, s12;
	v3 =	vmov v35;
	v4 =	vmov v34;
	v6 =	vadd.f32 v28, v6;
	[tilespmem:v5+s31+$0x0] =	vst.idx.add.f32.msk $0xffff, v27  }
0x171: {  	_ =	sdelay $0x3  }
0x172: {  	[tilespmem:v5+s30+$0x0] =	vst.idx.add.f32.msk $0xffff, v7;
	s0 =	simm.s32 $0x109B0  }
0x173: {  	s12 =	simm.s32 $0x109C0;
	[tilespmem:v5+s0+$0x0] =	vst.idx.add.f32.msk $0xffff, v8  }
0x174: {  	s13 =	simm.s32 $0x109D0;
	[tilespmem:v5+s12+$0x0] =	vst.idx.add.f32.msk $0xffff, v9  }
0x175: {  	s14 =	simm.s32 $0x109E0;
	[tilespmem:v5+s13+$0x0] =	vst.idx.add.f32.msk $0xffff, v2  }
0x176: {  	s15 =	simm.s32 $0x109F0;
	[tilespmem:v5+s14+$0x0] =	vst.idx.add.f32.msk $0xffff, v3  }
0x177: {  	s0 =	sld [smem:$0x7F7];
	[tilespmem:v5+s15+$0x0] =	vst.idx.add.f32.msk $0xffff, v4  }
0x178: {  	s1 =	sld [smem:$0x7F8]  }
0x179: {  	s16 =	simm.s32 $0x10A00  }
0x17a: {  	s2 =	simm.s32 $0x10A10;
	p0 =	seq.s32 s0, $0xF;
	s0 =	rddreg [dreg:$0x19];
	[tilespmem:v5+s16+$0x0] =	vst.idx.add.f32.msk $0xffff, v6  }
0x17b: {  	s0 =	sadd.s32 @!p0 s1, s0;
	s1 =	rddreg [dreg:$0x16];
	[tilespmem:v5+s2+$0x0] =	vst.idx.add.f32.msk $0xffff, v1;
	s2 =	simm.s32 @!p0 $0x2000  }
0x17c: {  	s3 =	simm.s32 @!p0 $0x200000;
	s4 =	simm.s32 @!p0 $0x0;
	s1 =	sadd.s32 @!p0 s0, s1  }
0x17d: {  	[tilespmem:s4], [sflag:$0x1] =	stream.strided.gather @!p0 [hbm4b:s1+s2], $0x8000, s3, s2, $0x38;
	[tilespmem:$0x10A80] =	vst v63  }
0x17e: {  	s0 =	sshll.u32 @!p0 s0, $0x2;
	s1 =	rddreg [dreg:$0x15]  }
0x17f: {  	s0 =	sor.u32 @!p0 s1, s0  }
0x180: {  	s1 =	rddreg [dreg:$0x1];
	s0 =	sshrl.u32 @!p0 s0, $0x3  }
0x181: {  	s0 =	sadd.s32 @!p0 s1, s0;
	s1 =	simm.s32 @!p0 $0x10000  }
0x182: {  	[tilespmem:s1], [sflag:$0x3] =	stream.linear.gather @!p0 [hbm4b:s0+s4], $0x80, $0x38;
	[tilespmem:$0x10A80] =	vst v63  }
0x183: {  	s2 =	simm.s32 @!p0 $0x10100;
	s1 =	sadd.s32 @!p0 $0x40, s0  }
0x184: {  	[tilespmem:s2], [sflag:$0x3] =	stream.linear.gather @!p0 [hbm4b:s1+s4], $0x80, $0x38;
	[tilespmem:$0x10A80] =	vst v63  }
0x185: {  	s1 =	sadd.s32 @!p0 $0x80, s0;
	s2 =	simm.s32 @!p0 $0x10200  }
0x186: {  	[tilespmem:s2], [sflag:$0x3] =	stream.linear.gather @!p0 [hbm4b:s1+s4], $0x80, $0x38;
	[tilespmem:$0x10A80] =	vst v63  }
0x187: {  	s1 =	sadd.s32 @!p0 $0xC0, s0;
	s2 =	simm.s32 @!p0 $0x10300  }
0x188: {  	[tilespmem:s2], [sflag:$0x3] =	stream.linear.gather @!p0 [hbm4b:s1+s4], $0x80, $0x38;
	[tilespmem:$0x10A80] =	vst v63  }
0x189: {  	s1 =	sadd.s32 @!p0 $0x100, s0;
	s2 =	simm.s32 @!p0 $0x10400  }
0x18a: {  	[tilespmem:s2], [sflag:$0x3] =	stream.linear.gather @!p0 [hbm4b:s1+s4], $0x80, $0x38;
	[tilespmem:$0x10A80] =	vst v63  }
0x18b: {  	s1 =	sadd.s32 @!p0 $0x140, s0;
	s2 =	simm.s32 @!p0 $0x10500  }
0x18c: {  	[tilespmem:s2], [sflag:$0x3] =	stream.linear.gather @!p0 [hbm4b:s1+s4], $0x80, $0x38;
	[tilespmem:$0x10A80] =	vst v63  }
0x18d: {  	s1 =	sadd.s32 @!p0 $0x180, s0;
	s2 =	simm.s32 @!p0 $0x10600  }
0x18e: {  	[tilespmem:s2], [sflag:$0x3] =	stream.linear.gather @!p0 [hbm4b:s1+s4], $0x80, $0x38;
	[tilespmem:$0x10A80] =	vst v63  }
0x18f: {  	s17 =	simm.s32 $0x2;
	s0 =	sadd.s32 @!p0 $0x1C0, s0;
	s1 =	simm.s32 @!p0 $0x10700  }
0x190: {  	[tilespmem:s1], [sflag:$0x3] =	stream.linear.gather @!p0 [hbm4b:s0+s4], $0x80, $0x38;
	[tilespmem:$0x10A80] =	vst v63  }
0x191: {  	_ =	swait.ge [sflag:s17], $0x8000  }
0x192: {  	[sflag:s17] =	ssyncset.done $0x0  }
0x193: {  	s18 =	simm.s32 $0x0;
	s19 =	simm.s32 $0x4;
	[sflag:s17] =	ssyncadd.s32 $0xFFFF8000  }
0x194: {  	s0 =	sand.u32 $0x60, s18;
	s1 =	sand.u32 $0x1C00, s18;
	_ =	swait.ge [sflag:s19], $0x400  }
0x195: {  	s10 =	sor.u32 $0x8000, s1;
	s14 =	sor.u32 $0x10, s0;
	[sflag:s19] =	ssyncset.done $0x0  }
0x196: {  	s11 =	sor.u32 $0x8080, s1;
	s20 =	sor.u32 s14, s10;
	[sflag:s19] =	ssyncadd.s32 $0xFFFFFC00  }
0x197: {  	s12 =	sor.u32 $0x8100, s1;
	s21 =	sor.u32 s14, s11;
	v7 =	vld [tilespmem:s20+$0x0]  }
0x198: {  	s13 =	sor.u32 $0x8180, s1;
	s22 =	sor.u32 s14, s12;
	v33 =	vld [tilespmem:s21+$0x0]  }
0x199: {  	s15 =	sor.u32 $0x8200, s1;
	s23 =	sor.u32 s14, s13;
	v34 =	vld [tilespmem:s22+$0x0]  }
0x19a: {  	s16 =	sor.u32 $0x8280, s1;
	s24 =	sor.u32 s14, s15;
	v48 =	vld [tilespmem:s23+$0x0]  }
0x19b: {  	s25 =	sor.u32 s14, s16;
	s17 =	sor.u32 $0x8300, s1;
	v50 =	vld [tilespmem:s24+$0x0]  }
0x19c: {  	s18 =	sor.u32 $0x8380, s1;
	s26 =	sor.u32 s14, s17;
	v51 =	vld [tilespmem:s25+$0x0]  }
0x19d: {  	s28 =	sor.u32 s14, s18;
	s19 =	sor.u32 $0xA000, s1;
	v52 =	vld [tilespmem:s26+$0x0]  }
0x19e: {  	s20 =	sor.u32 $0xA080, s1;
	v53 =	vld [tilespmem:s28+$0x0];
	s29 =	sor.u32 s14, s19  }
0x19f: {  	s21 =	sor.u32 $0xA100, s1;
	v55 =	vld [tilespmem:s29+$0x0];
	s30 =	sor.u32 s14, s20  }
0x1a0: {  	s22 =	sor.u32 $0xA180, s1;
	s3 =	sor.u32 s14, s21;
	v56 =	vld [tilespmem:s30+$0x0]  }
0x1a1: {  	s23 =	sor.u32 $0xA200, s1;
	s4 =	sor.u32 s14, s22;
	v57 =	vld [tilespmem:s3+$0x0]  }
0x1a2: {  	s24 =	sor.u32 $0xA280, s1;
	s5 =	sor.u32 s14, s23;
	v58 =	vld [tilespmem:s4+$0x0]  }
0x1a3: {  	s25 =	sor.u32 $0xA300, s1;
	s6 =	sor.u32 s14, s24;
	v54 =	vld [tilespmem:s5+$0x0]  }
0x1a4: {  	s26 =	sor.u32 $0xA380, s1;
	s7 =	sor.u32 s14, s25;
	v49 =	vld [tilespmem:s6+$0x0]  }
0x1a5: {  	s28 =	sor.u32 $0xC000, s1;
	s8 =	sor.u32 s14, s26;
	v47 =	vld [tilespmem:s7+$0x0]  }
0x1a6: {  	s29 =	sor.u32 $0xC080, s1;
	s9 =	sor.u32 s14, s28;
	v46 =	vld [tilespmem:s8+$0x0]  }
0x1a7: {  	s31 =	sor.u32 $0xC180, s1;
	v8 =	vld [tilespmem:s9+$0x0];
	s3 =	sor.u32 s14, s29  }
0x1a8: {  	s30 =	sor.u32 $0xC100, s1;
	s6 =	sor.u32 s14, s31;
	v4 =	vld [tilespmem:s3+$0x0]  }
0x1a9: {  	s5 =	sor.u32 $0xC200, s1;
	s4 =	sor.u32 s14, s30;
	v35 =	vld [tilespmem:s6+$0x0]  }
0x1aa: {  	s7 =	sor.u32 s14, s5;
	v38 =	vld [tilespmem:s4+$0x0];
	s4 =	sor.u32 $0xC280, s1  }
0x1ab: {  	s2 =	sshrl.u32 s1, $0x2;
	s9 =	sor.u32 $0xC300, s1;
	v6 =	vld [tilespmem:s7+$0x0];
	s8 =	sor.u32 s14, s4  }
0x1ac: {  	s6 =	sor.u32 s14, s9;
	s3 =	sor.u32 $0xE000, s1;
	v5 =	vld [tilespmem:s8+$0x0];
	s8 =	sor.u32 $0xC380, s1  }
0x1ad: {  	s2 =	sor.u32 $0x10000, s2;
	v9 =	vld [tilespmem:s6+$0x0];
	[smem:$0x7F0] =	sst s3;
	s7 =	sor.u32 s14, s8  }
0x1ae: {  	v36 =	vld [tilespmem:s7+$0x0];
	[smem:$0x7F3] =	sst s2;
	s7 =	sor.u32 s14, s3  }
0x1af: {  	s2 =	sor.u32 s14, s2;
	v37 =	vld [tilespmem:s7+$0x0]  }
0x1b0: {  	s7 =	sor.u32 $0xE080, s1;
	v3 =	vld [tilespmem:s2+$0x80];
	s2 =	sor.u32 $0xE100, s1  }
0x1b1: {  	[smem:$0x7F1] =	sst s2;
	s3 =	sor.u32 s14, s7  }
0x1b2: {  	v39 =	vld [tilespmem:s3+$0x0];
	s3 =	sor.u32 $0xE180, s1  }
0x1b3: {  	s2 =	sor.u32 s14, s2;
	[smem:$0x7F2] =	sst s3  }
0x1b4: {  	v40 =	vld [tilespmem:s2+$0x0];
	s2 =	sor.u32 $0xE200, s1  }
0x1b5: {  	s3 =	sor.u32 s14, s3;
	[smem:$0x7F4] =	sst s2  }
0x1b6: {  	v41 =	vld [tilespmem:s3+$0x0];
	s3 =	sor.u32 $0xE280, s1  }
0x1b7: {  	s2 =	sor.u32 s14, s2;
	[smem:$0x7F5] =	sst s3  }
0x1b8: {  	v42 =	vld [tilespmem:s2+$0x0];
	s2 =	sor.u32 $0xE300, s1  }
0x1b9: {  	s3 =	sor.u32 s14, s3;
	[smem:$0x7F6] =	sst s2  }
0x1ba: {  	s2 =	sor.u32 s14, s2;
	v43 =	vld [tilespmem:s3+$0x0]  }
0x1bb: {  	s10 =	sor.u32 s0, s10;
	v44 =	vld [tilespmem:s2+$0x0]  }
0x1bc: {  	s11 =	sor.u32 s0, s11;
	v32 =	vld [tilespmem:s10+$0x0]  }
0x1bd: {  	s12 =	sor.u32 s0, s12;
	v31 =	vld [tilespmem:s11+$0x0]  }
0x1be: {  	s15 =	sor.u32 s0, s15;
	v30 =	vld [tilespmem:s12+$0x0]  }
0x1bf: {  	s16 =	sor.u32 s0, s16;
	v28 =	vld [tilespmem:s15+$0x0]  }
0x1c0: {  	s5 =	sor.u32 s0, s5;
	v27 =	vld [tilespmem:s16+$0x0]  }
0x1c1: {  	s4 =	sor.u32 s0, s4;
	s1 =	sor.u32 $0xE380, s1;
	v11 =	vld [tilespmem:s5+$0x0]  }
0x1c2: {  	s3 =	sor.u32 s14, s1;
	v0 =	vld [tilespmem:s4+$0x0]  }
0x1c3: {  	s14 =	sor.u32 s0, s13;
	v45 =	vld [tilespmem:s3+$0x0]  }
0x1c4: {  	s2 =	sor.u32 s0, s17;
	v29 =	vld [tilespmem:s14+$0x0]  }
0x1c5: {  	s10 =	sor.u32 s0, s19;
	v26 =	vld [tilespmem:s2+$0x0]  }
0x1c6: {  	s11 =	sor.u32 s0, s20;
	v24 =	vld [tilespmem:s10+$0x0]  }
0x1c7: {  	s12 =	sor.u32 s0, s21;
	v23 =	vld [tilespmem:s11+$0x0]  }
0x1c8: {  	s13 =	sor.u32 s0, s22;
	v22 =	vld [tilespmem:s12+$0x0]  }
0x1c9: {  	s15 =	sor.u32 s0, s24;
	v21 =	vld [tilespmem:s13+$0x0]  }
0x1ca: {  	s16 =	sor.u32 s0, s25;
	v19 =	vld [tilespmem:s15+$0x0]  }
0x1cb: {  	s17 =	sor.u32 s0, s26;
	v18 =	vld [tilespmem:s16+$0x0]  }
0x1cc: {  	s19 =	sor.u32 s0, s29;
	v17 =	vld [tilespmem:s17+$0x0]  }
0x1cd: {  	s20 =	sor.u32 s0, s30;
	v15 =	vld [tilespmem:s19+$0x0]  }
0x1ce: {  	s21 =	sor.u32 s0, s31;
	v14 =	vld [tilespmem:s20+$0x0]  }
0x1cf: {  	s3 =	sor.u32 s0, s18;
	v13 =	vld [tilespmem:s21+$0x0]  }
0x1d0: {  	s14 =	sor.u32 s0, s23;
	v25 =	vld [tilespmem:s3+$0x0]  }
0x1d1: {  	s18 =	sor.u32 s0, s28;
	v20 =	vld [tilespmem:s14+$0x0]  }
0x1d2: {  	s22 =	sor.u32 s0, s9;
	v16 =	vld [tilespmem:s18+$0x0];
	[tilespmem:$0x1FFF0] =	vst v0  }
0x1d3: {  	s23 =	sor.u32 s0, s8;
	v12 =	vld [tilespmem:s22+$0x0]  }
0x1d4: {  	s30 =	simm.s32 $0x10800;
	v10 =	vld [tilespmem:s23+$0x0]  }
0x1d5: {  	s3 =	simm.s32 $0x10810;
	[tilespmem:v3+s30+$0x0] =	vst.idx.add.f32.msk $0xffff, v7  }
0x1d6: {  	s4 =	simm.s32 $0x10820;
	[tilespmem:v3+s3+$0x0] =	vst.idx.add.f32.msk $0xffff, v33  }
0x1d7: {  	s5 =	simm.s32 $0x10830;
	[tilespmem:v3+s4+$0x0] =	vst.idx.add.f32.msk $0xffff, v34  }
0x1d8: {  	s6 =	simm.s32 $0x10840;
	[tilespmem:v3+s5+$0x0] =	vst.idx.add.f32.msk $0xffff, v48  }
0x1d9: {  	v59 =	vmul.f32 v33, v33;
	s10 =	simm.s32 $0x10850;
	[tilespmem:v3+s6+$0x0] =	vst.idx.add.f32.msk $0xffff, v50  }
0x1da: {  	v60 =	vmul.f32 v55, v55;
	v61 =	vmul.f32 v57, v57;
	s11 =	simm.s32 $0x10860;
	[tilespmem:v3+s10+$0x0] =	vst.idx.add.f32.msk $0xffff, v51  }
0x1db: {  	v62 =	vmul.f32 v54, v54;
	v63 =	vmul.f32 v47, v47;
	s12 =	simm.s32 $0x10870;
	[tilespmem:v3+s11+$0x0] =	vst.idx.add.f32.msk $0xffff, v52  }
0x1dc: {  	v2 =	vmul.f32 v8, v8;
	s13 =	simm.s32 $0x10880;
	v7 =	vmul.f32 v7, v7;
	[tilespmem:v3+s12+$0x0] =	vst.idx.add.f32.msk $0xffff, v53  }
0x1dd: {  	s14 =	simm.s32 $0x10890;
	v0 =	vmul.f32 v38, v38;
	v34 =	vmul.f32 v34, v34;
	[tilespmem:v3+s13+$0x0] =	vst.idx.add.f32.msk $0xffff, v55  }
0x1de: {  	s15 =	simm.s32 $0x108A0;
	v59 =	vadd.f32 v59, v7;
	v48 =	vmul.f32 v48, v48;
	[tilespmem:v3+s14+$0x0] =	vst.idx.add.f32.msk $0xffff, v56  }
0x1df: {  	s16 =	simm.s32 $0x108B0;
	v50 =	vmul.f32 v50, v50;
	v51 =	vmul.f32 v51, v51;
	[tilespmem:v3+s15+$0x0] =	vst.idx.add.f32.msk $0xffff, v57  }
0x1e0: {  	s9 =	simm.s32 $0x108C0;
	v48 =	vadd.f32 v48, v34;
	v34 =	vmul.f32 v35, v35;
	[tilespmem:v3+s16+$0x0] =	vst.idx.add.f32.msk $0xffff, v58  }
0x1e1: {  	s8 =	simm.s32 $0x108D0;
	v52 =	vmul.f32 v52, v52;
	v53 =	vmul.f32 v53, v53;
	s24 =	sld [smem:$0x7F0];
	[tilespmem:v3+s9+$0x0] =	vst.idx.add.f32.msk $0xffff, v54  }
0x1e2: {  	s25 =	sor.u32 s0, s7;
	v50 =	vadd.f32 v51, v50;
	v51 =	vmul.f32 v6, v6;
	[tilespmem:v3+s8+$0x0] =	vst.idx.add.f32.msk $0xffff, v49  }
0x1e3: {  	s7 =	simm.s32 $0x108E0;
	v0 =	vadd.f32 v34, v0;
	v34 =	vmul.f32 v42, v42;
	v57 =	vmul.f32 v49, v49;
	v49 =	vld [tilespmem:s25+$0x0]  }
0x1e4: {  	s18 =	simm.s32 $0x108F0;
	v55 =	vmul.f32 v56, v56;
	v56 =	vmul.f32 v58, v58;
	s26 =	sld [smem:$0x7F1];
	[tilespmem:v3+s7+$0x0] =	vst.idx.add.f32.msk $0xffff, v47  }
0x1e5: {  	v52 =	vadd.f32 v53, v52;
	v53 =	vmul.f32 v5, v5;
	s2 =	sor.u32 s0, s24;
	[tilespmem:v3+s18+$0x0] =	vst.idx.add.f32.msk $0xffff, v46  }
0x1e6: {  	s19 =	simm.s32 $0x10900;
	v58 =	vmul.f32 v46, v46;
	v56 =	vadd.f32 v56, v61;
	v61 =	vmul.f32 v39, v39;
	v33 =	vld [tilespmem:s2+$0x0]  }
0x1e7: {  	s20 =	simm.s32 $0x10910;
	v50 =	vadd.f32 v52, v50;
	v54 =	vmul.f32 v4, v4;
	s28 =	sld [smem:$0x7F2];
	[tilespmem:v3+s19+$0x0] =	vst.idx.add.f32.msk $0xffff, v8  }
0x1e8: {  	v57 =	vadd.f32 v57, v62;
	v62 =	vmul.f32 v40, v40;
	s2 =	sor.u32 s0, s26;
	s29 =	sld [smem:$0x7F3];
	[tilespmem:v3+s20+$0x0] =	vst.idx.add.f32.msk $0xffff, v4  }
0x1e9: {  	s21 =	simm.s32 $0x10920;
	v58 =	vadd.f32 v58, v63;
	v63 =	vmul.f32 v41, v41;
	v47 =	vadd.f32 v55, v60;
	v7 =	vld [tilespmem:s2+$0x0]  }
0x1ea: {  	s22 =	simm.s32 $0x10930;
	v55 =	vmul.f32 v9, v9;
	v54 =	vadd.f32 v54, v2;
	[tilespmem:v3+s21+$0x0] =	vst.idx.add.f32.msk $0xffff, v38  }
0x1eb: {  	v60 =	vmul.f32 v36, v36;
	v46 =	vmul.f32 v37, v37;
	s2 =	sor.u32 s0, s28;
	[tilespmem:v3+s22+$0x0] =	vst.idx.add.f32.msk $0xffff, v35  }
0x1ec: {  	s23 =	simm.s32 $0x10940;
	v0 =	vadd.f32 v0, v54;
	v4 =	vadd.f32 v53, v51;
	v51 =	vmul.f32 v43, v43;
	v8 =	vld [tilespmem:s2+$0x0]  }
0x1ed: {  	v53 =	vadd.f32 v60, v55;
	v55 =	vmul.f32 v44, v44;
	s2 =	sor.u32 s0, s29;
	[tilespmem:v3+s23+$0x0] =	vst.idx.add.f32.msk $0xffff, v6  }
0x1ee: {  	s24 =	simm.s32 $0x10950;
	v46 =	vadd.f32 v61, v46;
	v60 =	vadd.f32 v63, v62;
	v38 =	vmul.f32 v45, v45;
	v2 =	vld [tilespmem:s2+$0x80]  }
0x1ef: {  	s25 =	simm.s32 $0x10960;
	v34 =	vadd.f32 v51, v34;
	v51 =	vadd.f32 v58, v57;
	[tilespmem:v3+s24+$0x0] =	vst.idx.add.f32.msk $0xffff, v5  }
0x1f0: {  	s26 =	simm.s32 $0x10970;
	v4 =	vadd.f32 v53, v4;
	v63 =	vadd.f32 v38, v55;
	[tilespmem:v3+s25+$0x0] =	vst.idx.add.f32.msk $0xffff, v9  }
0x1f1: {  	s28 =	simm.s32 $0x10980;
	v6 =	vadd.f32 v48, v59;
	v5 =	vadd.f32 v56, v47;
	[tilespmem:v3+s26+$0x0] =	vst.idx.add.f32.msk $0xffff, v36  }
0x1f2: {  	s29 =	simm.s32 $0x10990;
	v9 =	vadd.f32 v60, v46;
	v34 =	vadd.f32 v63, v34;
	[tilespmem:v3+s28+$0x0] =	vst.idx.add.f32.msk $0xffff, v37  }
0x1f3: {  	s17 =	simm.s32 $0x109A0;
	v0 =	vadd.f32 v4, v0;
	v6 =	vadd.f32 v50, v6;
	[tilespmem:v3+s29+$0x0] =	vst.idx.add.f32.msk $0xffff, v39  }
0x1f4: {  	s2 =	simm.s32 $0x109B0;
	v5 =	vadd.f32 v51, v5;
	v4 =	vadd.f32 v34, v9;
	[tilespmem:v3+s17+$0x0] =	vst.idx.add.f32.msk $0xffff, v40  }
0x1f5: {  	[tilespmem:v3+s2+$0x0] =	vst.idx.add.f32.msk $0xffff, v41;
	s2 =	simm.s32 $0x109C0  }
0x1f6: {  	v5 =	vadd.f32 v5, v6;
	v0 =	vadd.f32 v4, v0;
	[tilespmem:v3+s2+$0x0] =	vst.idx.add.f32.msk $0xffff, v42;
	s2 =	simm.s32 $0x109D0  }
0x1f7: {  	[tilespmem:v3+s2+$0x0] =	vst.idx.add.f32.msk $0xffff, v43;
	s2 =	simm.s32 $0x109E0  }
0x1f8: {  	v0 =	vadd.f32 v0, v5;
	[tilespmem:v3+s2+$0x0] =	vst.idx.add.f32.msk $0xffff, v44;
	s2 =	simm.s32 $0x109F0  }
0x1f9: {  	[tilespmem:v3+s2+$0x0] =	vst.idx.add.f32.msk $0xffff, v45;
	s2 =	simm.s32 $0x10A00  }
0x1fa: {  	[tilespmem:v3+s2+$0x0] =	vst.idx.add.f32.msk $0xffff, v0  }
0x1fb: {  	s2 =	sld [smem:$0x7F4];
	_ =	sdelay $0x1  }
0x1fc: {  	s31 =	simm.s32 $0x10A10  }
0x1fd: {  	[tilespmem:v3+s31+$0x0] =	vst.idx.add.f32.msk $0xffff, v1;
	s2 =	sor.u32 s0, s2  }
0x1fe: {  	v9 =	vld [tilespmem:s2+$0x0];
	s2 =	sld [smem:$0x7F5];
	_ =	sdelay $0x2  }
0x1ff: {  	s2 =	sor.u32 s0, s2  }
0x200: {  	v4 =	vmul.f32 v31, v31;
	v0 =	vmul.f32 v32, v32;
	v3 =	vld [tilespmem:s2+$0x0];
	s2 =	sld [smem:$0x7F6]  }
0x201: {  	v6 =	vmul.f32 v29, v29;
	v5 =	vmul.f32 v30, v30  }
0x202: {  	v52 =	vmul.f32 v27, v27;
	v0 =	vadd.f32 v4, v0;
	v4 =	vmul.f32 v28, v28  }
0x203: {  	v5 =	vadd.f32 v6, v5;
	s2 =	sor.u32 s0, s2  }
0x204: {  	v54 =	vmul.f32 v24, v24;
	v34 =	vadd.f32 v52, v4;
	s0 =	sor.u32 s0, s1;
	v4 =	vld [tilespmem:s2+$0x0]  }
0x205: {  	v61 =	vmul.f32 v18, v18;
	v62 =	vmul.f32 v17, v17;
	v0 =	vadd.f32 v5, v0;
	v5 =	vld [tilespmem:s0+$0x0]  }
0x206: {  	v53 =	vmul.f32 v25, v25;
	v57 =	vmul.f32 v21, v21;
	[tilespmem:v2+s30+$0x0] =	vst.idx.add.f32.msk $0xffff, v32  }
0x207: {  	v58 =	vmul.f32 v20, v20;
	v55 =	vmul.f32 v23, v23;
	[tilespmem:v2+s3+$0x0] =	vst.idx.add.f32.msk $0xffff, v31  }
0x208: {  	v59 =	vmul.f32 v19, v19;
	v38 =	vmul.f32 v15, v15;
	[tilespmem:v2+s4+$0x0] =	vst.idx.add.f32.msk $0xffff, v30  }
0x209: {  	v56 =	vmul.f32 v22, v22;
	v47 =	vmul.f32 v10, v10;
	[tilespmem:v2+s5+$0x0] =	vst.idx.add.f32.msk $0xffff, v29  }
0x20a: {  	v63 =	vadd.f32 v59, v58;
	v46 =	vmul.f32 v12, v12;
	[tilespmem:v2+s6+$0x0] =	vst.idx.add.f32.msk $0xffff, v28  }
0x20b: {  	v36 =	vadd.f32 v55, v54;
	v60 =	vadd.f32 v57, v56;
	[tilespmem:v2+s10+$0x0] =	vst.idx.add.f32.msk $0xffff, v27  }
0x20c: {  	v50 =	vmul.f32 v33, v33;
	v51 =	vmul.f32 v49, v49;
	[tilespmem:v2+s11+$0x0] =	vst.idx.add.f32.msk $0xffff, v26  }
0x20d: {  	v37 =	vmul.f32 v16, v16;
	v36 =	vadd.f32 v60, v36;
	[tilespmem:v2+s12+$0x0] =	vst.idx.add.f32.msk $0xffff, v25  }
0x20e: {  	v39 =	vadd.f32 v62, v61;
	v40 =	vmul.f32 v14, v14;
	[tilespmem:v2+s13+$0x0] =	vst.idx.add.f32.msk $0xffff, v24  }
0x20f: {  	v58 =	vadd.f32 v51, v50;
	v41 =	vmul.f32 v13, v13;
	v6 =	vmul.f32 v26, v26;
	v44 =	vld [tilespmem:$0x1FFF0]  }
0x210: {  	v42 =	vadd.f32 v39, v63;
	v43 =	vmul.f32 v11, v11;
	[tilespmem:v2+s14+$0x0] =	vst.idx.add.f32.msk $0xffff, v23  }
0x211: {  	v6 =	vadd.f32 v53, v6;
	v53 =	vmul.f32 v8, v8;
	[tilespmem:v2+s15+$0x0] =	vst.idx.add.f32.msk $0xffff, v22  }
0x212: {  	v54 =	vmul.f32 v9, v9;
	v55 =	vmul.f32 v3, v3;
	[tilespmem:v2+s16+$0x0] =	vst.idx.add.f32.msk $0xffff, v21  }
0x213: {  	v52 =	vmul.f32 v7, v7;
	v6 =	vadd.f32 v6, v34;
	[tilespmem:v2+s9+$0x0] =	vst.idx.add.f32.msk $0xffff, v20  }
0x214: {  	v59 =	vadd.f32 v55, v54;
	v28 =	vadd.f32 v38, v37;
	[tilespmem:v2+s8+$0x0] =	vst.idx.add.f32.msk $0xffff, v19  }
0x215: {  	v56 =	vmul.f32 v4, v4;
	v57 =	vmul.f32 v5, v5;
	[tilespmem:v2+s7+$0x0] =	vst.idx.add.f32.msk $0xffff, v18  }
0x216: {  	v26 =	vadd.f32 v41, v40;
	v45 =	vmul.f32 v44, v44;
	[tilespmem:v2+s18+$0x0] =	vst.idx.add.f32.msk $0xffff, v17  }
0x217: {  	v23 =	vadd.f32 v47, v46;
	v20 =	vadd.f32 v53, v52;
	[tilespmem:v2+s19+$0x0] =	vst.idx.add.f32.msk $0xffff, v16  }
0x218: {  	v18 =	vadd.f32 v57, v56;
	v48 =	vadd.f32 v45, v43;
	[tilespmem:v2+s20+$0x0] =	vst.idx.add.f32.msk $0xffff, v15  }
0x219: {  	v60 =	vadd.f32 v26, v28;
	v62 =	vadd.f32 v20, v58;
	[tilespmem:v2+s21+$0x0] =	vst.idx.add.f32.msk $0xffff, v14  }
0x21a: {  	v16 =	vadd.f32 v18, v59;
	v61 =	vadd.f32 v23, v48;
	[tilespmem:v2+s22+$0x0] =	vst.idx.add.f32.msk $0xffff, v13  }
0x21b: {  	v0 =	vadd.f32 v6, v0;
	v6 =	vadd.f32 v42, v36;
	[tilespmem:v2+s23+$0x0] =	vst.idx.add.f32.msk $0xffff, v11  }
0x21c: {  	v63 =	vadd.f32 v16, v62;
	v11 =	vadd.f32 v61, v60;
	[tilespmem:v2+s24+$0x0] =	vst.idx.add.f32.msk $0xffff, v44  }
0x21d: {  	[tilespmem:v2+s25+$0x0] =	vst.idx.add.f32.msk $0xffff, v12  }
0x21e: {  	v0 =	vadd.f32 v6, v0;
	v6 =	vadd.f32 v63, v11;
	[tilespmem:v2+s26+$0x0] =	vst.idx.add.f32.msk $0xffff, v10  }
0x21f: {  	[tilespmem:v2+s28+$0x0] =	vst.idx.add.f32.msk $0xffff, v33  }
0x220: {  	s31 =	simm.s32 $0x0;
	s11 =	simm.s32 $0x20;
	s12 =	simm.s32 $0x100;
	v6 =	vadd.f32 v6, v0;
	[tilespmem:v2+s29+$0x0] =	vst.idx.add.f32.msk $0xffff, v49  }
.LBB2_5:
0x221: {  	s0 =	sand.u32 $0x60, s11;
	s2 =	sand.u32 $0x1C00, s12  }
0x222: {  	s21 =	simm.s32 $0x109B0;
	s5 =	simm.s32 $0x109C0;
	s3 =	sor.u32 $0x8000, s2  }
0x223: {  	s1 =	sor.u32 $0x10, s0;
	s18 =	sor.u32 $0x8080, s2;
	s20 =	sor.u32 $0x8100, s2  }
0x224: {  	s24 =	sor.u32 $0x8180, s2;
	s28 =	sor.u32 $0x8200, s2;
	s6 =	sor.u32 $0x8280, s2  }
0x225: {  	[tilespmem:v2+s17+$0x0] =	vst.idx.add.f32.msk $0xffff, v7;
	s9 =	sor.u32 $0x8300, s2;
	s14 =	sor.u32 $0x8380, s2;
	s17 =	sor.u32 $0xA000, s2  }
0x226: {  	[tilespmem:v2+s21+$0x0] =	vst.idx.add.f32.msk $0xffff, v8;
	s4 =	sor.u32 s0, s3;
	s3 =	sor.u32 s1, s3;
	s19 =	sor.u32 s0, s18  }
0x227: {  	[tilespmem:v2+s5+$0x0] =	vst.idx.add.f32.msk $0xffff, v9;
	s22 =	sor.u32 s1, s18;
	s23 =	sor.u32 s0, s20;
	s25 =	sor.u32 s1, s20  }
0x228: {  	s26 =	sor.u32 s0, s24;
	s29 =	sor.u32 s1, s24;
	[dreg:$0x5] =	wrdreg s4;
	v7 =	vld [tilespmem:s3+$0x0]  }
0x229: {  	s30 =	sor.u32 s0, s28;
	s7 =	sor.u32 s1, s28;
	[dreg:$0x6] =	wrdreg s19;
	v8 =	vld [tilespmem:s22+$0x0]  }
0x22a: {  	s8 =	sor.u32 s0, s6;
	s10 =	sor.u32 s1, s6;
	[dreg:$0x7] =	wrdreg s23;
	v10 =	vld [tilespmem:s25+$0x0]  }
0x22b: {  	s13 =	sor.u32 s0, s9;
	s15 =	sor.u32 s1, s9;
	[dreg:$0x8] =	wrdreg s26;
	v11 =	vld [tilespmem:s29+$0x0]  }
0x22c: {  	s16 =	sor.u32 s0, s14;
	s18 =	sor.u32 s1, s14;
	[dreg:$0x9] =	wrdreg s30;
	v12 =	vld [tilespmem:s7+$0x0]  }
0x22d: {  	s20 =	sor.u32 $0xA080, s2;
	s24 =	sor.u32 $0xA100, s2;
	[dreg:$0xa] =	wrdreg s8;
	v13 =	vld [tilespmem:s10+$0x0]  }
0x22e: {  	s28 =	sor.u32 $0xA180, s2;
	s6 =	sor.u32 $0xA200, s2;
	[dreg:$0xb] =	wrdreg s13;
	v14 =	vld [tilespmem:s15+$0x0]  }
0x22f: {  	s14 =	sor.u32 $0xA380, s2;
	[dreg:$0xc] =	wrdreg s16;
	v15 =	vld [tilespmem:s18+$0x0];
	s22 =	sor.u32 s1, s17  }
0x230: {  	s19 =	sor.u32 s0, s17;
	s23 =	sor.u32 s0, s20;
	s25 =	sor.u32 s1, s20;
	v16 =	vld [tilespmem:s22+$0x0]  }
0x231: {  	s26 =	sor.u32 s0, s24;
	s29 =	sor.u32 s1, s24;
	s30 =	sor.u32 s0, s28;
	v17 =	vld [tilespmem:s25+$0x0]  }
0x232: {  	s7 =	sor.u32 s1, s28;
	s8 =	sor.u32 $0xA280, s2;
	s9 =	sor.u32 s1, s6;
	v18 =	vld [tilespmem:s29+$0x0]  }
0x233: {  	s10 =	sor.u32 $0xA300, s2;
	s16 =	sor.u32 $0xC000, s2;
	[dreg:$0xd] =	wrdreg s19;
	v19 =	vld [tilespmem:s7+$0x0]  }
0x234: {  	s17 =	sor.u32 s1, s14;
	s18 =	sor.u32 $0xC080, s2;
	[dreg:$0xe] =	wrdreg s23;
	v20 =	vld [tilespmem:s9+$0x0]  }
0x235: {  	s28 =	sor.u32 $0xC100, s2;
	[dreg:$0xf] =	wrdreg s26;
	s13 =	sor.u32 s1, s8;
	v23 =	vld [tilespmem:s17+$0x0]  }
0x236: {  	[dreg:$0x10] =	wrdreg s30;
	s22 =	sor.u32 s0, s6;
	s15 =	sor.u32 s1, s10;
	v21 =	vld [tilespmem:s13+$0x0]  }
0x237: {  	s23 =	sor.u32 s0, s8;
	s24 =	sor.u32 s0, s10;
	s26 =	sor.u32 s1, s16;
	v22 =	vld [tilespmem:s15+$0x0]  }
0x238: {  	s25 =	sor.u32 s0, s14;
	s19 =	sor.u32 s0, s16;
	s29 =	sor.u32 s1, s18;
	v24 =	vld [tilespmem:s26+$0x0]  }
0x239: {  	s20 =	sor.u32 s0, s18;
	s30 =	sor.u32 $0xC180, s2;
	s5 =	sor.u32 s1, s28;
	v25 =	vld [tilespmem:s29+$0x0]  }
0x23a: {  	s6 =	sor.u32 $0xC200, s2;
	s8 =	sor.u32 $0xC280, s2;
	v26 =	vld [tilespmem:s5+$0x0];
	s7 =	sor.u32 s1, s30  }
0x23b: {  	s10 =	sor.u32 $0xC300, s2;
	s14 =	sor.u32 $0xC380, s2;
	s9 =	sor.u32 s1, s6;
	v27 =	vld [tilespmem:s7+$0x0]  }
0x23c: {  	s15 =	sor.u32 s0, s28;
	s16 =	sor.u32 s0, s30;
	s13 =	sor.u32 s1, s8;
	v28 =	vld [tilespmem:s9+$0x0]  }
0x23d: {  	s18 =	sor.u32 s0, s6;
	s26 =	sor.u32 s0, s8;
	s17 =	sor.u32 s1, s10;
	v29 =	vld [tilespmem:s13+$0x0]  }
0x23e: {  	s29 =	sshrl.u32 s2, $0x2;
	s6 =	sor.u32 $0xE000, s2;
	s30 =	sor.u32 s1, s14;
	v30 =	vld [tilespmem:s17+$0x0]  }
0x23f: {  	s28 =	sor.u32 s0, s10;
	s5 =	sor.u32 $0x10000, s29;
	v31 =	vld [tilespmem:s30+$0x0];
	s7 =	sor.u32 s1, s6  }
0x240: {  	s8 =	sor.u32 $0xE080, s2;
	s10 =	sor.u32 $0xE100, s2;
	s9 =	sor.u32 s1, s5;
	v32 =	vld [tilespmem:s7+$0x0]  }
0x241: {  	s29 =	sor.u32 s0, s8;
	s4 =	sor.u32 s1, s8;
	s8 =	sor.u32 s0, s10;
	v9 =	vld [tilespmem:s9+$0x80]  }
0x242: {  	s17 =	sor.u32 $0xE180, s2;
	s3 =	sor.u32 s1, s10;
	s10 =	sor.u32 $0xE200, s2;
	v33 =	vld [tilespmem:s4+$0x0]  }
0x243: {  	s13 =	sor.u32 s0, s6;
	v34 =	vld [tilespmem:s3+$0x0];
	s30 =	sor.u32 s1, s17;
	s7 =	sor.u32 s0, s10  }
0x244: {  	s4 =	sor.u32 $0xE280, s2;
	s9 =	sor.u32 s0, s17;
	v35 =	vld [tilespmem:s30+$0x0];
	s17 =	sor.u32 s1, s10  }
0x245: {  	s10 =	sor.u32 s0, s4;
	s30 =	sor.u32 $0xE300, s2;
	s6 =	sor.u32 s1, s4;
	v36 =	vld [tilespmem:s17+$0x0]  }
0x246: {  	s2 =	sor.u32 $0xE380, s2;
	s4 =	sor.u32 s0, s30;
	v37 =	vld [tilespmem:s6+$0x0];
	s30 =	sor.u32 s1, s30  }
0x247: {  	s1 =	sor.u32 s1, s2;
	v39 =	vld [tilespmem:s30+$0x0]  }
0x248: {  	s3 =	sor.u32 s0, s2;
	s2 =	simm.s32 $0x10800;
	v42 =	vld [tilespmem:s1+$0x0]  }
0x249: {  	s6 =	simm.s32 $0x10810;
	[tilespmem:v9+s2+$0x0] =	vst.idx.add.f32.msk $0xffff, v7  }
0x24a: {  	s30 =	simm.s32 $0x10820;
	[tilespmem:v9+s6+$0x0] =	vst.idx.add.f32.msk $0xffff, v8  }
0x24b: {  	s1 =	simm.s32 $0x10830;
	[tilespmem:v9+s30+$0x0] =	vst.idx.add.f32.msk $0xffff, v10  }
0x24c: {  	s2 =	simm.s32 $0x10840;
	[tilespmem:v9+s1+$0x0] =	vst.idx.add.f32.msk $0xffff, v11  }
0x24d: {  	v43 =	vmul.f32 v12, v12;
	s6 =	simm.s32 $0x10850;
	[tilespmem:v9+s2+$0x0] =	vst.idx.add.f32.msk $0xffff, v12  }
0x24e: {  	v51 =	vmul.f32 v25, v25;
	s30 =	simm.s32 $0x10860;
	v12 =	vmul.f32 v24, v24;
	[tilespmem:v9+s6+$0x0] =	vst.idx.add.f32.msk $0xffff, v13  }
0x24f: {  	[tilespmem:v9+s30+$0x0] =	vst.idx.add.f32.msk $0xffff, v14  }
0x250: {  	v45 =	vmul.f32 v14, v14;
	s1 =	simm.s32 $0x10870;
	v12 =	vadd.f32 v51, v12;
	v51 =	vld [tilespmem:s10+$0x0]  }
0x251: {  	v53 =	vmul.f32 v29, v29;
	s2 =	simm.s32 $0x10880;
	v14 =	vmul.f32 v28, v28;
	[tilespmem:v9+s1+$0x0] =	vst.idx.add.f32.msk $0xffff, v15  }
0x252: {  	[tilespmem:v9+s2+$0x0] =	vst.idx.add.f32.msk $0xffff, v16  }
0x253: {  	v0 =	vmul.f32 v7, v7;
	v55 =	vmul.f32 v33, v33;
	s6 =	simm.s32 $0x10890;
	v14 =	vadd.f32 v53, v14;
	v53 =	vld [tilespmem:s4+$0x0]  }
0x254: {  	v7 =	vmul.f32 v16, v16;
	s30 =	simm.s32 $0x108A0;
	v16 =	vmul.f32 v32, v32;
	[tilespmem:v9+s6+$0x0] =	vst.idx.add.f32.msk $0xffff, v17  }
0x255: {  	[tilespmem:v9+s30+$0x0] =	vst.idx.add.f32.msk $0xffff, v18  }
0x256: {  	v38 =	vmul.f32 v8, v8;
	v57 =	vmul.f32 v37, v37;
	s1 =	simm.s32 $0x108B0;
	v16 =	vadd.f32 v55, v16;
	v55 =	vld [tilespmem:s3+$0x0]  }
0x257: {  	v8 =	vmul.f32 v18, v18;
	s2 =	simm.s32 $0x108C0;
	v18 =	vmul.f32 v36, v36;
	[tilespmem:v9+s1+$0x0] =	vst.idx.add.f32.msk $0xffff, v19  }
0x258: {  	s5 =	sor.u32 s0, s5;
	[tilespmem:v9+s2+$0x0] =	vst.idx.add.f32.msk $0xffff, v20  }
0x259: {  	s6 =	simm.s32 $0x108D0;
	v18 =	vadd.f32 v57, v18;
	v57 =	vld [tilespmem:s5+$0x80]  }
0x25a: {  	s30 =	simm.s32 $0x108E0;
	[tilespmem:v9+s6+$0x0] =	vst.idx.add.f32.msk $0xffff, v21  }
0x25b: {  	v40 =	vmul.f32 v10, v10;
	v41 =	vmul.f32 v11, v11;
	[tilespmem:v9+s30+$0x0] =	vst.idx.add.f32.msk $0xffff, v22  }
0x25c: {  	v44 =	vmul.f32 v13, v13;
	v11 =	vmul.f32 v22, v22;
	s1 =	simm.s32 $0x108F0;
	v22 =	vld [tilespmem:s22+$0x0]  }
0x25d: {  	v46 =	vmul.f32 v15, v15;
	v47 =	vmul.f32 v17, v17;
	[tilespmem:v9+s1+$0x0] =	vst.idx.add.f32.msk $0xffff, v23  }
0x25e: {  	v48 =	vmul.f32 v19, v19;
	v50 =	vmul.f32 v23, v23;
	s2 =	simm.s32 $0x10900;
	v23 =	vld [tilespmem:s23+$0x0]  }
0x25f: {  	v0 =	vadd.f32 v38, v0;
	v61 =	vadd.f32 v41, v40;
	[tilespmem:v9+s2+$0x0] =	vst.idx.add.f32.msk $0xffff, v24  }
0x260: {  	v49 =	vmul.f32 v21, v21;
	v62 =	vadd.f32 v44, v43;
	v63 =	vadd.f32 v46, v45;
	s6 =	simm.s32 $0x10910;
	v24 =	vld [tilespmem:s24+$0x0]  }
0x261: {  	v52 =	vmul.f32 v27, v27;
	v54 =	vmul.f32 v31, v31;
	[tilespmem:v9+s6+$0x0] =	vst.idx.add.f32.msk $0xffff, v25  }
0x262: {  	v0 =	vadd.f32 v61, v0;
	v56 =	vmul.f32 v35, v35;
	v60 =	vmul.f32 v39, v39;
	s30 =	simm.s32 $0x10920;
	v25 =	vld [tilespmem:s25+$0x0]  }
0x263: {  	v58 =	vmul.f32 v42, v42;
	v10 =	vmul.f32 v20, v20;
	s1 =	simm.s32 $0x10930;
	[tilespmem:v9+s30+$0x0] =	vst.idx.add.f32.msk $0xffff, v26  }
0x264: {  	v7 =	vadd.f32 v47, v7;
	v8 =	vadd.f32 v48, v8;
	s2 =	simm.s32 $0x10940;
	[tilespmem:v9+s1+$0x0] =	vst.idx.add.f32.msk $0xffff, v27  }
0x265: {  	v10 =	vadd.f32 v49, v10;
	v13 =	vmul.f32 v26, v26;
	s6 =	simm.s32 $0x10950;
	[tilespmem:v9+s2+$0x0] =	vst.idx.add.f32.msk $0xffff, v28  }
0x266: {  	v11 =	vadd.f32 v50, v11;
	v7 =	vadd.f32 v8, v7;
	s30 =	simm.s32 $0x10960;
	[tilespmem:v9+s6+$0x0] =	vst.idx.add.f32.msk $0xffff, v29  }
0x267: {  	v15 =	vmul.f32 v30, v30;
	v13 =	vadd.f32 v52, v13;
	s1 =	simm.s32 $0x10970;
	[tilespmem:v9+s30+$0x0] =	vst.idx.add.f32.msk $0xffff, v30  }
0x268: {  	v8 =	vadd.f32 v11, v10;
	v17 =	vmul.f32 v34, v34;
	s2 =	simm.s32 $0x10980;
	[tilespmem:v9+s1+$0x0] =	vst.idx.add.f32.msk $0xffff, v31  }
0x269: {  	v15 =	vadd.f32 v54, v15;
	v10 =	vadd.f32 v13, v12;
	s6 =	simm.s32 $0x10990;
	[tilespmem:v9+s2+$0x0] =	vst.idx.add.f32.msk $0xffff, v32  }
0x26a: {  	s17 =	simm.s32 $0x109A0;
	v17 =	vadd.f32 v56, v17;
	v19 =	vadd.f32 v58, v60;
	[tilespmem:v9+s6+$0x0] =	vst.idx.add.f32.msk $0xffff, v33  }
0x26b: {  	v11 =	vadd.f32 v15, v14;
	v28 =	vadd.f32 v63, v62;
	[tilespmem:v9+s17+$0x0] =	vst.idx.add.f32.msk $0xffff, v34  }
0x26c: {  	v30 =	vadd.f32 v17, v16;
	v31 =	vadd.f32 v19, v18;
	[tilespmem:v9+s21+$0x0] =	vst.idx.add.f32.msk $0xffff, v35;
	s21 =	simm.s32 $0x109C0  }
0x26d: {  	s14 =	sor.u32 s0, s14;
	s0 =	simm.s32 $0x109D0;
	v7 =	vadd.f32 v8, v7;
	v8 =	vadd.f32 v11, v10;
	[tilespmem:v9+s21+$0x0] =	vst.idx.add.f32.msk $0xffff, v36  }
0x26e: {  	v0 =	vadd.f32 v28, v0;
	v10 =	vadd.f32 v31, v30;
	s21 =	rddreg [dreg:$0x5];
	[tilespmem:v9+s0+$0x0] =	vst.idx.add.f32.msk $0xffff, v37  }
0x26f: {  	s30 =	simm.s32 $0x109E0;
	v16 =	vld [tilespmem:s21+$0x0]  }
0x270: {  	v0 =	vadd.f32 v7, v0;
	v7 =	vadd.f32 v10, v8;
	s21 =	rddreg [dreg:$0x6];
	[tilespmem:v9+s30+$0x0] =	vst.idx.add.f32.msk $0xffff, v39  }
0x271: {  	s6 =	simm.s32 $0x109F0;
	v17 =	vld [tilespmem:s21+$0x0]  }
0x272: {  	v0 =	vadd.f32 v7, v0;
	s21 =	rddreg [dreg:$0x7];
	[tilespmem:v9+s6+$0x0] =	vst.idx.add.f32.msk $0xffff, v42  }
0x273: {  	s2 =	simm.s32 $0x10A00;
	v13 =	vld [tilespmem:s21+$0x0]  }
0x274: {  	s21 =	rddreg [dreg:$0x8];
	[tilespmem:v9+s2+$0x0] =	vst.idx.add.f32.msk $0xffff, v0  }
0x275: {  	v14 =	vld [tilespmem:s21+$0x0];
	s21 =	rddreg [dreg:$0x9]  }
0x276: {  	v10 =	vld [tilespmem:s21+$0x0];
	s21 =	rddreg [dreg:$0xa]  }
0x277: {  	v11 =	vld [tilespmem:s21+$0x0];
	s21 =	rddreg [dreg:$0xb]  }
0x278: {  	v12 =	vld [tilespmem:s21+$0x0];
	s21 =	rddreg [dreg:$0xc]  }
0x279: {  	s1 =	simm.s32 $0x10A10;
	v15 =	vld [tilespmem:s21+$0x0]  }
0x27a: {  	[tilespmem:v9+s1+$0x0] =	vst.idx.add.f32.msk $0xffff, v1;
	s21 =	rddreg [dreg:$0xd]  }
0x27b: {  	v0 =	vmul.f32 v16, v16;
	v7 =	vmul.f32 v17, v17;
	v18 =	vld [tilespmem:s21+$0x0];
	s21 =	rddreg [dreg:$0xe]  }
0x27c: {  	v8 =	vmul.f32 v13, v13;
	v9 =	vmul.f32 v14, v14;
	v19 =	vld [tilespmem:s21+$0x0];
	s21 =	rddreg [dreg:$0xf]  }
0x27d: {  	v0 =	vadd.f32 v7, v0;
	v7 =	vmul.f32 v10, v10;
	v20 =	vld [tilespmem:s21+$0x0];
	v35 =	vmul.f32 v11, v11;
	s21 =	rddreg [dreg:$0x10]  }
0x27e: {  	v8 =	vadd.f32 v9, v8;
	v21 =	vld [tilespmem:s21+$0x0];
	v9 =	vmul.f32 v12, v12;
	v36 =	vmul.f32 v15, v15  }
0x27f: {  	v26 =	vld [tilespmem:s19+$0x0]  }
0x280: {  	v27 =	vld [tilespmem:s20+$0x0];
	v7 =	vadd.f32 v35, v7;
	v9 =	vadd.f32 v36, v9  }
0x281: {  	v40 =	vmul.f32 v23, v23;
	v29 =	vld [tilespmem:s16+$0x0];
	v41 =	vmul.f32 v25, v25;
	v0 =	vadd.f32 v8, v0  }
0x282: {  	v32 =	vld [tilespmem:s18+$0x0];
	v8 =	vmul.f32 v18, v18;
	v37 =	vmul.f32 v19, v19;
	v7 =	vadd.f32 v9, v7  }
0x283: {  	v30 =	vld [tilespmem:s15+$0x0];
	v38 =	vmul.f32 v20, v20;
	v39 =	vmul.f32 v21, v21  }
0x284: {  	v33 =	vld [tilespmem:s14+$0x0];
	v9 =	vmul.f32 v22, v22;
	v0 =	vadd.f32 v7, v0;
	v7 =	vmul.f32 v24, v24  }
0x285: {  	v34 =	vld [tilespmem:s28+$0x0];
	v8 =	vadd.f32 v37, v8;
	v28 =	vadd.f32 v39, v38  }
0x286: {  	v35 =	vld [tilespmem:s29+$0x0];
	v9 =	vadd.f32 v40, v9;
	v7 =	vadd.f32 v41, v7  }
0x287: {  	v37 =	vld [tilespmem:s13+$0x0]  }
0x288: {  	v8 =	vadd.f32 v28, v8;
	v28 =	vld [tilespmem:s26+$0x0];
	v9 =	vadd.f32 v7, v9  }
0x289: {  	v7 =	vld [tilespmem:s8+$0x0]  }
0x28a: {  	v48 =	vadd.f32 v9, v8;
	v8 =	vld [tilespmem:s9+$0x0]  }
0x28b: {  	v9 =	vld [tilespmem:s7+$0x0]  }
0x28c: {  	[tilespmem:v2+s0+$0x0] =	vst.idx.add.f32.msk $0xffff, v3  }
0x28d: {  	[tilespmem:v2+s30+$0x0] =	vst.idx.add.f32.msk $0xffff, v4  }
0x28e: {  	[tilespmem:v2+s6+$0x0] =	vst.idx.add.f32.msk $0xffff, v5  }
0x28f: {  	[tilespmem:v2+s2+$0x0] =	vst.idx.add.f32.msk $0xffff, v6  }
0x290: {  	s25 =	simm.s32 $0x10800;
	[tilespmem:v2+s1+$0x0] =	vst.idx.add.f32.msk $0xffff, v1  }
0x291: {  	s26 =	simm.s32 $0x10810;
	[tilespmem:v57+s25+$0x0] =	vst.idx.add.f32.msk $0xffff, v16  }
0x292: {  	s28 =	simm.s32 $0x10820;
	[tilespmem:v57+s26+$0x0] =	vst.idx.add.f32.msk $0xffff, v17  }
0x293: {  	s29 =	simm.s32 $0x10830;
	[tilespmem:v57+s28+$0x0] =	vst.idx.add.f32.msk $0xffff, v13  }
0x294: {  	s30 =	simm.s32 $0x10840;
	[tilespmem:v57+s29+$0x0] =	vst.idx.add.f32.msk $0xffff, v14  }
0x295: {  	s6 =	simm.s32 $0x10850;
	[tilespmem:v57+s30+$0x0] =	vst.idx.add.f32.msk $0xffff, v10  }
0x296: {  	v60 =	vmul.f32 v51, v51;
	s7 =	simm.s32 $0x10860;
	[tilespmem:v57+s6+$0x0] =	vst.idx.add.f32.msk $0xffff, v11  }
0x297: {  	v43 =	vmul.f32 v27, v27;
	v45 =	vmul.f32 v29, v29;
	s8 =	simm.s32 $0x10870;
	[tilespmem:v57+s7+$0x0] =	vst.idx.add.f32.msk $0xffff, v12  }
0x298: {  	v44 =	vmul.f32 v30, v30;
	v42 =	vmul.f32 v26, v26;
	s9 =	simm.s32 $0x10880;
	[tilespmem:v57+s8+$0x0] =	vst.idx.add.f32.msk $0xffff, v15  }
0x299: {  	s10 =	simm.s32 $0x10890;
	v61 =	vmul.f32 v53, v53;
	v62 =	vmul.f32 v55, v55;
	[tilespmem:v57+s9+$0x0] =	vst.idx.add.f32.msk $0xffff, v18  }
0x29a: {  	v31 =	vadd.f32 v43, v42;
	v36 =	vadd.f32 v45, v44;
	s13 =	simm.s32 $0x108A0;
	[tilespmem:v57+s10+$0x0] =	vst.idx.add.f32.msk $0xffff, v19  }
0x29b: {  	s14 =	simm.s32 $0x108B0;
	v46 =	vmul.f32 v32, v32;
	v50 =	vmul.f32 v33, v33;
	v2 =	vmov v57;
	[tilespmem:v57+s13+$0x0] =	vst.idx.add.f32.msk $0xffff, v20  }
0x29c: {  	s15 =	simm.s32 $0x108C0;
	v49 =	vmul.f32 v34, v34;
	v31 =	vadd.f32 v36, v31;
	[tilespmem:v57+s14+$0x0] =	vst.idx.add.f32.msk $0xffff, v21  }
0x29d: {  	s16 =	simm.s32 $0x108D0;
	v36 =	vadd.f32 v62, v61;
	v54 =	vmul.f32 v35, v35;
	[tilespmem:v57+s15+$0x0] =	vst.idx.add.f32.msk $0xffff, v22  }
0x29e: {  	s18 =	simm.s32 $0x108E0;
	v41 =	vadd.f32 v50, v49;
	v52 =	vmul.f32 v37, v37;
	[tilespmem:v57+s16+$0x0] =	vst.idx.add.f32.msk $0xffff, v23  }
0x29f: {  	s19 =	simm.s32 $0x108F0;
	v47 =	vmul.f32 v28, v28;
	v56 =	vmul.f32 v7, v7;
	[tilespmem:v57+s18+$0x0] =	vst.idx.add.f32.msk $0xffff, v24  }
0x2a0: {  	s20 =	simm.s32 $0x10900;
	v58 =	vmul.f32 v8, v8;
	v59 =	vmul.f32 v9, v9;
	[tilespmem:v2+s19+$0x0] =	vst.idx.add.f32.msk $0xffff, v25  }
0x2a1: {  	s21 =	simm.s32 $0x10910;
	v40 =	vadd.f32 v54, v52;
	v39 =	vadd.f32 v47, v46;
	[tilespmem:v2+s20+$0x0] =	vst.idx.add.f32.msk $0xffff, v26  }
0x2a2: {  	s22 =	simm.s32 $0x10920;
	v44 =	vadd.f32 v58, v56;
	v63 =	vadd.f32 v60, v59;
	[tilespmem:v2+s21+$0x0] =	vst.idx.add.f32.msk $0xffff, v27  }
0x2a3: {  	s23 =	simm.s32 $0x10930;
	v39 =	vadd.f32 v41, v39;
	[tilespmem:v2+s22+$0x0] =	vst.idx.add.f32.msk $0xffff, v30  }
0x2a4: {  	s31 =	sadd.s32 $0x2, s31;
	s24 =	simm.s32 $0x10940;
	v40 =	vadd.f32 v44, v40;
	v6 =	vadd.f32 v36, v63;
	[tilespmem:v2+s23+$0x0] =	vst.idx.add.f32.msk $0xffff, v29  }
0x2a5: {  	p0 =	slt.u32 s31, $0x3E;
	s25 =	simm.s32 $0x10950;
	[tilespmem:v2+s24+$0x0] =	vst.idx.add.f32.msk $0xffff, v32  }
.Ltmp1:
0x2a6: {  	s26 =	simm.s32 $0x10960;
	v31 =	vadd.f32 v39, v31;
	v6 =	vadd.f32 v6, v40;
	[tilespmem:v2+s25+$0x0] =	vst.idx.add.f32.msk $0xffff, v28;
	(pc) =	sbr.rel @p0 .LBB2_5-.Ltmp1, $4  }
0x2a7: {  	s28 =	simm.s32 $0x10970;
	[tilespmem:v2+s26+$0x0] =	vst.idx.add.f32.msk $0xffff, v34  }
0x2a8: {  	s11 =	sadd.s32 $0x20, s11;
	s12 =	sadd.s32 $0x100, s12;
	v0 =	vadd.f32 v48, v0;
	s29 =	simm.s32 $0x10980;
	v6 =	vadd.f32 v6, v31;
	[tilespmem:v2+s28+$0x0] =	vst.idx.add.f32.msk $0xffff, v33  }
0x2a9: {  	s4 =	simm.s32 $0x109D0;
	s3 =	simm.s32 $0x10A00;
	s30 =	simm.s32 $0x10990;
	[tilespmem:v2+s29+$0x0] =	vst.idx.add.f32.msk $0xffff, v37  }
0x2aa: {  	s5 =	simm.s32 $0x109E0;
	v3 =	vmovc v51;
	s0 =	simm.s32 $0x109F0;
	v4 =	vmov v53;
	v5 =	vmov v55;
	s2 =	simm.s32 $0x10A10;
	v6 =	vadd.f32 v6, v0;
	[tilespmem:v2+s30+$0x0] =	vst.idx.add.f32.msk $0xffff, v35  }
0x2ab: {  	_ =	sdelay $0x3  }
0x2ac: {  	[tilespmem:v2+s17+$0x0] =	vst.idx.add.f32.msk $0xffff, v7;
	s1 =	simm.s32 $0x109B0  }
0x2ad: {  	s30 =	simm.s32 $0x109C0;
	[tilespmem:v2+s1+$0x0] =	vst.idx.add.f32.msk $0xffff, v8  }
0x2ae: {  	[tilespmem:v2+s30+$0x0] =	vst.idx.add.f32.msk $0xffff, v9  }
0x2af: {  	[tilespmem:v2+s4+$0x0] =	vst.idx.add.f32.msk $0xffff, v3  }
0x2b0: {  	[tilespmem:v2+s5+$0x0] =	vst.idx.add.f32.msk $0xffff, v4  }
0x2b1: {  	[tilespmem:v2+s0+$0x0] =	vst.idx.add.f32.msk $0xffff, v5  }
0x2b2: {  	s0 =	sld [smem:$0x7F7];
	_ =	sdelay $0x2  }
0x2b3: {  	s0 =	sadd.s32 $0x1, s0  }
0x2b4: {  	p0 =	sne.s32 s0, $0x10  }
.Ltmp2:
0x2b5: {  	_ = 	snop;
	(pc) =	sbr.rel @p0 .LBB2_2-.Ltmp2, $3  }
0x2b6: {  	_ =	sdelay $0x1  }
0x2b7: {  	[tilespmem:v2+s3+$0x0] =	vst.idx.add.f32.msk $0xffff, v6  }
0x2b8: {  	s31 =	simm.s32 $0x10800;
	[tilespmem:v2+s2+$0x0] =	vst.idx.add.f32.msk $0xffff, v1  }
0x2b9: {  	s0 =	rddreg [dreg:$0x1a]  }
0x2ba: {  	s1 =	simm.s32 $0x80;
	s2 =	simm.s32 $0x400;
	s28 =	simm.s32 $0x5  }
0x2bb: {  	[hbm4b:s0+s1] =	stream.strided.scatter [tilespmem:s31], [sflag:$0x5], $0x280, s2, s1, $0x38;
	[tilespmem:$0x10A80] =	vst v63  }
0x2bc: {  	_ =	swait.ge [sflag:s28], $0x280  }
0x2bd: {  	s29 =	sld [smem:$0x7F9];
	_ =	sdelay $0x2  }
0x2be: {  	s30 =	rddreg [dreg:$0x1b];
	s2 =	sadd.s32 $0x1, s29  }
0x2bf: {  	p0 =	sne.s32 s2, s30  }
.Ltmp3:
0x2c0: {  	_ = 	snop;
	(pc) =	sbr.rel @p0 .LBB2_1-.Ltmp3, $3  }
0x2c1: {  	_ =	sdelay $0x1  }
0x2c2: {  	[sflag:s28] =	ssyncset.done $0x0  }
0x2c3: {  	[sflag:s28] =	ssyncadd.s32 $0xFFFFFD80  }
0x2c4: {  	_ =	sfence.sel $0x180000  }
0x2c5: {  	[bflag:$0x0] =	sbarrier.arrive $0xFFFF  }
0x2c6: {  	_ =	strace $0x90000047  }
0x2c7: {  	s0 =	stileid.u32;
	[bflag:$0x2] =	sbarrier.arrive $0xFFFF  }
0x2c8: {  	p0 =	sne.s32 s0, $0x0;
	s0 =	rddreg [dreg:$0x3]  }
0x2c9: {  	s0 =	sadd.s32 @!p0 $0x100000, s0  }
0x2ca: {  	[sflag:s0] =	ssyncadd.tile.s32 @!p0 $0x1;
	_ =	shalt  }
.Lfunc_end2:
_tile_overlayer_lowered:
.L_overlay_start_2:
0x2cb: {  	(tag) =	ssettag $0x2  }
0x2cc: {  	s0 =	rddreg [dreg:$0x0];
	s2 =	stileid.u32  }
0x2cd: {  	s1 =	rddreg [dreg:$0x1];
	p0 =	sne.s32 s2, $0x0  }
0x2ce: {  	s3 =	rddreg [dreg:$0x2];
	[bflag:$0x3] =	sbarrier.arrive $0xFFFF;
	s2 =	simm.s32 @!p0 $0x1C05  }
0x2cf: {  	[timem:s3], [sflag:s2] =	dma.local @!p0 [hbm:s0], s1  }
0x2d0: {  	s0 =	simm.s32 @!p0 $0x5  }
0x2d1: {  	_ =	swait.ge @!p0 [sflag:s0], s1  }
0x2d2: {  	s1 =	ssub.s32 @!p0 $0x0, s1;
	[sflag:s0] =	ssyncset.done @!p0 $0x0  }
0x2d3: {  	[sflag:s0] =	ssyncadd.s32 @!p0 s1  }
0x2d4: {  	[bflag:$0x3] =	sbarrier.arrive $0xFFFF  }
0x2d5: {  	_ =	shalt  }

</sc_bundles>
